<compile_context>
chip_gen: v7x
topology: tpu7x:2x2x1
jax: 0.10.2.dev20260603
libtpu: 0.0.44.dev20260713+nightly
codegen_flags: <defaults>
</compile_context>

<pallas_src>
import functools
import jax
import jax.numpy as jnp
from jax import lax
from jax.experimental import pallas as pl
from jax.experimental.pallas import tpu as pltpu
from jax.experimental.pallas import tpu_sc as plsc

N = 10000
NPAD = 10240
IN_C = 128
HID = 128
OUT_C = 64
BN_EPS = 1e-5

NC, NS = 2, 16
NW = NC * NS
CHUNK = 128
CPT = 80
HCPT = 32
CPT_A = 128
CPT_B = 32
EPAD = NW * CPT * CHUNK
ROWS_PT = NPAD // NS


def _sc_mesh():
    return plsc.VectorSubcoreMesh(core_axis_name="c", subcore_axis_name="s")


def _deg_body(col_hbm, out_hbm, col_v, ones_v, zbuf_v, acc):
    c = lax.axis_index("c")
    s = lax.axis_index("s")
    w = c * NS + s
    pltpu.sync_copy(col_hbm.at[pl.ds(w * CPT, CPT)], col_v)
    one16 = jnp.ones((16,), jnp.float32)
    zero16 = jnp.zeros((16,), jnp.float32)
    for i in range(CHUNK // 16):
        ones_v[pl.ds(i * 16, 16)] = one16

    def zb(i, _):
        zbuf_v[pl.ds(i * 16, 16)] = zero16
        return 0
    lax.fori_loop(0, ROWS_PT // 16, zb, 0)
    pltpu.sync_copy(zbuf_v, acc.at[pl.ds(s * ROWS_PT, ROWS_PT)])
    plsc.subcore_barrier()

    def step(j, _):
        pltpu.sync_copy(ones_v, acc.at[col_v.at[j]], add=True)
        return 0
    lax.fori_loop(0, CPT, step, 0)
    plsc.subcore_barrier()
    pltpu.sync_copy(acc.at[pl.ds(s * ROWS_PT, ROWS_PT)],
                    out_hbm.at[pl.ds(c * NPAD + s * ROWS_PT, ROWS_PT)])


def _sc_degree(col2d):
    return pl.kernel(
        _deg_body,
        out_type=jax.ShapeDtypeStruct((NC * NPAD,), jnp.float32),
        mesh=_sc_mesh(),
        scratch_types=[
            pltpu.VMEM((CPT, CHUNK), jnp.int32),
            pltpu.VMEM((CHUNK,), jnp.float32),
            pltpu.VMEM((ROWS_PT,), jnp.float32),
            pltpu.VMEM_SHARED((NPAD,), jnp.float32),
        ],
    )(col2d)


def _scat_body(d, y_hbm, row_hbm, col_hbm, out_hbm,
               row_v, col_v, g0, g1, acc, semg0, semg1, sems0, sems1):
    c = lax.axis_index("c")
    s = lax.axis_index("s")
    w = c * NS + s

    zero16 = jnp.zeros((16,), jnp.float32)

    def zb(i, _):
        r = i // (d // 16)
        k = i % (d // 16)
        g0[r, pl.ds(k * 16, 16)] = zero16
        return 0
    lax.fori_loop(0, CHUNK * d // 16, zb, 0)
    for k in range(ROWS_PT // CHUNK):
        pltpu.sync_copy(g0, acc.at[pl.ds(s * ROWS_PT + k * CHUNK, CHUNK)])
    plsc.subcore_barrier()

    nh = jnp.where(c == 0, CPT_A // HCPT, CPT_B // HCPT)
    cbase = jnp.where(c == 0, s * CPT_A, NS * CPT_A + s * CPT_B)

    def half(h, _):
        hb = pl.multiple_of(cbase + h * HCPT, 8)
        pltpu.sync_copy(row_hbm.at[pl.ds(hb, HCPT)], row_v)
        pltpu.sync_copy(col_hbm.at[pl.ds(hb, HCPT)], col_v)
        pltpu.async_copy(y_hbm.at[row_v.at[0]], g0, semg0)
        pltpu.async_copy(y_hbm.at[row_v.at[1]], g1, semg1)

        def step(k, _):
            pltpu.make_async_copy(y_hbm.at[row_v.at[2 * k]], g0, semg0).wait()
            pltpu.sync_copy(g0, acc.at[col_v.at[2 * k]], add=True)

            @pl.when(k < HCPT // 2 - 1)
            def _():
                pltpu.async_copy(y_hbm.at[row_v.at[2 * k + 2]], g0, semg0)
            pltpu.make_async_copy(y_hbm.at[row_v.at[2 * k + 1]], g1,
                                  semg1).wait()
            pltpu.sync_copy(g1, acc.at[col_v.at[2 * k + 1]], add=True)

            @pl.when(k < HCPT // 2 - 1)
            def _():
                pltpu.async_copy(y_hbm.at[row_v.at[2 * k + 3]], g1, semg1)
            return 0
        lax.fori_loop(0, HCPT // 2, step, 0)
        return 0
    lax.fori_loop(0, nh, half, 0)
    plsc.subcore_barrier()
    pltpu.sync_copy(acc.at[pl.ds(s * ROWS_PT, ROWS_PT)],
                    out_hbm.at[c, pl.ds(s * ROWS_PT, ROWS_PT)])


def _sc_scatter(y, row2d, col2d, d):
    return pl.kernel(
        functools.partial(_scat_body, d),
        out_type=jax.ShapeDtypeStruct((NC, NPAD, d), jnp.float32),
        mesh=_sc_mesh(),
        scratch_types=[
            pltpu.VMEM((HCPT, CHUNK), jnp.int32),
            pltpu.VMEM((HCPT, CHUNK), jnp.int32),
            pltpu.VMEM((CHUNK, d), jnp.float32),
            pltpu.VMEM((CHUNK, d), jnp.float32),
            pltpu.VMEM_SHARED((NPAD, d), jnp.float32),
            pltpu.SemaphoreType.DMA,
            pltpu.SemaphoreType.DMA,
            pltpu.SemaphoreType.DMA,
            pltpu.SemaphoreType.DMA,
        ],
    )(y, row2d, col2d)


RB = 256
GRID = NPAD // RB


def _dinv_body(dref, oref):
    d = dref[0, :] + dref[1, :] + 1.0
    oref[...] = lax.rsqrt(d)


def _tc_dinv(degpair):
    return pl.pallas_call(
        _dinv_body,
        out_shape=jax.ShapeDtypeStruct((NPAD,), jnp.float32),
    )(degpair)


def _mm1_body(xref, wref, dref, oref):
    xw = jnp.dot(xref[...], wref[...], preferred_element_type=jnp.float32)
    oref[...] = xw * dref[...][:, None]


def _tc_mm1(xp, W1, dinv):
    return pl.pallas_call(
        _mm1_body,
        grid=(GRID,),
        in_specs=[
            pl.BlockSpec((RB, IN_C), lambda i: (i, 0)),
            pl.BlockSpec((IN_C, HID), lambda i: (0, 0)),
            pl.BlockSpec((RB,), lambda i: (i,)),
        ],
        out_specs=pl.BlockSpec((RB, HID), lambda i: (i, 0)),
        out_shape=jax.ShapeDtypeStruct((NPAD, HID), jnp.float32),
    )(xp, W1, dinv)


def _fuse_body(a0, a1, yref, dref, bref, mref, vref, gref, betaref, wref,
               oref):
    dv = dref[...][:, None]
    t = (a0[0] + a1[0] + yref[...]) * dv + bref[...][None, :]
    scale = gref[...] * lax.rsqrt(vref[...] + BN_EPS)
    shift = betaref[...] - mref[...] * scale
    h = jnp.maximum(t * scale[None, :] + shift[None, :], 0.0)
    o = jnp.dot(h, wref[...], preferred_element_type=jnp.float32)
    oref[...] = o * dv


def _tc_fuse(accpair, y, dinv, b, m, v, g, beta, W):
    din = y.shape[1]
    dout = W.shape[1]
    return pl.pallas_call(
        _fuse_body,
        grid=(GRID,),
        in_specs=[
            pl.BlockSpec((1, RB, din), lambda i: (0, i, 0)),
            pl.BlockSpec((1, RB, din), lambda i: (1, i, 0)),
            pl.BlockSpec((RB, din), lambda i: (i, 0)),
            pl.BlockSpec((RB,), lambda i: (i,)),
            pl.BlockSpec((din,), lambda i: (0,)),
            pl.BlockSpec((din,), lambda i: (0,)),
            pl.BlockSpec((din,), lambda i: (0,)),
            pl.BlockSpec((din,), lambda i: (0,)),
            pl.BlockSpec((din,), lambda i: (0,)),
            pl.BlockSpec((din, dout), lambda i: (0, 0)),
        ],
        out_specs=pl.BlockSpec((RB, dout), lambda i: (i, 0)),
        out_shape=jax.ShapeDtypeStruct((NPAD, dout), jnp.float32),
    )(accpair, accpair, y, dinv, b, m, v, g, beta, W)


def _final_body(a0, a1, yref, dref, bref, oref):
    dv = dref[...][:, None]
    t = (a0[0] + a1[0] + yref[...]) * dv + bref[...][None, :]
    t = t[:, :OUT_C]
    mx = jnp.max(t, axis=-1, keepdims=True)
    e = jnp.exp(t - mx)
    lse = jnp.log(jnp.sum(e, axis=-1, keepdims=True)) + mx
    oref[...] = t - lse


def _tc_final(accpair, y, dinv, b):
    din = y.shape[1]
    return pl.pallas_call(
        _final_body,
        grid=(GRID,),
        in_specs=[
            pl.BlockSpec((1, RB, din), lambda i: (0, i, 0)),
            pl.BlockSpec((1, RB, din), lambda i: (1, i, 0)),
            pl.BlockSpec((RB, din), lambda i: (i, 0)),
            pl.BlockSpec((RB,), lambda i: (i,)),
            pl.BlockSpec((din,), lambda i: (0,)),
        ],
        out_specs=pl.BlockSpec((RB, OUT_C), lambda i: (i, 0)),
        out_shape=jax.ShapeDtypeStruct((NPAD, OUT_C), jnp.float32),
    )(accpair, accpair, y, dinv, b)


def kernel(x, edge_index, relations, W1, b1, W2, b2, W3, b3,
           bn1_mean, bn1_var, bn1_g, bn1_b, bn2_mean, bn2_var, bn2_g, bn2_b):
    del relations
    E = edge_index.shape[1]
    pad = EPAD - E
    row2d = jnp.concatenate(
        [edge_index[0], jnp.zeros((pad,), jnp.int32)]).reshape(-1, CHUNK)
    trash = N + jnp.arange(pad, dtype=jnp.int32) % (NPAD - N)
    col2d = jnp.concatenate([edge_index[1], trash]).reshape(-1, CHUNK)
    xp = jnp.pad(x, ((0, NPAD - N), (0, 0)))

    degpair = _sc_degree(col2d).reshape(NC, NPAD)
    dinv = _tc_dinv(degpair)

    y1 = _tc_mm1(xp, W1, dinv)
    acc1 = _sc_scatter(y1, row2d, col2d, HID)
    y2 = _tc_fuse(acc1, y1, dinv, b1, bn1_mean, bn1_var, bn1_g, bn1_b, W2)
    acc2 = _sc_scatter(y2, row2d, col2d, HID)
    W3p = jnp.pad(W3, ((0, 0), (0, HID - OUT_C)))
    b3p = jnp.pad(b3, (0, HID - OUT_C))
    y3 = _tc_fuse(acc2, y2, dinv, b2, bn2_mean, bn2_var, bn2_g, bn2_b, W3p)
    acc3 = _sc_scatter(y3, row2d, col2d, HID)
    z = _tc_final(acc3, y3, dinv, b3p)
    return z[:N]

# --- scband reference (transcript-rebuilt; emitter-appended) ---
"""Pipeline reference for scband-kenn-gcn-18992345383146 (READ-ONLY COPY).

The authoritative reference and input builder live on the scoring server;
editing this copy changes nothing except your own understanding.
"""

import jax, jax.numpy as jnp
import numpy as np

N = 10000
E = 320000
IN_C = 128
HID = 128
OUT_C = 64
BN_EPS = 1e-5


def setup_inputs(seed: int = 0) -> dict:
    key = jax.random.key(seed)
    ks = jax.random.split(key, 16)
    x = jax.random.normal(ks[0], (N, IN_C), dtype=jnp.float32)
    edge_index = jax.random.randint(ks[1], (2, E), 0, N, dtype=jnp.int32)
    relations = jax.random.normal(ks[2], (E, 4), dtype=jnp.float32)
    # GCNConv weights (Glorot-ish scaled normal) and biases
    W1 = jax.random.normal(ks[3], (IN_C, HID), dtype=jnp.float32) * (1.0 / np.sqrt(IN_C))
    b1 = jnp.zeros((HID,), dtype=jnp.float32)
    W2 = jax.random.normal(ks[4], (HID, HID), dtype=jnp.float32) * (1.0 / np.sqrt(HID))
    b2 = jnp.zeros((HID,), dtype=jnp.float32)
    W3 = jax.random.normal(ks[5], (HID, OUT_C), dtype=jnp.float32) * (1.0 / np.sqrt(HID))
    b3 = jnp.zeros((OUT_C,), dtype=jnp.float32)
    # BatchNorm1d params / running stats (eval mode)
    bn1_mean = jnp.zeros((HID,), dtype=jnp.float32)
    bn1_var = jnp.ones((HID,), dtype=jnp.float32)
    bn1_g = jnp.ones((HID,), dtype=jnp.float32)
    bn1_b = jnp.zeros((HID,), dtype=jnp.float32)
    bn2_mean = jnp.zeros((HID,), dtype=jnp.float32)
    bn2_var = jnp.ones((HID,), dtype=jnp.float32)
    bn2_g = jnp.ones((HID,), dtype=jnp.float32)
    bn2_b = jnp.zeros((HID,), dtype=jnp.float32)
    return {
        "x": x, "edge_index": edge_index, "relations": relations,
        "W1": W1, "b1": b1, "W2": W2, "b2": b2, "W3": W3, "b3": b3,
        "bn1_mean": bn1_mean, "bn1_var": bn1_var, "bn1_g": bn1_g, "bn1_b": bn1_b,
        "bn2_mean": bn2_mean, "bn2_var": bn2_var, "bn2_g": bn2_g, "bn2_b": bn2_b,
    }


def _gcn_conv(x, edge_index, W, b):
    # PyG GCNConv with add_self_loops=True, symmetric normalization
    n = x.shape[0]
    loop = jnp.arange(n, dtype=edge_index.dtype)
    row = jnp.concatenate([edge_index[0], loop])
    col = jnp.concatenate([edge_index[1], loop])
    ew = jnp.ones(row.shape[0], dtype=x.dtype)
    deg = jnp.zeros((n,), dtype=x.dtype).at[col].add(ew)
    deg_inv_sqrt = jnp.where(deg > 0, 1.0 / jnp.sqrt(deg), 0.0)
    norm = deg_inv_sqrt[row] * ew * deg_inv_sqrt[col]
    xw = x @ W
    msg = jnp.take(xw, row, axis=0) * norm[:, None]
    out = jnp.zeros((n, W.shape[1]), dtype=x.dtype).at[col].add(msg)
    return out + b


def _bn_eval(x, mean, var, g, b):
    return (x - mean) / jnp.sqrt(var + BN_EPS) * g + b


def reference(x, edge_index, relations, W1, b1, W2, b2, W3, b3,
              bn1_mean, bn1_var, bn1_g, bn1_b, bn2_mean, bn2_var, bn2_g, bn2_b):
    # GCN base forward (eval mode: dropout identity, BN uses running stats)
    h = _gcn_conv(x, edge_index, W1, b1)
    h = _bn_eval(h, bn1_mean, bn1_var, bn1_g, bn1_b)
    h = jax.nn.relu(h)
    h = _gcn_conv(h, edge_index, W2, b2)
    h = _bn_eval(h, bn2_mean, bn2_var, bn2_g, bn2_b)
    h = jax.nn.relu(h)
    z = _gcn_conv(h, edge_index, W3, b3)
    z = jax.nn.log_softmax(z, axis=-1)
    # num_kenn_layers=0: kenn loop is empty; final log_softmax from KENN_GCN.forward
    z = jax.nn.log_softmax(z, axis=-1)
    return z

if __name__ == "__main__":
    import jax
    _d = setup_inputs()
    print(jax.jit(kernel)(*tuple(_d.values())))

</pallas_src>

<mosaic_0001>
#map = affine_map<(d0, d1) -> (0, 0)>
#map1 = affine_map<(d0, d1) -> (0, 0, 0)>
module attributes {stable_mosaic.version = 14 : i64} {
  func.func @_scat_body(%arg0: i32, %arg1: i32, %arg2: memref<10240x128xf32, #tpu.memory_space<hbm>>, %arg3: memref<2560x128xi32, #tpu.memory_space<hbm>>, %arg4: memref<2560x128xi32, #tpu.memory_space<hbm>>, %arg5: memref<2x10240x128xf32, #tpu.memory_space<hbm>>, %arg6: memref<32x128xi32, #tpu.memory_space<vmem>>, %arg7: memref<32x128xi32, #tpu.memory_space<vmem>>, %arg8: memref<128x128xf32, #tpu.memory_space<vmem>>, %arg9: memref<128x128xf32, #tpu.memory_space<vmem>>, %arg10: memref<10240x128xf32, #tpu.memory_space<vmem_shared>>, %arg11: memref<!tpu.dma_semaphore, #tpu.memory_space<semaphore_mem>>, %arg12: memref<!tpu.dma_semaphore, #tpu.memory_space<semaphore_mem>>, %arg13: memref<!tpu.dma_semaphore, #tpu.memory_space<semaphore_mem>>, %arg14: memref<!tpu.dma_semaphore, #tpu.memory_space<semaphore_mem>>) attributes {dimension_semantics = [#tpu.dimension_semantics<core_parallel>, #tpu.dimension_semantics<subcore_parallel>], iteration_bounds = array<i64: 2, 16>, scalar_prefetch = 0 : i64, scratch_operands = 9 : i64, tpu.core_type = #tpu.core_type<sc_vector_subcore>, window_params = [{transform_indices = #map}, {transform_indices = #map}, {transform_indices = #map}, {transform_indices = #map1}]} {
    %mul3A = arith.constant 16 : i32
    %mul3A_0 = arith.muli %arg0, %mul3A : i32
    %add3A = arith.addi %mul3A_0, %arg1 : i32
    %broadcast_in_dim3A = arith.constant 0.000000e+00 : f32
    %broadcast_in_dim3A_1 = vector.broadcast %broadcast_in_dim3A : f32 to vector<16xf32>
    %scan3A = arith.constant 0 : i32
    %scan3A_2 = arith.constant 0 : i32
    %scan3A_3 = arith.constant 1024 : i32
    %scan3A_4 = arith.addi %scan3A_2, %scan3A_3 : i32
    %scan3A_5 = arith.constant 1 : i32
    %scan3A_6 = scf.for %scan3A_55 = %scan3A_2 to %scan3A_4 step %scan3A_5 iter_args(%scan3A_56 = %scan3A) -> (i32)  : i32 {
      %jit3A_57 = arith.constant 8 : i32
      %div3A = arith.divsi %scan3A_55, %jit3A_57 : i32
      %sign3A = arith.constant 0 : i32
      %sign3A_58 = arith.cmpi sgt, %scan3A_55, %sign3A : i32
      %sign3A_59 = arith.extui %sign3A_58 : i1 to i32
      %sign3A_60 = arith.constant 0 : i32
      %sign3A_61 = arith.cmpi slt, %scan3A_55, %sign3A_60 : i32
      %sign3A_62 = arith.extui %sign3A_61 : i1 to i32
      %sign3A_63 = arith.subi %sign3A_59, %sign3A_62 : i32
      %sign3A_64 = arith.constant 0 : i32
      %sign3A_65 = arith.cmpi sgt, %jit3A_57, %sign3A_64 : i32
      %sign3A_66 = arith.extui %sign3A_65 : i1 to i32
      %sign3A_67 = arith.constant 0 : i32
      %sign3A_68 = arith.cmpi slt, %jit3A_57, %sign3A_67 : i32
      %sign3A_69 = arith.extui %sign3A_68 : i1 to i32
      %sign3A_70 = arith.subi %sign3A_66, %sign3A_69 : i32
      %ne3A = arith.cmpi ne, %sign3A_63, %sign3A_70 : i32
      %rem3A = arith.remsi %scan3A_55, %jit3A_57 : i32
      %ne3A_71 = arith.constant 0 : i32
      %ne3A_72 = arith.cmpi ne, %rem3A, %ne3A_71 : i32
      %and3A = arith.andi %ne3A, %ne3A_72 : i1
      %sub3A = arith.constant 1 : i32
      %sub3A_73 = arith.subi %div3A, %sub3A : i32
      %select_n3A_74 = arith.select %and3A, %sub3A_73, %div3A : i32
      %jit3A_75 = arith.constant 8 : i32
      %eq3A_76 = arith.constant 0 : i32
      %eq3A_77 = arith.cmpi eq, %jit3A_75, %eq3A_76 : i32
      %jit3A_78 = arith.constant 1 : i32
      %select_n3A_79 = arith.select %eq3A_77, %jit3A_78, %jit3A_75 : i32
      %rem3A_80 = arith.remsi %scan3A_55, %select_n3A_79 : i32
      %ne3A_81 = arith.constant 0 : i32
      %ne3A_82 = arith.cmpi ne, %rem3A_80, %ne3A_81 : i32
      %lt3A = arith.constant 0 : i32
      %lt3A_83 = arith.cmpi slt, %rem3A_80, %lt3A : i32
      %lt3A_84 = arith.constant 0 : i32
      %lt3A_85 = arith.cmpi slt, %select_n3A_79, %lt3A_84 : i32
      %ne3A_86 = arith.xori %lt3A_83, %lt3A_85 : i1
      %and3A_87 = arith.andi %ne3A_86, %ne3A_82 : i1
      %add3A_88 = arith.addi %rem3A_80, %select_n3A_79 : i32
      %select_n3A_89 = arith.select %and3A_87, %add3A_88, %rem3A_80 : i32
      %mul3A_90 = arith.constant 16 : i32
      %mul3A_91 = arith.muli %select_n3A_89, %mul3A_90 : i32
      %swap3A = arith.index_cast %select_n3A_74 : i32 to index
      %swap3A_92 = arith.index_cast %mul3A_91 : i32 to index
      %swap3A_93 = tpu.vector_load %arg8[%swap3A, %swap3A_92] {strides = array<i32>} : memref<128x128xf32, #tpu.memory_space<vmem>>, vector<1x16xf32>,
      %swap3A_94 = vector.shape_cast %swap3A_93 : vector<1x16xf32> to vector<16xf32>
      %swap3A_95 = vector.shape_cast %broadcast_in_dim3A_1 : vector<16xf32> to vector<1x16xf32>
      tpu.vector_store %arg8[%swap3A, %swap3A_92], %swap3A_95 {strides = array<i32>} : memref<128x128xf32, #tpu.memory_space<vmem>>, vector<1x16xf32>,
      %scan3A_96 = arith.constant 0 : i32
      scf.yield %scan3A_96 : i32
    }
    %scan3A_7 = arith.constant 1024 : i32
    %mul3A_8 = arith.constant 640 : i32
    %mul3A_9 = arith.muli %arg1, %mul3A_8 : i32
    %add3A_10 = arith.constant 0 : i32
    %add3A_11 = arith.addi %mul3A_9, %add3A_10 : i32
    "tpu.region"() ({
      %run_scoped3A = tpu.sem_alloc : memref<!tpu.dma_semaphore, #tpu.memory_space<semaphore_mem>>
      %dma_start3A = arith.constant 0 : i32
      %dma_start3A_55 = tpu.memref_slice %arg10[%add3A_11, %dma_start3A] : memref<10240x128xf32, #tpu.memory_space<vmem_shared>> -> memref<128x128xf32, #tpu.memory_space<vmem_shared>>
      %dma_start3A_56 = arith.constant 0 : i32
      %dma_start3A_57 = tpu.memref_slice %arg10[%add3A_11, %dma_start3A_56] : memref<10240x128xf32, #tpu.memory_space<vmem_shared>> -> memref<128x128xf32, #tpu.memory_space<vmem_shared>>
      tpu.enqueue_dma source(%arg8 : memref<128x128xf32, #tpu.memory_space<vmem>>) target(%dma_start3A_57 : memref<128x128xf32, #tpu.memory_space<vmem_shared>>) target_semaphore(%run_scoped3A : memref<!tpu.dma_semaphore, #tpu.memory_space<semaphore_mem>>)
      %dma_wait3A = arith.constant 0 : i32
      %dma_wait3A_58 = tpu.memref_slice %arg10[%add3A_11, %dma_wait3A] : memref<10240x128xf32, #tpu.memory_space<vmem_shared>> -> memref<128x128xf32, #tpu.memory_space<vmem_shared>>
      %dma_wait3A_59 = arith.constant 0 : i32
      %dma_wait3A_60 = tpu.memref_slice %arg10[%add3A_11, %dma_wait3A_59] : memref<10240x128xf32, #tpu.memory_space<vmem_shared>> -> memref<128x128xf32, #tpu.memory_space<vmem_shared>>
      tpu.wait_dma2 semaphore(%run_scoped3A : memref<!tpu.dma_semaphore, #tpu.memory_space<semaphore_mem>>) src(%arg8 : memref<128x128xf32, #tpu.memory_space<vmem>>) dst(%dma_wait3A_60 : memref<128x128xf32, #tpu.memory_space<vmem_shared>>)
      tpu.yield
    }) : () -> ()
    %mul3A_12 = arith.constant 640 : i32
    %mul3A_13 = arith.muli %arg1, %mul3A_12 : i32
    %add3A_14 = arith.constant 128 : i32
    %add3A_15 = arith.addi %mul3A_13, %add3A_14 : i32
    "tpu.region"() ({
      %run_scoped3A = tpu.sem_alloc : memref<!tpu.dma_semaphore, #tpu.memory_space<semaphore_mem>>
      %dma_start3A = arith.constant 0 : i32
      %dma_start3A_55 = tpu.memref_slice %arg10[%add3A_15, %dma_start3A] : memref<10240x128xf32, #tpu.memory_space<vmem_shared>> -> memref<128x128xf32, #tpu.memory_space<vmem_shared>>
      %dma_start3A_56 = arith.constant 0 : i32
      %dma_start3A_57 = tpu.memref_slice %arg10[%add3A_15, %dma_start3A_56] : memref<10240x128xf32, #tpu.memory_space<vmem_shared>> -> memref<128x128xf32, #tpu.memory_space<vmem_shared>>
      tpu.enqueue_dma source(%arg8 : memref<128x128xf32, #tpu.memory_space<vmem>>) target(%dma_start3A_57 : memref<128x128xf32, #tpu.memory_space<vmem_shared>>) target_semaphore(%run_scoped3A : memref<!tpu.dma_semaphore, #tpu.memory_space<semaphore_mem>>)
      %dma_wait3A = arith.constant 0 : i32
      %dma_wait3A_58 = tpu.memref_slice %arg10[%add3A_15, %dma_wait3A] : memref<10240x128xf32, #tpu.memory_space<vmem_shared>> -> memref<128x128xf32, #tpu.memory_space<vmem_shared>>
      %dma_wait3A_59 = arith.constant 0 : i32
      %dma_wait3A_60 = tpu.memref_slice %arg10[%add3A_15, %dma_wait3A_59] : memref<10240x128xf32, #tpu.memory_space<vmem_shared>> -> memref<128x128xf32, #tpu.memory_space<vmem_shared>>
      tpu.wait_dma2 semaphore(%run_scoped3A : memref<!tpu.dma_semaphore, #tpu.memory_space<semaphore_mem>>) src(%arg8 : memref<128x128xf32, #tpu.memory_space<vmem>>) dst(%dma_wait3A_60 : memref<128x128xf32, #tpu.memory_space<vmem_shared>>)
      tpu.yield
    }) : () -> ()
    %mul3A_16 = arith.constant 640 : i32
    %mul3A_17 = arith.muli %arg1, %mul3A_16 : i32
    %add3A_18 = arith.constant 256 : i32
    %add3A_19 = arith.addi %mul3A_17, %add3A_18 : i32
    "tpu.region"() ({
      %run_scoped3A = tpu.sem_alloc : memref<!tpu.dma_semaphore, #tpu.memory_space<semaphore_mem>>
      %dma_start3A = arith.constant 0 : i32
      %dma_start3A_55 = tpu.memref_slice %arg10[%add3A_19, %dma_start3A] : memref<10240x128xf32, #tpu.memory_space<vmem_shared>> -> memref<128x128xf32, #tpu.memory_space<vmem_shared>>
      %dma_start3A_56 = arith.constant 0 : i32
      %dma_start3A_57 = tpu.memref_slice %arg10[%add3A_19, %dma_start3A_56] : memref<10240x128xf32, #tpu.memory_space<vmem_shared>> -> memref<128x128xf32, #tpu.memory_space<vmem_shared>>
      tpu.enqueue_dma source(%arg8 : memref<128x128xf32, #tpu.memory_space<vmem>>) target(%dma_start3A_57 : memref<128x128xf32, #tpu.memory_space<vmem_shared>>) target_semaphore(%run_scoped3A : memref<!tpu.dma_semaphore, #tpu.memory_space<semaphore_mem>>)
      %dma_wait3A = arith.constant 0 : i32
      %dma_wait3A_58 = tpu.memref_slice %arg10[%add3A_19, %dma_wait3A] : memref<10240x128xf32, #tpu.memory_space<vmem_shared>> -> memref<128x128xf32, #tpu.memory_space<vmem_shared>>
      %dma_wait3A_59 = arith.constant 0 : i32
      %dma_wait3A_60 = tpu.memref_slice %arg10[%add3A_19, %dma_wait3A_59] : memref<10240x128xf32, #tpu.memory_space<vmem_shared>> -> memref<128x128xf32, #tpu.memory_space<vmem_shared>>
      tpu.wait_dma2 semaphore(%run_scoped3A : memref<!tpu.dma_semaphore, #tpu.memory_space<semaphore_mem>>) src(%arg8 : memref<128x128xf32, #tpu.memory_space<vmem>>) dst(%dma_wait3A_60 : memref<128x128xf32, #tpu.memory_space<vmem_shared>>)
      tpu.yield
    }) : () -> ()
    %mul3A_20 = arith.constant 640 : i32
    %mul3A_21 = arith.muli %arg1, %mul3A_20 : i32
    %add3A_22 = arith.constant 384 : i32
    %add3A_23 = arith.addi %mul3A_21, %add3A_22 : i32
    "tpu.region"() ({
      %run_scoped3A = tpu.sem_alloc : memref<!tpu.dma_semaphore, #tpu.memory_space<semaphore_mem>>
      %dma_start3A = arith.constant 0 : i32
      %dma_start3A_55 = tpu.memref_slice %arg10[%add3A_23, %dma_start3A] : memref<10240x128xf32, #tpu.memory_space<vmem_shared>> -> memref<128x128xf32, #tpu.memory_space<vmem_shared>>
      %dma_start3A_56 = arith.constant 0 : i32
      %dma_start3A_57 = tpu.memref_slice %arg10[%add3A_23, %dma_start3A_56] : memref<10240x128xf32, #tpu.memory_space<vmem_shared>> -> memref<128x128xf32, #tpu.memory_space<vmem_shared>>
      tpu.enqueue_dma source(%arg8 : memref<128x128xf32, #tpu.memory_space<vmem>>) target(%dma_start3A_57 : memref<128x128xf32, #tpu.memory_space<vmem_shared>>) target_semaphore(%run_scoped3A : memref<!tpu.dma_semaphore, #tpu.memory_space<semaphore_mem>>)
      %dma_wait3A = arith.constant 0 : i32
      %dma_wait3A_58 = tpu.memref_slice %arg10[%add3A_23, %dma_wait3A] : memref<10240x128xf32, #tpu.memory_space<vmem_shared>> -> memref<128x128xf32, #tpu.memory_space<vmem_shared>>
      %dma_wait3A_59 = arith.constant 0 : i32
      %dma_wait3A_60 = tpu.memref_slice %arg10[%add3A_23, %dma_wait3A_59] : memref<10240x128xf32, #tpu.memory_space<vmem_shared>> -> memref<128x128xf32, #tpu.memory_space<vmem_shared>>
      tpu.wait_dma2 semaphore(%run_scoped3A : memref<!tpu.dma_semaphore, #tpu.memory_space<semaphore_mem>>) src(%arg8 : memref<128x128xf32, #tpu.memory_space<vmem>>) dst(%dma_wait3A_60 : memref<128x128xf32, #tpu.memory_space<vmem_shared>>)
      tpu.yield
    }) : () -> ()
    %mul3A_24 = arith.constant 640 : i32
    %mul3A_25 = arith.muli %arg1, %mul3A_24 : i32
    %add3A_26 = arith.constant 512 : i32
    %add3A_27 = arith.addi %mul3A_25, %add3A_26 : i32
    "tpu.region"() ({
      %run_scoped3A = tpu.sem_alloc : memref<!tpu.dma_semaphore, #tpu.memory_space<semaphore_mem>>
      %dma_start3A = arith.constant 0 : i32
      %dma_start3A_55 = tpu.memref_slice %arg10[%add3A_27, %dma_start3A] : memref<10240x128xf32, #tpu.memory_space<vmem_shared>> -> memref<128x128xf32, #tpu.memory_space<vmem_shared>>
      %dma_start3A_56 = arith.constant 0 : i32
      %dma_start3A_57 = tpu.memref_slice %arg10[%add3A_27, %dma_start3A_56] : memref<10240x128xf32, #tpu.memory_space<vmem_shared>> -> memref<128x128xf32, #tpu.memory_space<vmem_shared>>
      tpu.enqueue_dma source(%arg8 : memref<128x128xf32, #tpu.memory_space<vmem>>) target(%dma_start3A_57 : memref<128x128xf32, #tpu.memory_space<vmem_shared>>) target_semaphore(%run_scoped3A : memref<!tpu.dma_semaphore, #tpu.memory_space<semaphore_mem>>)
      %dma_wait3A = arith.constant 0 : i32
      %dma_wait3A_58 = tpu.memref_slice %arg10[%add3A_27, %dma_wait3A] : memref<10240x128xf32, #tpu.memory_space<vmem_shared>> -> memref<128x128xf32, #tpu.memory_space<vmem_shared>>
      %dma_wait3A_59 = arith.constant 0 : i32
      %dma_wait3A_60 = tpu.memref_slice %arg10[%add3A_27, %dma_wait3A_59] : memref<10240x128xf32, #tpu.memory_space<vmem_shared>> -> memref<128x128xf32, #tpu.memory_space<vmem_shared>>
      tpu.wait_dma2 semaphore(%run_scoped3A : memref<!tpu.dma_semaphore, #tpu.memory_space<semaphore_mem>>) src(%arg8 : memref<128x128xf32, #tpu.memory_space<vmem>>) dst(%dma_wait3A_60 : memref<128x128xf32, #tpu.memory_space<vmem_shared>>)
      tpu.yield
    }) : () -> ()
    %barrier3A = arith.constant 0 : index
    tpu.barrier barrier_id(%barrier3A)
    %eq3A = arith.constant 0 : i32
    %eq3A_28 = arith.cmpi eq, %arg0, %eq3A : i32
    %jit3A = arith.constant 4 : i32
    %jit3A_29 = arith.constant 1 : i32
    %select_n3A = arith.select %eq3A_28, %jit3A, %jit3A_29 : i32
    %eq3A_30 = arith.constant 0 : i32
    %eq3A_31 = arith.cmpi eq, %arg0, %eq3A_30 : i32
    %mul3A_32 = arith.constant 128 : i32
    %mul3A_33 = arith.muli %arg1, %mul3A_32 : i32
    %mul3A_34 = arith.constant 32 : i32
    %mul3A_35 = arith.muli %arg1, %mul3A_34 : i32
    %add3A_36 = arith.constant 2048 : i32
    %add3A_37 = arith.addi %add3A_36, %mul3A_35 : i32
    %select_n3A_38 = arith.select %eq3A_31, %mul3A_33, %add3A_37 : i32
    %while3A = arith.constant 0 : i32
    %while3A_39 = arith.constant 0 : i32
    %while3A_40 = arith.subi %select_n3A, %while3A : i32
    %while3A_41 = arith.addi %while3A, %while3A_40 : i32
    %while3A_42 = arith.constant 1 : i32
    %while3A_43 = arith.divsi %while3A_40, %while3A_42 : i32
    %while3A_44 = arith.muli %while3A_43, %while3A_42 : i32
    %while3A_45 = arith.addi %while3A, %while3A_44 : i32
    %while3A_46 = arith.constant 1 : i32
    %while3A_47 = scf.for %while3A_55 = %while3A to %while3A_45 step %while3A_46 iter_args(%while3A_56 = %while3A_39) -> (i32)  : i32 {
      %mul3A_57 = arith.constant 32 : i32
      %mul3A_58 = arith.muli %while3A_55, %mul3A_57 : i32
      %add3A_59 = arith.addi %select_n3A_38, %mul3A_58 : i32
      %multiple_of3A = tpu.assume_multiple %add3A_59, 8 : i32
      "tpu.region"() ({
        %run_scoped3A = tpu.sem_alloc : memref<!tpu.dma_semaphore, #tpu.memory_space<semaphore_mem>>
        %dma_start3A_81 = arith.constant 0 : i32
        %dma_start3A_82 = tpu.memref_slice %arg3[%multiple_of3A, %dma_start3A_81] : memref<2560x128xi32, #tpu.memory_space<hbm>> -> memref<32x128xi32, #tpu.memory_space<hbm>>
        %dma_start3A_83 = arith.constant 0 : i32
        %dma_start3A_84 = tpu.memref_slice %arg3[%multiple_of3A, %dma_start3A_83] : memref<2560x128xi32, #tpu.memory_space<hbm>> -> memref<32x128xi32, #tpu.memory_space<hbm>>
        tpu.enqueue_dma source(%dma_start3A_84 : memref<32x128xi32, #tpu.memory_space<hbm>>) target(%arg6 : memref<32x128xi32, #tpu.memory_space<vmem>>) target_semaphore(%run_scoped3A : memref<!tpu.dma_semaphore, #tpu.memory_space<semaphore_mem>>)
        %dma_wait3A = arith.constant 0 : i32
        %dma_wait3A_85 = tpu.memref_slice %arg3[%multiple_of3A, %dma_wait3A] : memref<2560x128xi32, #tpu.memory_space<hbm>> -> memref<32x128xi32, #tpu.memory_space<hbm>>
        %dma_wait3A_86 = arith.constant 0 : i32
        %dma_wait3A_87 = tpu.memref_slice %arg3[%multiple_of3A, %dma_wait3A_86] : memref<2560x128xi32, #tpu.memory_space<hbm>> -> memref<32x128xi32, #tpu.memory_space<hbm>>
        tpu.wait_dma2 semaphore(%run_scoped3A : memref<!tpu.dma_semaphore, #tpu.memory_space<semaphore_mem>>) src(%dma_wait3A_87 : memref<32x128xi32, #tpu.memory_space<hbm>>) dst(%arg6 : memref<32x128xi32, #tpu.memory_space<vmem>>)
        tpu.yield
      }) : () -> ()
      "tpu.region"() ({
        %run_scoped3A = tpu.sem_alloc : memref<!tpu.dma_semaphore, #tpu.memory_space<semaphore_mem>>
        %dma_start3A_81 = arith.constant 0 : i32
        %dma_start3A_82 = tpu.memref_slice %arg4[%multiple_of3A, %dma_start3A_81] : memref<2560x128xi32, #tpu.memory_space<hbm>> -> memref<32x128xi32, #tpu.memory_space<hbm>>
        %dma_start3A_83 = arith.constant 0 : i32
        %dma_start3A_84 = tpu.memref_slice %arg4[%multiple_of3A, %dma_start3A_83] : memref<2560x128xi32, #tpu.memory_space<hbm>> -> memref<32x128xi32, #tpu.memory_space<hbm>>
        tpu.enqueue_dma source(%dma_start3A_84 : memref<32x128xi32, #tpu.memory_space<hbm>>) target(%arg7 : memref<32x128xi32, #tpu.memory_space<vmem>>) target_semaphore(%run_scoped3A : memref<!tpu.dma_semaphore, #tpu.memory_space<semaphore_mem>>)
        %dma_wait3A = arith.constant 0 : i32
        %dma_wait3A_85 = tpu.memref_slice %arg4[%multiple_of3A, %dma_wait3A] : memref<2560x128xi32, #tpu.memory_space<hbm>> -> memref<32x128xi32, #tpu.memory_space<hbm>>
        %dma_wait3A_86 = arith.constant 0 : i32
        %dma_wait3A_87 = tpu.memref_slice %arg4[%multiple_of3A, %dma_wait3A_86] : memref<2560x128xi32, #tpu.memory_space<hbm>> -> memref<32x128xi32, #tpu.memory_space<hbm>>
        tpu.wait_dma2 semaphore(%run_scoped3A : memref<!tpu.dma_semaphore, #tpu.memory_space<semaphore_mem>>) src(%dma_wait3A_87 : memref<32x128xi32, #tpu.memory_space<hbm>>) dst(%arg7 : memref<32x128xi32, #tpu.memory_space<vmem>>)
        tpu.yield
      }) : () -> ()
      %dma_start3A = arith.constant 0 : i32
      %dma_start3A_60 = arith.constant 0 : i32
      %dma_start3A_61 = tpu.memref_slice %arg6[%dma_start3A, %dma_start3A_60] : memref<32x128xi32, #tpu.memory_space<vmem>> -> memref<1x128xi32, #tpu.memory_space<vmem>>
      %dma_start3A_62 = tpu.memref_squeeze %dma_start3A_61 : memref<1x128xi32, #tpu.memory_space<vmem>> -> memref<128xi32, #tpu.memory_space<vmem>>
      %dma_start3A_63 = arith.constant 0 : i32
      %dma_start3A_64 = arith.constant 0 : i32
      %dma_start3A_65 = tpu.memref_slice %arg2[%dma_start3A_63, %dma_start3A_64] : memref<10240x128xf32, #tpu.memory_space<hbm>> -> memref<10240x128xf32, #tpu.memory_space<hbm>>
      tpu.enqueue_indirect_dma source(%dma_start3A_65 : memref<10240x128xf32, #tpu.memory_space<hbm>>) target(%arg8 : memref<128x128xf32, #tpu.memory_space<vmem>>) offsets(%dma_start3A_62 : memref<128xi32, #tpu.memory_space<vmem>>) semaphore(%arg11 : memref<!tpu.dma_semaphore, #tpu.memory_space<semaphore_mem>>)
      %dma_start3A_66 = arith.constant 1 : i32
      %dma_start3A_67 = arith.constant 0 : i32
      %dma_start3A_68 = tpu.memref_slice %arg6[%dma_start3A_66, %dma_start3A_67] : memref<32x128xi32, #tpu.memory_space<vmem>> -> memref<1x128xi32, #tpu.memory_space<vmem>>
      %dma_start3A_69 = tpu.memref_squeeze %dma_start3A_68 : memref<1x128xi32, #tpu.memory_space<vmem>> -> memref<128xi32, #tpu.memory_space<vmem>>
      %dma_start3A_70 = arith.constant 0 : i32
      %dma_start3A_71 = arith.constant 0 : i32
      %dma_start3A_72 = tpu.memref_slice %arg2[%dma_start3A_70, %dma_start3A_71] : memref<10240x128xf32, #tpu.memory_space<hbm>> -> memref<10240x128xf32, #tpu.memory_space<hbm>>
      tpu.enqueue_indirect_dma source(%dma_start3A_72 : memref<10240x128xf32, #tpu.memory_space<hbm>>) target(%arg9 : memref<128x128xf32, #tpu.memory_space<vmem>>) offsets(%dma_start3A_69 : memref<128xi32, #tpu.memory_space<vmem>>) semaphore(%arg12 : memref<!tpu.dma_semaphore, #tpu.memory_space<semaphore_mem>>)
      %scan3A_73 = arith.constant 0 : i32
      %scan3A_74 = arith.constant 0 : i32
      %scan3A_75 = arith.constant 16 : i32
      %scan3A_76 = arith.addi %scan3A_74, %scan3A_75 : i32
      %scan3A_77 = arith.constant 1 : i32
      %scan3A_78 = scf.for %scan3A_81 = %scan3A_74 to %scan3A_76 step %scan3A_77 iter_args(%scan3A_82 = %scan3A_73) -> (i32)  : i32 {
        %mul3A_83 = arith.constant 2 : i32
        %mul3A_84 = arith.muli %mul3A_83, %scan3A_81 : i32
        %dma_wait3A = arith.constant 0 : i32
        %dma_wait3A_85 = tpu.memref_slice %arg6[%mul3A_84, %dma_wait3A] : memref<32x128xi32, #tpu.memory_space<vmem>> -> memref<1x128xi32, #tpu.memory_space<vmem>>
        %dma_wait3A_86 = tpu.memref_squeeze %dma_wait3A_85 : memref<1x128xi32, #tpu.memory_space<vmem>> -> memref<128xi32, #tpu.memory_space<vmem>>
        %dma_wait3A_87 = arith.constant 0 : i32
        %dma_wait3A_88 = arith.constant 0 : i32
        %dma_wait3A_89 = tpu.memref_slice %arg2[%dma_wait3A_87, %dma_wait3A_88] : memref<10240x128xf32, #tpu.memory_space<hbm>> -> memref<10240x128xf32, #tpu.memory_space<hbm>>
        tpu.wait_indirect_dma semaphore(%arg11 : memref<!tpu.dma_semaphore, #tpu.memory_space<semaphore_mem>>) src(%dma_wait3A_89 : memref<10240x128xf32, #tpu.memory_space<hbm>>) dst(%arg8 : memref<128x128xf32, #tpu.memory_space<vmem>>)
        %mul3A_90 = arith.constant 2 : i32
        %mul3A_91 = arith.muli %mul3A_90, %scan3A_81 : i32
        "tpu.region"() ({
          %run_scoped3A = tpu.sem_alloc : memref<!tpu.dma_semaphore, #tpu.memory_space<semaphore_mem>>
          %dma_start3A_114 = arith.constant 0 : i32
          %dma_start3A_115 = tpu.memref_slice %arg7[%mul3A_91, %dma_start3A_114] : memref<32x128xi32, #tpu.memory_space<vmem>> -> memref<1x128xi32, #tpu.memory_space<vmem>>
          %dma_start3A_116 = tpu.memref_squeeze %dma_start3A_115 : memref<1x128xi32, #tpu.memory_space<vmem>> -> memref<128xi32, #tpu.memory_space<vmem>>
          %dma_start3A_117 = arith.constant 0 : i32
          %dma_start3A_118 = arith.constant 0 : i32
          %dma_start3A_119 = tpu.memref_slice %arg10[%dma_start3A_117, %dma_start3A_118] : memref<10240x128xf32, #tpu.memory_space<vmem_shared>> -> memref<10240x128xf32, #tpu.memory_space<vmem_shared>>
          tpu.enqueue_indirect_dma source(%arg8 : memref<128x128xf32, #tpu.memory_space<vmem>>) target(%dma_start3A_119 : memref<10240x128xf32, #tpu.memory_space<vmem_shared>>) offsets(%dma_start3A_116 : memref<128xi32, #tpu.memory_space<vmem>>) semaphore(%run_scoped3A : memref<!tpu.dma_semaphore, #tpu.memory_space<semaphore_mem>>) {add = true}
          %dma_wait3A_120 = arith.constant 0 : i32
          %dma_wait3A_121 = tpu.memref_slice %arg7[%mul3A_91, %dma_wait3A_120] : memref<32x128xi32, #tpu.memory_space<vmem>> -> memref<1x128xi32, #tpu.memory_space<vmem>>
          %dma_wait3A_122 = tpu.memref_squeeze %dma_wait3A_121 : memref<1x128xi32, #tpu.memory_space<vmem>> -> memref<128xi32, #tpu.memory_space<vmem>>
          %dma_wait3A_123 = arith.constant 0 : i32
          %dma_wait3A_124 = arith.constant 0 : i32
          %dma_wait3A_125 = tpu.memref_slice %arg10[%dma_wait3A_123, %dma_wait3A_124] : memref<10240x128xf32, #tpu.memory_space<vmem_shared>> -> memref<10240x128xf32, #tpu.memory_space<vmem_shared>>
          tpu.wait_indirect_dma semaphore(%run_scoped3A : memref<!tpu.dma_semaphore, #tpu.memory_space<semaphore_mem>>) src(%arg8 : memref<128x128xf32, #tpu.memory_space<vmem>>) dst(%dma_wait3A_125 : memref<10240x128xf32, #tpu.memory_space<vmem_shared>>)
          tpu.yield
        }) : () -> ()
        %lt3A = arith.constant 15 : i32
        %lt3A_92 = arith.cmpi slt, %scan3A_81, %lt3A : i32
        %convert_element_type3A = arith.extui %lt3A_92 : i1 to i32
        %cond3A = arith.constant 0 : i32
        %cond3A_93 = arith.cmpi ne, %convert_element_type3A, %cond3A : i32
        scf.if %cond3A_93 {
          %mul3A_114 = arith.constant 2 : i32
          %mul3A_115 = arith.muli %mul3A_114, %scan3A_81 : i32
          %add3A_116 = arith.constant 2 : i32
          %add3A_117 = arith.addi %mul3A_115, %add3A_116 : i32
          %dma_start3A_118 = arith.constant 0 : i32
          %dma_start3A_119 = tpu.memref_slice %arg6[%add3A_117, %dma_start3A_118] : memref<32x128xi32, #tpu.memory_space<vmem>> -> memref<1x128xi32, #tpu.memory_space<vmem>>
          %dma_start3A_120 = tpu.memref_squeeze %dma_start3A_119 : memref<1x128xi32, #tpu.memory_space<vmem>> -> memref<128xi32, #tpu.memory_space<vmem>>
          %dma_start3A_121 = arith.constant 0 : i32
          %dma_start3A_122 = arith.constant 0 : i32
          %dma_start3A_123 = tpu.memref_slice %arg2[%dma_start3A_121, %dma_start3A_122] : memref<10240x128xf32, #tpu.memory_space<hbm>> -> memref<10240x128xf32, #tpu.memory_space<hbm>>
          tpu.enqueue_indirect_dma source(%dma_start3A_123 : memref<10240x128xf32, #tpu.memory_space<hbm>>) target(%arg8 : memref<128x128xf32, #tpu.memory_space<vmem>>) offsets(%dma_start3A_120 : memref<128xi32, #tpu.memory_space<vmem>>) semaphore(%arg11 : memref<!tpu.dma_semaphore, #tpu.memory_space<semaphore_mem>>)
        } else {
        }
        %mul3A_94 = arith.constant 2 : i32
        %mul3A_95 = arith.muli %mul3A_94, %scan3A_81 : i32
        %add3A_96 = arith.constant 1 : i32
        %add3A_97 = arith.addi %mul3A_95, %add3A_96 : i32
        %dma_wait3A_98 = arith.constant 0 : i32
        %dma_wait3A_99 = tpu.memref_slice %arg6[%add3A_97, %dma_wait3A_98] : memref<32x128xi32, #tpu.memory_space<vmem>> -> memref<1x128xi32, #tpu.memory_space<vmem>>
        %dma_wait3A_100 = tpu.memref_squeeze %dma_wait3A_99 : memref<1x128xi32, #tpu.memory_space<vmem>> -> memref<128xi32, #tpu.memory_space<vmem>>
        %dma_wait3A_101 = arith.constant 0 : i32
        %dma_wait3A_102 = arith.constant 0 : i32
        %dma_wait3A_103 = tpu.memref_slice %arg2[%dma_wait3A_101, %dma_wait3A_102] : memref<10240x128xf32, #tpu.memory_space<hbm>> -> memref<10240x128xf32, #tpu.memory_space<hbm>>
        tpu.wait_indirect_dma semaphore(%arg12 : memref<!tpu.dma_semaphore, #tpu.memory_space<semaphore_mem>>) src(%dma_wait3A_103 : memref<10240x128xf32, #tpu.memory_space<hbm>>) dst(%arg9 : memref<128x128xf32, #tpu.memory_space<vmem>>)
        %mul3A_104 = arith.constant 2 : i32
        %mul3A_105 = arith.muli %mul3A_104, %scan3A_81 : i32
        %add3A_106 = arith.constant 1 : i32
        %add3A_107 = arith.addi %mul3A_105, %add3A_106 : i32
        "tpu.region"() ({
          %run_scoped3A = tpu.sem_alloc : memref<!tpu.dma_semaphore, #tpu.memory_space<semaphore_mem>>
          %dma_start3A_114 = arith.constant 0 : i32
          %dma_start3A_115 = tpu.memref_slice %arg7[%add3A_107, %dma_start3A_114] : memref<32x128xi32, #tpu.memory_space<vmem>> -> memref<1x128xi32, #tpu.memory_space<vmem>>
          %dma_start3A_116 = tpu.memref_squeeze %dma_start3A_115 : memref<1x128xi32, #tpu.memory_space<vmem>> -> memref<128xi32, #tpu.memory_space<vmem>>
          %dma_start3A_117 = arith.constant 0 : i32
          %dma_start3A_118 = arith.constant 0 : i32
          %dma_start3A_119 = tpu.memref_slice %arg10[%dma_start3A_117, %dma_start3A_118] : memref<10240x128xf32, #tpu.memory_space<vmem_shared>> -> memref<10240x128xf32, #tpu.memory_space<vmem_shared>>
          tpu.enqueue_indirect_dma source(%arg9 : memref<128x128xf32, #tpu.memory_space<vmem>>) target(%dma_start3A_119 : memref<10240x128xf32, #tpu.memory_space<vmem_shared>>) offsets(%dma_start3A_116 : memref<128xi32, #tpu.memory_space<vmem>>) semaphore(%run_scoped3A : memref<!tpu.dma_semaphore, #tpu.memory_space<semaphore_mem>>) {add = true}
          %dma_wait3A_120 = arith.constant 0 : i32
          %dma_wait3A_121 = tpu.memref_slice %arg7[%add3A_107, %dma_wait3A_120] : memref<32x128xi32, #tpu.memory_space<vmem>> -> memref<1x128xi32, #tpu.memory_space<vmem>>
          %dma_wait3A_122 = tpu.memref_squeeze %dma_wait3A_121 : memref<1x128xi32, #tpu.memory_space<vmem>> -> memref<128xi32, #tpu.memory_space<vmem>>
          %dma_wait3A_123 = arith.constant 0 : i32
          %dma_wait3A_124 = arith.constant 0 : i32
          %dma_wait3A_125 = tpu.memref_slice %arg10[%dma_wait3A_123, %dma_wait3A_124] : memref<10240x128xf32, #tpu.memory_space<vmem_shared>> -> memref<10240x128xf32, #tpu.memory_space<vmem_shared>>
          tpu.wait_indirect_dma semaphore(%run_scoped3A : memref<!tpu.dma_semaphore, #tpu.memory_space<semaphore_mem>>) src(%arg9 : memref<128x128xf32, #tpu.memory_space<vmem>>) dst(%dma_wait3A_125 : memref<10240x128xf32, #tpu.memory_space<vmem_shared>>)
          tpu.yield
        }) : () -> ()
        %lt3A_108 = arith.constant 15 : i32
        %lt3A_109 = arith.cmpi slt, %scan3A_81, %lt3A_108 : i32
        %convert_element_type3A_110 = arith.extui %lt3A_109 : i1 to i32
        %cond3A_111 = arith.constant 0 : i32
        %cond3A_112 = arith.cmpi ne, %convert_element_type3A_110, %cond3A_111 : i32
        scf.if %cond3A_112 {
          %mul3A_114 = arith.constant 2 : i32
          %mul3A_115 = arith.muli %mul3A_114, %scan3A_81 : i32
          %add3A_116 = arith.constant 3 : i32
          %add3A_117 = arith.addi %mul3A_115, %add3A_116 : i32
          %dma_start3A_118 = arith.constant 0 : i32
          %dma_start3A_119 = tpu.memref_slice %arg6[%add3A_117, %dma_start3A_118] : memref<32x128xi32, #tpu.memory_space<vmem>> -> memref<1x128xi32, #tpu.memory_space<vmem>>
          %dma_start3A_120 = tpu.memref_squeeze %dma_start3A_119 : memref<1x128xi32, #tpu.memory_space<vmem>> -> memref<128xi32, #tpu.memory_space<vmem>>
          %dma_start3A_121 = arith.constant 0 : i32
          %dma_start3A_122 = arith.constant 0 : i32
          %dma_start3A_123 = tpu.memref_slice %arg2[%dma_start3A_121, %dma_start3A_122] : memref<10240x128xf32, #tpu.memory_space<hbm>> -> memref<10240x128xf32, #tpu.memory_space<hbm>>
          tpu.enqueue_indirect_dma source(%dma_start3A_123 : memref<10240x128xf32, #tpu.memory_space<hbm>>) target(%arg9 : memref<128x128xf32, #tpu.memory_space<vmem>>) offsets(%dma_start3A_120 : memref<128xi32, #tpu.memory_space<vmem>>) semaphore(%arg12 : memref<!tpu.dma_semaphore, #tpu.memory_space<semaphore_mem>>)
        } else {
        }
        %scan3A_113 = arith.constant 0 : i32
        scf.yield %scan3A_113 : i32
      }
      %scan3A_79 = arith.constant 16 : i32
      %while3A_80 = arith.constant 0 : i32
      scf.yield %while3A_80 : i32
    }
    %while3A_48 = arith.constant 1 : i32
    %while3A_49 = scf.for %while3A_55 = %while3A_45 to %while3A_41 step %while3A_48 iter_args(%while3A_56 = %while3A_47) -> (i32)  : i32 {
      %mul3A_57 = arith.constant 32 : i32
      %mul3A_58 = arith.muli %while3A_55, %mul3A_57 : i32
      %add3A_59 = arith.addi %select_n3A_38, %mul3A_58 : i32
      %multiple_of3A = tpu.assume_multiple %add3A_59, 8 : i32
      "tpu.region"() ({
        %run_scoped3A = tpu.sem_alloc : memref<!tpu.dma_semaphore, #tpu.memory_space<semaphore_mem>>
        %dma_start3A_81 = arith.constant 0 : i32
        %dma_start3A_82 = tpu.memref_slice %arg3[%multiple_of3A, %dma_start3A_81] : memref<2560x128xi32, #tpu.memory_space<hbm>> -> memref<32x128xi32, #tpu.memory_space<hbm>>
        %dma_start3A_83 = arith.constant 0 : i32
        %dma_start3A_84 = tpu.memref_slice %arg3[%multiple_of3A, %dma_start3A_83] : memref<2560x128xi32, #tpu.memory_space<hbm>> -> memref<32x128xi32, #tpu.memory_space<hbm>>
        tpu.enqueue_dma source(%dma_start3A_84 : memref<32x128xi32, #tpu.memory_space<hbm>>) target(%arg6 : memref<32x128xi32, #tpu.memory_space<vmem>>) target_semaphore(%run_scoped3A : memref<!tpu.dma_semaphore, #tpu.memory_space<semaphore_mem>>)
        %dma_wait3A = arith.constant 0 : i32
        %dma_wait3A_85 = tpu.memref_slice %arg3[%multiple_of3A, %dma_wait3A] : memref<2560x128xi32, #tpu.memory_space<hbm>> -> memref<32x128xi32, #tpu.memory_space<hbm>>
        %dma_wait3A_86 = arith.constant 0 : i32
        %dma_wait3A_87 = tpu.memref_slice %arg3[%multiple_of3A, %dma_wait3A_86] : memref<2560x128xi32, #tpu.memory_space<hbm>> -> memref<32x128xi32, #tpu.memory_space<hbm>>
        tpu.wait_dma2 semaphore(%run_scoped3A : memref<!tpu.dma_semaphore, #tpu.memory_space<semaphore_mem>>) src(%dma_wait3A_87 : memref<32x128xi32, #tpu.memory_space<hbm>>) dst(%arg6 : memref<32x128xi32, #tpu.memory_space<vmem>>)
        tpu.yield
      }) : () -> ()
      "tpu.region"() ({
        %run_scoped3A = tpu.sem_alloc : memref<!tpu.dma_semaphore, #tpu.memory_space<semaphore_mem>>
        %dma_start3A_81 = arith.constant 0 : i32
        %dma_start3A_82 = tpu.memref_slice %arg4[%multiple_of3A, %dma_start3A_81] : memref<2560x128xi32, #tpu.memory_space<hbm>> -> memref<32x128xi32, #tpu.memory_space<hbm>>
        %dma_start3A_83 = arith.constant 0 : i32
        %dma_start3A_84 = tpu.memref_slice %arg4[%multiple_of3A, %dma_start3A_83] : memref<2560x128xi32, #tpu.memory_space<hbm>> -> memref<32x128xi32, #tpu.memory_space<hbm>>
        tpu.enqueue_dma source(%dma_start3A_84 : memref<32x128xi32, #tpu.memory_space<hbm>>) target(%arg7 : memref<32x128xi32, #tpu.memory_space<vmem>>) target_semaphore(%run_scoped3A : memref<!tpu.dma_semaphore, #tpu.memory_space<semaphore_mem>>)
        %dma_wait3A = arith.constant 0 : i32
        %dma_wait3A_85 = tpu.memref_slice %arg4[%multiple_of3A, %dma_wait3A] : memref<2560x128xi32, #tpu.memory_space<hbm>> -> memref<32x128xi32, #tpu.memory_space<hbm>>
        %dma_wait3A_86 = arith.constant 0 : i32
        %dma_wait3A_87 = tpu.memref_slice %arg4[%multiple_of3A, %dma_wait3A_86] : memref<2560x128xi32, #tpu.memory_space<hbm>> -> memref<32x128xi32, #tpu.memory_space<hbm>>
        tpu.wait_dma2 semaphore(%run_scoped3A : memref<!tpu.dma_semaphore, #tpu.memory_space<semaphore_mem>>) src(%dma_wait3A_87 : memref<32x128xi32, #tpu.memory_space<hbm>>) dst(%arg7 : memref<32x128xi32, #tpu.memory_space<vmem>>)
        tpu.yield
      }) : () -> ()
      %dma_start3A = arith.constant 0 : i32
      %dma_start3A_60 = arith.constant 0 : i32
      %dma_start3A_61 = tpu.memref_slice %arg6[%dma_start3A, %dma_start3A_60] : memref<32x128xi32, #tpu.memory_space<vmem>> -> memref<1x128xi32, #tpu.memory_space<vmem>>
      %dma_start3A_62 = tpu.memref_squeeze %dma_start3A_61 : memref<1x128xi32, #tpu.memory_space<vmem>> -> memref<128xi32, #tpu.memory_space<vmem>>
      %dma_start3A_63 = arith.constant 0 : i32
      %dma_start3A_64 = arith.constant 0 : i32
      %dma_start3A_65 = tpu.memref_slice %arg2[%dma_start3A_63, %dma_start3A_64] : memref<10240x128xf32, #tpu.memory_space<hbm>> -> memref<10240x128xf32, #tpu.memory_space<hbm>>
      tpu.enqueue_indirect_dma source(%dma_start3A_65 : memref<10240x128xf32, #tpu.memory_space<hbm>>) target(%arg8 : memref<128x128xf32, #tpu.memory_space<vmem>>) offsets(%dma_start3A_62 : memref<128xi32, #tpu.memory_space<vmem>>) semaphore(%arg11 : memref<!tpu.dma_semaphore, #tpu.memory_space<semaphore_mem>>)
      %dma_start3A_66 = arith.constant 1 : i32
      %dma_start3A_67 = arith.constant 0 : i32
      %dma_start3A_68 = tpu.memref_slice %arg6[%dma_start3A_66, %dma_start3A_67] : memref<32x128xi32, #tpu.memory_space<vmem>> -> memref<1x128xi32, #tpu.memory_space<vmem>>
      %dma_start3A_69 = tpu.memref_squeeze %dma_start3A_68 : memref<1x128xi32, #tpu.memory_space<vmem>> -> memref<128xi32, #tpu.memory_space<vmem>>
      %dma_start3A_70 = arith.constant 0 : i32
      %dma_start3A_71 = arith.constant 0 : i32
      %dma_start3A_72 = tpu.memref_slice %arg2[%dma_start3A_70, %dma_start3A_71] : memref<10240x128xf32, #tpu.memory_space<hbm>> -> memref<10240x128xf32, #tpu.memory_space<hbm>>
      tpu.enqueue_indirect_dma source(%dma_start3A_72 : memref<10240x128xf32, #tpu.memory_space<hbm>>) target(%arg9 : memref<128x128xf32, #tpu.memory_space<vmem>>) offsets(%dma_start3A_69 : memref<128xi32, #tpu.memory_space<vmem>>) semaphore(%arg12 : memref<!tpu.dma_semaphore, #tpu.memory_space<semaphore_mem>>)
      %scan3A_73 = arith.constant 0 : i32
      %scan3A_74 = arith.constant 0 : i32
      %scan3A_75 = arith.constant 16 : i32
      %scan3A_76 = arith.addi %scan3A_74, %scan3A_75 : i32
      %scan3A_77 = arith.constant 1 : i32
      %scan3A_78 = scf.for %scan3A_81 = %scan3A_74 to %scan3A_76 step %scan3A_77 iter_args(%scan3A_82 = %scan3A_73) -> (i32)  : i32 {
        %mul3A_83 = arith.constant 2 : i32
        %mul3A_84 = arith.muli %mul3A_83, %scan3A_81 : i32
        %dma_wait3A = arith.constant 0 : i32
        %dma_wait3A_85 = tpu.memref_slice %arg6[%mul3A_84, %dma_wait3A] : memref<32x128xi32, #tpu.memory_space<vmem>> -> memref<1x128xi32, #tpu.memory_space<vmem>>
        %dma_wait3A_86 = tpu.memref_squeeze %dma_wait3A_85 : memref<1x128xi32, #tpu.memory_space<vmem>> -> memref<128xi32, #tpu.memory_space<vmem>>
        %dma_wait3A_87 = arith.constant 0 : i32
        %dma_wait3A_88 = arith.constant 0 : i32
        %dma_wait3A_89 = tpu.memref_slice %arg2[%dma_wait3A_87, %dma_wait3A_88] : memref<10240x128xf32, #tpu.memory_space<hbm>> -> memref<10240x128xf32, #tpu.memory_space<hbm>>
        tpu.wait_indirect_dma semaphore(%arg11 : memref<!tpu.dma_semaphore, #tpu.memory_space<semaphore_mem>>) src(%dma_wait3A_89 : memref<10240x128xf32, #tpu.memory_space<hbm>>) dst(%arg8 : memref<128x128xf32, #tpu.memory_space<vmem>>)
        %mul3A_90 = arith.constant 2 : i32
        %mul3A_91 = arith.muli %mul3A_90, %scan3A_81 : i32
        "tpu.region"() ({
          %run_scoped3A = tpu.sem_alloc : memref<!tpu.dma_semaphore, #tpu.memory_space<semaphore_mem>>
          %dma_start3A_114 = arith.constant 0 : i32
          %dma_start3A_115 = tpu.memref_slice %arg7[%mul3A_91, %dma_start3A_114] : memref<32x128xi32, #tpu.memory_space<vmem>> -> memref<1x128xi32, #tpu.memory_space<vmem>>
          %dma_start3A_116 = tpu.memref_squeeze %dma_start3A_115 : memref<1x128xi32, #tpu.memory_space<vmem>> -> memref<128xi32, #tpu.memory_space<vmem>>
          %dma_start3A_117 = arith.constant 0 : i32
          %dma_start3A_118 = arith.constant 0 : i32
          %dma_start3A_119 = tpu.memref_slice %arg10[%dma_start3A_117, %dma_start3A_118] : memref<10240x128xf32, #tpu.memory_space<vmem_shared>> -> memref<10240x128xf32, #tpu.memory_space<vmem_shared>>
          tpu.enqueue_indirect_dma source(%arg8 : memref<128x128xf32, #tpu.memory_space<vmem>>) target(%dma_start3A_119 : memref<10240x128xf32, #tpu.memory_space<vmem_shared>>) offsets(%dma_start3A_116 : memref<128xi32, #tpu.memory_space<vmem>>) semaphore(%run_scoped3A : memref<!tpu.dma_semaphore, #tpu.memory_space<semaphore_mem>>) {add = true}
          %dma_wait3A_120 = arith.constant 0 : i32
          %dma_wait3A_121 = tpu.memref_slice %arg7[%mul3A_91, %dma_wait3A_120] : memref<32x128xi32, #tpu.memory_space<vmem>> -> memref<1x128xi32, #tpu.memory_space<vmem>>
          %dma_wait3A_122 = tpu.memref_squeeze %dma_wait3A_121 : memref<1x128xi32, #tpu.memory_space<vmem>> -> memref<128xi32, #tpu.memory_space<vmem>>
          %dma_wait3A_123 = arith.constant 0 : i32
          %dma_wait3A_124 = arith.constant 0 : i32
          %dma_wait3A_125 = tpu.memref_slice %arg10[%dma_wait3A_123, %dma_wait3A_124] : memref<10240x128xf32, #tpu.memory_space<vmem_shared>> -> memref<10240x128xf32, #tpu.memory_space<vmem_shared>>
          tpu.wait_indirect_dma semaphore(%run_scoped3A : memref<!tpu.dma_semaphore, #tpu.memory_space<semaphore_mem>>) src(%arg8 : memref<128x128xf32, #tpu.memory_space<vmem>>) dst(%dma_wait3A_125 : memref<10240x128xf32, #tpu.memory_space<vmem_shared>>)
          tpu.yield
        }) : () -> ()
        %lt3A = arith.constant 15 : i32
        %lt3A_92 = arith.cmpi slt, %scan3A_81, %lt3A : i32
        %convert_element_type3A = arith.extui %lt3A_92 : i1 to i32
        %cond3A = arith.constant 0 : i32
        %cond3A_93 = arith.cmpi ne, %convert_element_type3A, %cond3A : i32
        scf.if %cond3A_93 {
          %mul3A_114 = arith.constant 2 : i32
          %mul3A_115 = arith.muli %mul3A_114, %scan3A_81 : i32
          %add3A_116 = arith.constant 2 : i32
          %add3A_117 = arith.addi %mul3A_115, %add3A_116 : i32
          %dma_start3A_118 = arith.constant 0 : i32
          %dma_start3A_119 = tpu.memref_slice %arg6[%add3A_117, %dma_start3A_118] : memref<32x128xi32, #tpu.memory_space<vmem>> -> memref<1x128xi32, #tpu.memory_space<vmem>>
          %dma_start3A_120 = tpu.memref_squeeze %dma_start3A_119 : memref<1x128xi32, #tpu.memory_space<vmem>> -> memref<128xi32, #tpu.memory_space<vmem>>
          %dma_start3A_121 = arith.constant 0 : i32
          %dma_start3A_122 = arith.constant 0 : i32
          %dma_start3A_123 = tpu.memref_slice %arg2[%dma_start3A_121, %dma_start3A_122] : memref<10240x128xf32, #tpu.memory_space<hbm>> -> memref<10240x128xf32, #tpu.memory_space<hbm>>
          tpu.enqueue_indirect_dma source(%dma_start3A_123 : memref<10240x128xf32, #tpu.memory_space<hbm>>) target(%arg8 : memref<128x128xf32, #tpu.memory_space<vmem>>) offsets(%dma_start3A_120 : memref<128xi32, #tpu.memory_space<vmem>>) semaphore(%arg11 : memref<!tpu.dma_semaphore, #tpu.memory_space<semaphore_mem>>)
        } else {
        }
        %mul3A_94 = arith.constant 2 : i32
        %mul3A_95 = arith.muli %mul3A_94, %scan3A_81 : i32
        %add3A_96 = arith.constant 1 : i32
        %add3A_97 = arith.addi %mul3A_95, %add3A_96 : i32
        %dma_wait3A_98 = arith.constant 0 : i32
        %dma_wait3A_99 = tpu.memref_slice %arg6[%add3A_97, %dma_wait3A_98] : memref<32x128xi32, #tpu.memory_space<vmem>> -> memref<1x128xi32, #tpu.memory_space<vmem>>
        %dma_wait3A_100 = tpu.memref_squeeze %dma_wait3A_99 : memref<1x128xi32, #tpu.memory_space<vmem>> -> memref<128xi32, #tpu.memory_space<vmem>>
        %dma_wait3A_101 = arith.constant 0 : i32
        %dma_wait3A_102 = arith.constant 0 : i32
        %dma_wait3A_103 = tpu.memref_slice %arg2[%dma_wait3A_101, %dma_wait3A_102] : memref<10240x128xf32, #tpu.memory_space<hbm>> -> memref<10240x128xf32, #tpu.memory_space<hbm>>
        tpu.wait_indirect_dma semaphore(%arg12 : memref<!tpu.dma_semaphore, #tpu.memory_space<semaphore_mem>>) src(%dma_wait3A_103 : memref<10240x128xf32, #tpu.memory_space<hbm>>) dst(%arg9 : memref<128x128xf32, #tpu.memory_space<vmem>>)
        %mul3A_104 = arith.constant 2 : i32
        %mul3A_105 = arith.muli %mul3A_104, %scan3A_81 : i32
        %add3A_106 = arith.constant 1 : i32
        %add3A_107 = arith.addi %mul3A_105, %add3A_106 : i32
        "tpu.region"() ({
          %run_scoped3A = tpu.sem_alloc : memref<!tpu.dma_semaphore, #tpu.memory_space<semaphore_mem>>
          %dma_start3A_114 = arith.constant 0 : i32
          %dma_start3A_115 = tpu.memref_slice %arg7[%add3A_107, %dma_start3A_114] : memref<32x128xi32, #tpu.memory_space<vmem>> -> memref<1x128xi32, #tpu.memory_space<vmem>>
          %dma_start3A_116 = tpu.memref_squeeze %dma_start3A_115 : memref<1x128xi32, #tpu.memory_space<vmem>> -> memref<128xi32, #tpu.memory_space<vmem>>
          %dma_start3A_117 = arith.constant 0 : i32
          %dma_start3A_118 = arith.constant 0 : i32
          %dma_start3A_119 = tpu.memref_slice %arg10[%dma_start3A_117, %dma_start3A_118] : memref<10240x128xf32, #tpu.memory_space<vmem_shared>> -> memref<10240x128xf32, #tpu.memory_space<vmem_shared>>
          tpu.enqueue_indirect_dma source(%arg9 : memref<128x128xf32, #tpu.memory_space<vmem>>) target(%dma_start3A_119 : memref<10240x128xf32, #tpu.memory_space<vmem_shared>>) offsets(%dma_start3A_116 : memref<128xi32, #tpu.memory_space<vmem>>) semaphore(%run_scoped3A : memref<!tpu.dma_semaphore, #tpu.memory_space<semaphore_mem>>) {add = true}
          %dma_wait3A_120 = arith.constant 0 : i32
          %dma_wait3A_121 = tpu.memref_slice %arg7[%add3A_107, %dma_wait3A_120] : memref<32x128xi32, #tpu.memory_space<vmem>> -> memref<1x128xi32, #tpu.memory_space<vmem>>
          %dma_wait3A_122 = tpu.memref_squeeze %dma_wait3A_121 : memref<1x128xi32, #tpu.memory_space<vmem>> -> memref<128xi32, #tpu.memory_space<vmem>>
          %dma_wait3A_123 = arith.constant 0 : i32
          %dma_wait3A_124 = arith.constant 0 : i32
          %dma_wait3A_125 = tpu.memref_slice %arg10[%dma_wait3A_123, %dma_wait3A_124] : memref<10240x128xf32, #tpu.memory_space<vmem_shared>> -> memref<10240x128xf32, #tpu.memory_space<vmem_shared>>
          tpu.wait_indirect_dma semaphore(%run_scoped3A : memref<!tpu.dma_semaphore, #tpu.memory_space<semaphore_mem>>) src(%arg9 : memref<128x128xf32, #tpu.memory_space<vmem>>) dst(%dma_wait3A_125 : memref<10240x128xf32, #tpu.memory_space<vmem_shared>>)
          tpu.yield
        }) : () -> ()
        %lt3A_108 = arith.constant 15 : i32
        %lt3A_109 = arith.cmpi slt, %scan3A_81, %lt3A_108 : i32
        %convert_element_type3A_110 = arith.extui %lt3A_109 : i1 to i32
        %cond3A_111 = arith.constant 0 : i32
        %cond3A_112 = arith.cmpi ne, %convert_element_type3A_110, %cond3A_111 : i32
        scf.if %cond3A_112 {
          %mul3A_114 = arith.constant 2 : i32
          %mul3A_115 = arith.muli %mul3A_114, %scan3A_81 : i32
          %add3A_116 = arith.constant 3 : i32
          %add3A_117 = arith.addi %mul3A_115, %add3A_116 : i32
          %dma_start3A_118 = arith.constant 0 : i32
          %dma_start3A_119 = tpu.memref_slice %arg6[%add3A_117, %dma_start3A_118] : memref<32x128xi32, #tpu.memory_space<vmem>> -> memref<1x128xi32, #tpu.memory_space<vmem>>
          %dma_start3A_120 = tpu.memref_squeeze %dma_start3A_119 : memref<1x128xi32, #tpu.memory_space<vmem>> -> memref<128xi32, #tpu.memory_space<vmem>>
          %dma_start3A_121 = arith.constant 0 : i32
          %dma_start3A_122 = arith.constant 0 : i32
          %dma_start3A_123 = tpu.memref_slice %arg2[%dma_start3A_121, %dma_start3A_122] : memref<10240x128xf32, #tpu.memory_space<hbm>> -> memref<10240x128xf32, #tpu.memory_space<hbm>>
          tpu.enqueue_indirect_dma source(%dma_start3A_123 : memref<10240x128xf32, #tpu.memory_space<hbm>>) target(%arg9 : memref<128x128xf32, #tpu.memory_space<vmem>>) offsets(%dma_start3A_120 : memref<128xi32, #tpu.memory_space<vmem>>) semaphore(%arg12 : memref<!tpu.dma_semaphore, #tpu.memory_space<semaphore_mem>>)
        } else {
        }
        %scan3A_113 = arith.constant 0 : i32
        scf.yield %scan3A_113 : i32
      }
      %scan3A_79 = arith.constant 16 : i32
      %while3A_80 = arith.constant 0 : i32
      scf.yield %while3A_80 : i32
    }
    %barrier3A_50 = arith.constant 0 : index
    tpu.barrier barrier_id(%barrier3A_50)
    %mul3A_51 = arith.constant 640 : i32
    %mul3A_52 = arith.muli %arg1, %mul3A_51 : i32
    %mul3A_53 = arith.constant 640 : i32
    %mul3A_54 = arith.muli %arg1, %mul3A_53 : i32
    "tpu.region"() ({
      %run_scoped3A = tpu.sem_alloc : memref<!tpu.dma_semaphore, #tpu.memory_space<semaphore_mem>>
      %dma_start3A = arith.constant 0 : i32
      %dma_start3A_55 = tpu.memref_slice %arg5[%arg0, %mul3A_54, %dma_start3A] : memref<2x10240x128xf32, #tpu.memory_space<hbm>> -> memref<1x640x128xf32, #tpu.memory_space<hbm>>
      %dma_start3A_56 = tpu.memref_squeeze %dma_start3A_55 : memref<1x640x128xf32, #tpu.memory_space<hbm>> -> memref<640x128xf32, #tpu.memory_space<hbm>>
      %dma_start3A_57 = arith.constant 0 : i32
      %dma_start3A_58 = tpu.memref_slice %arg10[%mul3A_52, %dma_start3A_57] : memref<10240x128xf32, #tpu.memory_space<vmem_shared>> -> memref<640x128xf32, #tpu.memory_space<vmem_shared>>
      tpu.enqueue_dma source(%dma_start3A_58 : memref<640x128xf32, #tpu.memory_space<vmem_shared>>) target(%dma_start3A_56 : memref<640x128xf32, #tpu.memory_space<hbm>>) target_semaphore(%run_scoped3A : memref<!tpu.dma_semaphore, #tpu.memory_space<semaphore_mem>>)
      %dma_wait3A = arith.constant 0 : i32
      %dma_wait3A_59 = tpu.memref_slice %arg5[%arg0, %mul3A_54, %dma_wait3A] : memref<2x10240x128xf32, #tpu.memory_space<hbm>> -> memref<1x640x128xf32, #tpu.memory_space<hbm>>
      %dma_wait3A_60 = tpu.memref_squeeze %dma_wait3A_59 : memref<1x640x128xf32, #tpu.memory_space<hbm>> -> memref<640x128xf32, #tpu.memory_space<hbm>>
      %dma_wait3A_61 = arith.constant 0 : i32
      %dma_wait3A_62 = tpu.memref_slice %arg10[%mul3A_52, %dma_wait3A_61] : memref<10240x128xf32, #tpu.memory_space<vmem_shared>> -> memref<640x128xf32, #tpu.memory_space<vmem_shared>>
      tpu.wait_dma2 semaphore(%run_scoped3A : memref<!tpu.dma_semaphore, #tpu.memory_space<semaphore_mem>>) src(%dma_wait3A_62 : memref<640x128xf32, #tpu.memory_space<vmem_shared>>) dst(%dma_wait3A_60 : memref<640x128xf32, #tpu.memory_space<hbm>>)
      tpu.yield
    }) : () -> ()
    return
  }
}

#map = affine_map<(d0, d1) -> (0, 0)>
#map1 = affine_map<(d0, d1) -> (0)>
module attributes {stable_mosaic.version = 14 : i64} {
  func.func @_deg_body(%arg0: i32, %arg1: i32, %arg2: memref<2560x128xi32, #tpu.memory_space<hbm>>, %arg3: memref<20480xf32, #tpu.memory_space<hbm>>, %arg4: memref<80x128xi32, #tpu.memory_space<vmem>>, %arg5: memref<128xf32, #tpu.memory_space<vmem>>, %arg6: memref<640xf32, #tpu.memory_space<vmem>>, %arg7: memref<10240xf32, #tpu.memory_space<vmem_shared>>) attributes {dimension_semantics = [#tpu.dimension_semantics<core_parallel>, #tpu.dimension_semantics<subcore_parallel>], iteration_bounds = array<i64: 2, 16>, scalar_prefetch = 0 : i64, scratch_operands = 4 : i64, tpu.core_type = #tpu.core_type<sc_vector_subcore>, window_params = [{transform_indices = #map}, {transform_indices = #map1}]} {
    %mul3A = arith.constant 16 : i32
    %mul3A_0 = arith.muli %arg0, %mul3A : i32
    %add3A = arith.addi %mul3A_0, %arg1 : i32
    %mul3A_1 = arith.constant 80 : i32
    %mul3A_2 = arith.muli %add3A, %mul3A_1 : i32
    "tpu.region"() ({
      %run_scoped3A = tpu.sem_alloc : memref<!tpu.dma_semaphore, #tpu.memory_space<semaphore_mem>>
      %dma_start3A = arith.constant 0 : i32
      %dma_start3A_60 = tpu.memref_slice %arg2[%mul3A_2, %dma_start3A] : memref<2560x128xi32, #tpu.memory_space<hbm>> -> memref<80x128xi32, #tpu.memory_space<hbm>>
      %dma_start3A_61 = arith.constant 0 : i32
      %dma_start3A_62 = tpu.memref_slice %arg2[%mul3A_2, %dma_start3A_61] : memref<2560x128xi32, #tpu.memory_space<hbm>> -> memref<80x128xi32, #tpu.memory_space<hbm>>
      tpu.enqueue_dma source(%dma_start3A_62 : memref<80x128xi32, #tpu.memory_space<hbm>>) target(%arg4 : memref<80x128xi32, #tpu.memory_space<vmem>>) target_semaphore(%run_scoped3A : memref<!tpu.dma_semaphore, #tpu.memory_space<semaphore_mem>>)
      %dma_wait3A = arith.constant 0 : i32
      %dma_wait3A_63 = tpu.memref_slice %arg2[%mul3A_2, %dma_wait3A] : memref<2560x128xi32, #tpu.memory_space<hbm>> -> memref<80x128xi32, #tpu.memory_space<hbm>>
      %dma_wait3A_64 = arith.constant 0 : i32
      %dma_wait3A_65 = tpu.memref_slice %arg2[%mul3A_2, %dma_wait3A_64] : memref<2560x128xi32, #tpu.memory_space<hbm>> -> memref<80x128xi32, #tpu.memory_space<hbm>>
      tpu.wait_dma2 semaphore(%run_scoped3A : memref<!tpu.dma_semaphore, #tpu.memory_space<semaphore_mem>>) src(%dma_wait3A_65 : memref<80x128xi32, #tpu.memory_space<hbm>>) dst(%arg4 : memref<80x128xi32, #tpu.memory_space<vmem>>)
      tpu.yield
    }) : () -> ()
    %broadcast_in_dim3A = arith.constant 1.000000e+00 : f32
    %broadcast_in_dim3A_3 = vector.broadcast %broadcast_in_dim3A : f32 to vector<16xf32>
    %broadcast_in_dim3A_4 = arith.constant 0.000000e+00 : f32
    %broadcast_in_dim3A_5 = vector.broadcast %broadcast_in_dim3A_4 : f32 to vector<16xf32>
    %swap3A = arith.constant 0 : index
    %swap3A_6 = tpu.vector_load %arg5[%swap3A] {strides = array<i32>} : memref<128xf32, #tpu.memory_space<vmem>>, vector<16xf32>,
    %swap3A_7 = vector.shape_cast %swap3A_6 : vector<16xf32> to vector<16xf32>
    %swap3A_8 = vector.shape_cast %broadcast_in_dim3A_3 : vector<16xf32> to vector<16xf32>
    tpu.vector_store %arg5[%swap3A], %swap3A_8 {strides = array<i32>} : memref<128xf32, #tpu.memory_space<vmem>>, vector<16xf32>,
    %swap3A_9 = arith.constant 16 : index
    %swap3A_10 = tpu.vector_load %arg5[%swap3A_9] {strides = array<i32>} : memref<128xf32, #tpu.memory_space<vmem>>, vector<16xf32>,
    %swap3A_11 = vector.shape_cast %swap3A_10 : vector<16xf32> to vector<16xf32>
    %swap3A_12 = vector.shape_cast %broadcast_in_dim3A_3 : vector<16xf32> to vector<16xf32>
    tpu.vector_store %arg5[%swap3A_9], %swap3A_12 {strides = array<i32>} : memref<128xf32, #tpu.memory_space<vmem>>, vector<16xf32>,
    %swap3A_13 = arith.constant 32 : index
    %swap3A_14 = tpu.vector_load %arg5[%swap3A_13] {strides = array<i32>} : memref<128xf32, #tpu.memory_space<vmem>>, vector<16xf32>,
    %swap3A_15 = vector.shape_cast %swap3A_14 : vector<16xf32> to vector<16xf32>
    %swap3A_16 = vector.shape_cast %broadcast_in_dim3A_3 : vector<16xf32> to vector<16xf32>
    tpu.vector_store %arg5[%swap3A_13], %swap3A_16 {strides = array<i32>} : memref<128xf32, #tpu.memory_space<vmem>>, vector<16xf32>,
    %swap3A_17 = arith.constant 48 : index
    %swap3A_18 = tpu.vector_load %arg5[%swap3A_17] {strides = array<i32>} : memref<128xf32, #tpu.memory_space<vmem>>, vector<16xf32>,
    %swap3A_19 = vector.shape_cast %swap3A_18 : vector<16xf32> to vector<16xf32>
    %swap3A_20 = vector.shape_cast %broadcast_in_dim3A_3 : vector<16xf32> to vector<16xf32>
    tpu.vector_store %arg5[%swap3A_17], %swap3A_20 {strides = array<i32>} : memref<128xf32, #tpu.memory_space<vmem>>, vector<16xf32>,
    %swap3A_21 = arith.constant 64 : index
    %swap3A_22 = tpu.vector_load %arg5[%swap3A_21] {strides = array<i32>} : memref<128xf32, #tpu.memory_space<vmem>>, vector<16xf32>,
    %swap3A_23 = vector.shape_cast %swap3A_22 : vector<16xf32> to vector<16xf32>
    %swap3A_24 = vector.shape_cast %broadcast_in_dim3A_3 : vector<16xf32> to vector<16xf32>
    tpu.vector_store %arg5[%swap3A_21], %swap3A_24 {strides = array<i32>} : memref<128xf32, #tpu.memory_space<vmem>>, vector<16xf32>,
    %swap3A_25 = arith.constant 80 : index
    %swap3A_26 = tpu.vector_load %arg5[%swap3A_25] {strides = array<i32>} : memref<128xf32, #tpu.memory_space<vmem>>, vector<16xf32>,
    %swap3A_27 = vector.shape_cast %swap3A_26 : vector<16xf32> to vector<16xf32>
    %swap3A_28 = vector.shape_cast %broadcast_in_dim3A_3 : vector<16xf32> to vector<16xf32>
    tpu.vector_store %arg5[%swap3A_25], %swap3A_28 {strides = array<i32>} : memref<128xf32, #tpu.memory_space<vmem>>, vector<16xf32>,
    %swap3A_29 = arith.constant 96 : index
    %swap3A_30 = tpu.vector_load %arg5[%swap3A_29] {strides = array<i32>} : memref<128xf32, #tpu.memory_space<vmem>>, vector<16xf32>,
    %swap3A_31 = vector.shape_cast %swap3A_30 : vector<16xf32> to vector<16xf32>
    %swap3A_32 = vector.shape_cast %broadcast_in_dim3A_3 : vector<16xf32> to vector<16xf32>
    tpu.vector_store %arg5[%swap3A_29], %swap3A_32 {strides = array<i32>} : memref<128xf32, #tpu.memory_space<vmem>>, vector<16xf32>,
    %swap3A_33 = arith.constant 112 : index
    %swap3A_34 = tpu.vector_load %arg5[%swap3A_33] {strides = array<i32>} : memref<128xf32, #tpu.memory_space<vmem>>, vector<16xf32>,
    %swap3A_35 = vector.shape_cast %swap3A_34 : vector<16xf32> to vector<16xf32>
    %swap3A_36 = vector.shape_cast %broadcast_in_dim3A_3 : vector<16xf32> to vector<16xf32>
    tpu.vector_store %arg5[%swap3A_33], %swap3A_36 {strides = array<i32>} : memref<128xf32, #tpu.memory_space<vmem>>, vector<16xf32>,
    %scan3A = arith.constant 0 : i32
    %scan3A_37 = arith.constant 0 : i32
    %scan3A_38 = arith.constant 40 : i32
    %scan3A_39 = arith.addi %scan3A_37, %scan3A_38 : i32
    %scan3A_40 = arith.constant 1 : i32
    %scan3A_41 = scf.for %scan3A_60 = %scan3A_37 to %scan3A_39 step %scan3A_40 iter_args(%scan3A_61 = %scan3A) -> (i32)  : i32 {
      %mul3A_62 = arith.constant 16 : i32
      %mul3A_63 = arith.muli %scan3A_60, %mul3A_62 : i32
      %swap3A_64 = arith.index_cast %mul3A_63 : i32 to index
      %swap3A_65 = tpu.vector_load %arg6[%swap3A_64] {strides = array<i32>} : memref<640xf32, #tpu.memory_space<vmem>>, vector<16xf32>,
      %swap3A_66 = vector.shape_cast %swap3A_65 : vector<16xf32> to vector<16xf32>
      %swap3A_67 = vector.shape_cast %broadcast_in_dim3A_5 : vector<16xf32> to vector<16xf32>
      tpu.vector_store %arg6[%swap3A_64], %swap3A_67 {strides = array<i32>} : memref<640xf32, #tpu.memory_space<vmem>>, vector<16xf32>,
      %scan3A_68 = arith.constant 0 : i32
      scf.yield %scan3A_68 : i32
    }
    %scan3A_42 = arith.constant 40 : i32
    %mul3A_43 = arith.constant 640 : i32
    %mul3A_44 = arith.muli %arg1, %mul3A_43 : i32
    "tpu.region"() ({
      %run_scoped3A = tpu.sem_alloc : memref<!tpu.dma_semaphore, #tpu.memory_space<semaphore_mem>>
      %dma_start3A = tpu.memref_slice %arg7[%mul3A_44] : memref<10240xf32, #tpu.memory_space<vmem_shared>> -> memref<640xf32, #tpu.memory_space<vmem_shared>>
      %dma_start3A_60 = tpu.memref_slice %arg7[%mul3A_44] : memref<10240xf32, #tpu.memory_space<vmem_shared>> -> memref<640xf32, #tpu.memory_space<vmem_shared>>
      tpu.enqueue_dma source(%arg6 : memref<640xf32, #tpu.memory_space<vmem>>) target(%dma_start3A_60 : memref<640xf32, #tpu.memory_space<vmem_shared>>) target_semaphore(%run_scoped3A : memref<!tpu.dma_semaphore, #tpu.memory_space<semaphore_mem>>)
      %dma_wait3A = tpu.memref_slice %arg7[%mul3A_44] : memref<10240xf32, #tpu.memory_space<vmem_shared>> -> memref<640xf32, #tpu.memory_space<vmem_shared>>
      %dma_wait3A_61 = tpu.memref_slice %arg7[%mul3A_44] : memref<10240xf32, #tpu.memory_space<vmem_shared>> -> memref<640xf32, #tpu.memory_space<vmem_shared>>
      tpu.wait_dma2 semaphore(%run_scoped3A : memref<!tpu.dma_semaphore, #tpu.memory_space<semaphore_mem>>) src(%arg6 : memref<640xf32, #tpu.memory_space<vmem>>) dst(%dma_wait3A_61 : memref<640xf32, #tpu.memory_space<vmem_shared>>)
      tpu.yield
    }) : () -> ()
    %barrier3A = arith.constant 0 : index
    tpu.barrier barrier_id(%barrier3A)
    %scan3A_45 = arith.constant 0 : i32
    %scan3A_46 = arith.constant 0 : i32
    %scan3A_47 = arith.constant 80 : i32
    %scan3A_48 = arith.addi %scan3A_46, %scan3A_47 : i32
    %scan3A_49 = arith.constant 1 : i32
    %scan3A_50 = scf.for %scan3A_60 = %scan3A_46 to %scan3A_48 step %scan3A_49 iter_args(%scan3A_61 = %scan3A_45) -> (i32)  : i32 {
      "tpu.region"() ({
        %run_scoped3A = tpu.sem_alloc : memref<!tpu.dma_semaphore, #tpu.memory_space<semaphore_mem>>
        %dma_start3A = arith.constant 0 : i32
        %dma_start3A_63 = tpu.memref_slice %arg4[%scan3A_60, %dma_start3A] : memref<80x128xi32, #tpu.memory_space<vmem>> -> memref<1x128xi32, #tpu.memory_space<vmem>>
        %dma_start3A_64 = tpu.memref_squeeze %dma_start3A_63 : memref<1x128xi32, #tpu.memory_space<vmem>> -> memref<128xi32, #tpu.memory_space<vmem>>
        %dma_start3A_65 = arith.constant 0 : i32
        %dma_start3A_66 = tpu.memref_slice %arg7[%dma_start3A_65] : memref<10240xf32, #tpu.memory_space<vmem_shared>> -> memref<10240xf32, #tpu.memory_space<vmem_shared>>
        tpu.enqueue_indirect_dma source(%arg5 : memref<128xf32, #tpu.memory_space<vmem>>) target(%dma_start3A_66 : memref<10240xf32, #tpu.memory_space<vmem_shared>>) offsets(%dma_start3A_64 : memref<128xi32, #tpu.memory_space<vmem>>) semaphore(%run_scoped3A : memref<!tpu.dma_semaphore, #tpu.memory_space<semaphore_mem>>) {add = true}
        %dma_wait3A = arith.constant 0 : i32
        %dma_wait3A_67 = tpu.memref_slice %arg4[%scan3A_60, %dma_wait3A] : memref<80x128xi32, #tpu.memory_space<vmem>> -> memref<1x128xi32, #tpu.memory_space<vmem>>
        %dma_wait3A_68 = tpu.memref_squeeze %dma_wait3A_67 : memref<1x128xi32, #tpu.memory_space<vmem>> -> memref<128xi32, #tpu.memory_space<vmem>>
        %dma_wait3A_69 = arith.constant 0 : i32
        %dma_wait3A_70 = tpu.memref_slice %arg7[%dma_wait3A_69] : memref<10240xf32, #tpu.memory_space<vmem_shared>> -> memref<10240xf32, #tpu.memory_space<vmem_shared>>
        tpu.wait_indirect_dma semaphore(%run_scoped3A : memref<!tpu.dma_semaphore, #tpu.memory_space<semaphore_mem>>) src(%arg5 : memref<128xf32, #tpu.memory_space<vmem>>) dst(%dma_wait3A_70 : memref<10240xf32, #tpu.memory_space<vmem_shared>>)
        tpu.yield
      }) : () -> ()
      %scan3A_62 = arith.constant 0 : i32
      scf.yield %scan3A_62 : i32
    }
    %scan3A_51 = arith.constant 80 : i32
    %barrier3A_52 = arith.constant 0 : index
    tpu.barrier barrier_id(%barrier3A_52)
    %mul3A_53 = arith.constant 640 : i32
    %mul3A_54 = arith.muli %arg1, %mul3A_53 : i32
    %mul3A_55 = arith.constant 10240 : i32
    %mul3A_56 = arith.muli %arg0, %mul3A_55 : i32
    %mul3A_57 = arith.constant 640 : i32
    %mul3A_58 = arith.muli %arg1, %mul3A_57 : i32
    %add3A_59 = arith.addi %mul3A_56, %mul3A_58 : i32
    "tpu.region"() ({
      %run_scoped3A = tpu.sem_alloc : memref<!tpu.dma_semaphore, #tpu.memory_space<semaphore_mem>>
      %dma_start3A = tpu.memref_slice %arg3[%add3A_59] : memref<20480xf32, #tpu.memory_space<hbm>> -> memref<640xf32, #tpu.memory_space<hbm>>
      %dma_start3A_60 = tpu.memref_slice %arg7[%mul3A_54] : memref<10240xf32, #tpu.memory_space<vmem_shared>> -> memref<640xf32, #tpu.memory_space<vmem_shared>>
      tpu.enqueue_dma source(%dma_start3A_60 : memref<640xf32, #tpu.memory_space<vmem_shared>>) target(%dma_start3A : memref<640xf32, #tpu.memory_space<hbm>>) target_semaphore(%run_scoped3A : memref<!tpu.dma_semaphore, #tpu.memory_space<semaphore_mem>>)
      %dma_wait3A = tpu.memref_slice %arg3[%add3A_59] : memref<20480xf32, #tpu.memory_space<hbm>> -> memref<640xf32, #tpu.memory_space<hbm>>
      %dma_wait3A_61 = tpu.memref_slice %arg7[%mul3A_54] : memref<10240xf32, #tpu.memory_space<vmem_shared>> -> memref<640xf32, #tpu.memory_space<vmem_shared>>
      tpu.wait_dma2 semaphore(%run_scoped3A : memref<!tpu.dma_semaphore, #tpu.memory_space<semaphore_mem>>) src(%dma_wait3A_61 : memref<640xf32, #tpu.memory_space<vmem_shared>>) dst(%dma_wait3A : memref<640xf32, #tpu.memory_space<hbm>>)
      tpu.yield
    }) : () -> ()
    return
  }
}

#map = affine_map<(d0, d1) -> (0, 0)>
#map1 = affine_map<(d0, d1) -> (0, 0, 0)>
module attributes {stable_mosaic.version = 14 : i64} {
  func.func @_scat_body(%arg0: i32, %arg1: i32, %arg2: memref<10240x128xf32, #tpu.memory_space<hbm>>, %arg3: memref<2560x128xi32, #tpu.memory_space<hbm>>, %arg4: memref<2560x128xi32, #tpu.memory_space<hbm>>, %arg5: memref<2x10240x128xf32, #tpu.memory_space<hbm>>, %arg6: memref<32x128xi32, #tpu.memory_space<vmem>>, %arg7: memref<32x128xi32, #tpu.memory_space<vmem>>, %arg8: memref<128x128xf32, #tpu.memory_space<vmem>>, %arg9: memref<128x128xf32, #tpu.memory_space<vmem>>, %arg10: memref<10240x128xf32, #tpu.memory_space<vmem_shared>>, %arg11: memref<!tpu.dma_semaphore, #tpu.memory_space<semaphore_mem>>, %arg12: memref<!tpu.dma_semaphore, #tpu.memory_space<semaphore_mem>>, %arg13: memref<!tpu.dma_semaphore, #tpu.memory_space<semaphore_mem>>, %arg14: memref<!tpu.dma_semaphore, #tpu.memory_space<semaphore_mem>>) attributes {dimension_semantics = [#tpu.dimension_semantics<core_parallel>, #tpu.dimension_semantics<subcore_parallel>], iteration_bounds = array<i64: 2, 16>, scalar_prefetch = 0 : i64, scratch_operands = 9 : i64, tpu.core_type = #tpu.core_type<sc_vector_subcore>, window_params = [{transform_indices = #map}, {transform_indices = #map}, {transform_indices = #map}, {transform_indices = #map1}]} {
    %mul3A = arith.constant 16 : i32
    %mul3A_0 = arith.muli %arg0, %mul3A : i32
    %add3A = arith.addi %mul3A_0, %arg1 : i32
    %broadcast_in_dim3A = arith.constant 0.000000e+00 : f32
    %broadcast_in_dim3A_1 = vector.broadcast %broadcast_in_dim3A : f32 to vector<16xf32>
    %scan3A = arith.constant 0 : i32
    %scan3A_2 = arith.constant 0 : i32
    %scan3A_3 = arith.constant 1024 : i32
    %scan3A_4 = arith.addi %scan3A_2, %scan3A_3 : i32
    %scan3A_5 = arith.constant 1 : i32
    %scan3A_6 = scf.for %scan3A_55 = %scan3A_2 to %scan3A_4 step %scan3A_5 iter_args(%scan3A_56 = %scan3A) -> (i32)  : i32 {
      %jit3A_57 = arith.constant 8 : i32
      %div3A = arith.divsi %scan3A_55, %jit3A_57 : i32
      %sign3A = arith.constant 0 : i32
      %sign3A_58 = arith.cmpi sgt, %scan3A_55, %sign3A : i32
      %sign3A_59 = arith.extui %sign3A_58 : i1 to i32
      %sign3A_60 = arith.constant 0 : i32
      %sign3A_61 = arith.cmpi slt, %scan3A_55, %sign3A_60 : i32
      %sign3A_62 = arith.extui %sign3A_61 : i1 to i32
      %sign3A_63 = arith.subi %sign3A_59, %sign3A_62 : i32
      %sign3A_64 = arith.constant 0 : i32
      %sign3A_65 = arith.cmpi sgt, %jit3A_57, %sign3A_64 : i32
      %sign3A_66 = arith.extui %sign3A_65 : i1 to i32
      %sign3A_67 = arith.constant 0 : i32
      %sign3A_68 = arith.cmpi slt, %jit3A_57, %sign3A_67 : i32
      %sign3A_69 = arith.extui %sign3A_68 : i1 to i32
      %sign3A_70 = arith.subi %sign3A_66, %sign3A_69 : i32
      %ne3A = arith.cmpi ne, %sign3A_63, %sign3A_70 : i32
      %rem3A = arith.remsi %scan3A_55, %jit3A_57 : i32
      %ne3A_71 = arith.constant 0 : i32
      %ne3A_72 = arith.cmpi ne, %rem3A, %ne3A_71 : i32
      %and3A = arith.andi %ne3A, %ne3A_72 : i1
      %sub3A = arith.constant 1 : i32
      %sub3A_73 = arith.subi %div3A, %sub3A : i32
      %select_n3A_74 = arith.select %and3A, %sub3A_73, %div3A : i32
      %jit3A_75 = arith.constant 8 : i32
      %eq3A_76 = arith.constant 0 : i32
      %eq3A_77 = arith.cmpi eq, %jit3A_75, %eq3A_76 : i32
      %jit3A_78 = arith.constant 1 : i32
      %select_n3A_79 = arith.select %eq3A_77, %jit3A_78, %jit3A_75 : i32
      %rem3A_80 = arith.remsi %scan3A_55, %select_n3A_79 : i32
      %ne3A_81 = arith.constant 0 : i32
      %ne3A_82 = arith.cmpi ne, %rem3A_80, %ne3A_81 : i32
      %lt3A = arith.constant 0 : i32
      %lt3A_83 = arith.cmpi slt, %rem3A_80, %lt3A : i32
      %lt3A_84 = arith.constant 0 : i32
      %lt3A_85 = arith.cmpi slt, %select_n3A_79, %lt3A_84 : i32
      %ne3A_86 = arith.xori %lt3A_83, %lt3A_85 : i1
      %and3A_87 = arith.andi %ne3A_86, %ne3A_82 : i1
      %add3A_88 = arith.addi %rem3A_80, %select_n3A_79 : i32
      %select_n3A_89 = arith.select %and3A_87, %add3A_88, %rem3A_80 : i32
      %mul3A_90 = arith.constant 16 : i32
      %mul3A_91 = arith.muli %select_n3A_89, %mul3A_90 : i32
      %swap3A = arith.index_cast %select_n3A_74 : i32 to index
      %swap3A_92 = arith.index_cast %mul3A_91 : i32 to index
      %swap3A_93 = tpu.vector_load %arg8[%swap3A, %swap3A_92] {strides = array<i32>} : memref<128x128xf32, #tpu.memory_space<vmem>>, vector<1x16xf32>,
      %swap3A_94 = vector.shape_cast %swap3A_93 : vector<1x16xf32> to vector<16xf32>
      %swap3A_95 = vector.shape_cast %broadcast_in_dim3A_1 : vector<16xf32> to vector<1x16xf32>
      tpu.vector_store %arg8[%swap3A, %swap3A_92], %swap3A_95 {strides = array<i32>} : memref<128x128xf32, #tpu.memory_space<vmem>>, vector<1x16xf32>,
      %scan3A_96 = arith.constant 0 : i32
      scf.yield %scan3A_96 : i32
    }
    %scan3A_7 = arith.constant 1024 : i32
    %mul3A_8 = arith.constant 640 : i32
    %mul3A_9 = arith.muli %arg1, %mul3A_8 : i32
    %add3A_10 = arith.constant 0 : i32
    %add3A_11 = arith.addi %mul3A_9, %add3A_10 : i32
    "tpu.region"() ({
      %run_scoped3A = tpu.sem_alloc : memref<!tpu.dma_semaphore, #tpu.memory_space<semaphore_mem>>
      %dma_start3A = arith.constant 0 : i32
      %dma_start3A_55 = tpu.memref_slice %arg10[%add3A_11, %dma_start3A] : memref<10240x128xf32, #tpu.memory_space<vmem_shared>> -> memref<128x128xf32, #tpu.memory_space<vmem_shared>>
      %dma_start3A_56 = arith.constant 0 : i32
      %dma_start3A_57 = tpu.memref_slice %arg10[%add3A_11, %dma_start3A_56] : memref<10240x128xf32, #tpu.memory_space<vmem_shared>> -> memref<128x128xf32, #tpu.memory_space<vmem_shared>>
      tpu.enqueue_dma source(%arg8 : memref<128x128xf32, #tpu.memory_space<vmem>>) target(%dma_start3A_57 : memref<128x128xf32, #tpu.memory_space<vmem_shared>>) target_semaphore(%run_scoped3A : memref<!tpu.dma_semaphore, #tpu.memory_space<semaphore_mem>>)
      %dma_wait3A = arith.constant 0 : i32
      %dma_wait3A_58 = tpu.memref_slice %arg10[%add3A_11, %dma_wait3A] : memref<10240x128xf32, #tpu.memory_space<vmem_shared>> -> memref<128x128xf32, #tpu.memory_space<vmem_shared>>
      %dma_wait3A_59 = arith.constant 0 : i32
      %dma_wait3A_60 = tpu.memref_slice %arg10[%add3A_11, %dma_wait3A_59] : memref<10240x128xf32, #tpu.memory_space<vmem_shared>> -> memref<128x128xf32, #tpu.memory_space<vmem_shared>>
      tpu.wait_dma2 semaphore(%run_scoped3A : memref<!tpu.dma_semaphore, #tpu.memory_space<semaphore_mem>>) src(%arg8 : memref<128x128xf32, #tpu.memory_space<vmem>>) dst(%dma_wait3A_60 : memref<128x128xf32, #tpu.memory_space<vmem_shared>>)
      tpu.yield
    }) : () -> ()
    %mul3A_12 = arith.constant 640 : i32
    %mul3A_13 = arith.muli %arg1, %mul3A_12 : i32
    %add3A_14 = arith.constant 128 : i32
    %add3A_15 = arith.addi %mul3A_13, %add3A_14 : i32
    "tpu.region"() ({
      %run_scoped3A = tpu.sem_alloc : memref<!tpu.dma_semaphore, #tpu.memory_space<semaphore_mem>>
      %dma_start3A = arith.constant 0 : i32
      %dma_start3A_55 = tpu.memref_slice %arg10[%add3A_15, %dma_start3A] : memref<10240x128xf32, #tpu.memory_space<vmem_shared>> -> memref<128x128xf32, #tpu.memory_space<vmem_shared>>
      %dma_start3A_56 = arith.constant 0 : i32
      %dma_start3A_57 = tpu.memref_slice %arg10[%add3A_15, %dma_start3A_56] : memref<10240x128xf32, #tpu.memory_space<vmem_shared>> -> memref<128x128xf32, #tpu.memory_space<vmem_shared>>
      tpu.enqueue_dma source(%arg8 : memref<128x128xf32, #tpu.memory_space<vmem>>) target(%dma_start3A_57 : memref<128x128xf32, #tpu.memory_space<vmem_shared>>) target_semaphore(%run_scoped3A : memref<!tpu.dma_semaphore, #tpu.memory_space<semaphore_mem>>)
      %dma_wait3A = arith.constant 0 : i32
      %dma_wait3A_58 = tpu.memref_slice %arg10[%add3A_15, %dma_wait3A] : memref<10240x128xf32, #tpu.memory_space<vmem_shared>> -> memref<128x128xf32, #tpu.memory_space<vmem_shared>>
      %dma_wait3A_59 = arith.constant 0 : i32
      %dma_wait3A_60 = tpu.memref_slice %arg10[%add3A_15, %dma_wait3A_59] : memref<10240x128xf32, #tpu.memory_space<vmem_shared>> -> memref<128x128xf32, #tpu.memory_space<vmem_shared>>
      tpu.wait_dma2 semaphore(%run_scoped3A : memref<!tpu.dma_semaphore, #tpu.memory_space<semaphore_mem>>) src(%arg8 : memref<128x128xf32, #tpu.memory_space<vmem>>) dst(%dma_wait3A_60 : memref<128x128xf32, #tpu.memory_space<vmem_shared>>)
      tpu.yield
    }) : () -> ()
    %mul3A_16 = arith.constant 640 : i32
    %mul3A_17 = arith.muli %arg1, %mul3A_16 : i32
    %add3A_18 = arith.constant 256 : i32
    %add3A_19 = arith.addi %mul3A_17, %add3A_18 : i32
    "tpu.region"() ({
      %run_scoped3A = tpu.sem_alloc : memref<!tpu.dma_semaphore, #tpu.memory_space<semaphore_mem>>
      %dma_start3A = arith.constant 0 : i32
      %dma_start3A_55 = tpu.memref_slice %arg10[%add3A_19, %dma_start3A] : memref<10240x128xf32, #tpu.memory_space<vmem_shared>> -> memref<128x128xf32, #tpu.memory_space<vmem_shared>>
      %dma_start3A_56 = arith.constant 0 : i32
      %dma_start3A_57 = tpu.memref_slice %arg10[%add3A_19, %dma_start3A_56] : memref<10240x128xf32, #tpu.memory_space<vmem_shared>> -> memref<128x128xf32, #tpu.memory_space<vmem_shared>>
      tpu.enqueue_dma source(%arg8 : memref<128x128xf32, #tpu.memory_space<vmem>>) target(%dma_start3A_57 : memref<128x128xf32, #tpu.memory_space<vmem_shared>>) target_semaphore(%run_scoped3A : memref<!tpu.dma_semaphore, #tpu.memory_space<semaphore_mem>>)
      %dma_wait3A = arith.constant 0 : i32
      %dma_wait3A_58 = tpu.memref_slice %arg10[%add3A_19, %dma_wait3A] : memref<10240x128xf32, #tpu.memory_space<vmem_shared>> -> memref<128x128xf32, #tpu.memory_space<vmem_shared>>
      %dma_wait3A_59 = arith.constant 0 : i32
      %dma_wait3A_60 = tpu.memref_slice %arg10[%add3A_19, %dma_wait3A_59] : memref<10240x128xf32, #tpu.memory_space<vmem_shared>> -> memref<128x128xf32, #tpu.memory_space<vmem_shared>>
      tpu.wait_dma2 semaphore(%run_scoped3A : memref<!tpu.dma_semaphore, #tpu.memory_space<semaphore_mem>>) src(%arg8 : memref<128x128xf32, #tpu.memory_space<vmem>>) dst(%dma_wait3A_60 : memref<128x128xf32, #tpu.memory_space<vmem_shared>>)
      tpu.yield
    }) : () -> ()
    %mul3A_20 = arith.constant 640 : i32
    %mul3A_21 = arith.muli %arg1, %mul3A_20 : i32
    %add3A_22 = arith.constant 384 : i32
    %add3A_23 = arith.addi %mul3A_21, %add3A_22 : i32
    "tpu.region"() ({
      %run_scoped3A = tpu.sem_alloc : memref<!tpu.dma_semaphore, #tpu.memory_space<semaphore_mem>>
      %dma_start3A = arith.constant 0 : i32
      %dma_start3A_55 = tpu.memref_slice %arg10[%add3A_23, %dma_start3A] : memref<10240x128xf32, #tpu.memory_space<vmem_shared>> -> memref<128x128xf32, #tpu.memory_space<vmem_shared>>
      %dma_start3A_56 = arith.constant 0 : i32
      %dma_start3A_57 = tpu.memref_slice %arg10[%add3A_23, %dma_start3A_56] : memref<10240x128xf32, #tpu.memory_space<vmem_shared>> -> memref<128x128xf32, #tpu.memory_space<vmem_shared>>
      tpu.enqueue_dma source(%arg8 : memref<128x128xf32, #tpu.memory_space<vmem>>) target(%dma_start3A_57 : memref<128x128xf32, #tpu.memory_space<vmem_shared>>) target_semaphore(%run_scoped3A : memref<!tpu.dma_semaphore, #tpu.memory_space<semaphore_mem>>)
      %dma_wait3A = arith.constant 0 : i32
      %dma_wait3A_58 = tpu.memref_slice %arg10[%add3A_23, %dma_wait3A] : memref<10240x128xf32, #tpu.memory_space<vmem_shared>> -> memref<128x128xf32, #tpu.memory_space<vmem_shared>>
      %dma_wait3A_59 = arith.constant 0 : i32
      %dma_wait3A_60 = tpu.memref_slice %arg10[%add3A_23, %dma_wait3A_59] : memref<10240x128xf32, #tpu.memory_space<vmem_shared>> -> memref<128x128xf32, #tpu.memory_space<vmem_shared>>
      tpu.wait_dma2 semaphore(%run_scoped3A : memref<!tpu.dma_semaphore, #tpu.memory_space<semaphore_mem>>) src(%arg8 : memref<128x128xf32, #tpu.memory_space<vmem>>) dst(%dma_wait3A_60 : memref<128x128xf32, #tpu.memory_space<vmem_shared>>)
      tpu.yield
    }) : () -> ()
    %mul3A_24 = arith.constant 640 : i32
    %mul3A_25 = arith.muli %arg1, %mul3A_24 : i32
    %add3A_26 = arith.constant 512 : i32
    %add3A_27 = arith.addi %mul3A_25, %add3A_26 : i32
    "tpu.region"() ({
      %run_scoped3A = tpu.sem_alloc : memref<!tpu.dma_semaphore, #tpu.memory_space<semaphore_mem>>
      %dma_start3A = arith.constant 0 : i32
      %dma_start3A_55 = tpu.memref_slice %arg10[%add3A_27, %dma_start3A] : memref<10240x128xf32, #tpu.memory_space<vmem_shared>> -> memref<128x128xf32, #tpu.memory_space<vmem_shared>>
      %dma_start3A_56 = arith.constant 0 : i32
      %dma_start3A_57 = tpu.memref_slice %arg10[%add3A_27, %dma_start3A_56] : memref<10240x128xf32, #tpu.memory_space<vmem_shared>> -> memref<128x128xf32, #tpu.memory_space<vmem_shared>>
      tpu.enqueue_dma source(%arg8 : memref<128x128xf32, #tpu.memory_space<vmem>>) target(%dma_start3A_57 : memref<128x128xf32, #tpu.memory_space<vmem_shared>>) target_semaphore(%run_scoped3A : memref<!tpu.dma_semaphore, #tpu.memory_space<semaphore_mem>>)
      %dma_wait3A = arith.constant 0 : i32
      %dma_wait3A_58 = tpu.memref_slice %arg10[%add3A_27, %dma_wait3A] : memref<10240x128xf32, #tpu.memory_space<vmem_shared>> -> memref<128x128xf32, #tpu.memory_space<vmem_shared>>
      %dma_wait3A_59 = arith.constant 0 : i32
      %dma_wait3A_60 = tpu.memref_slice %arg10[%add3A_27, %dma_wait3A_59] : memref<10240x128xf32, #tpu.memory_space<vmem_shared>> -> memref<128x128xf32, #tpu.memory_space<vmem_shared>>
      tpu.wait_dma2 semaphore(%run_scoped3A : memref<!tpu.dma_semaphore, #tpu.memory_space<semaphore_mem>>) src(%arg8 : memref<128x128xf32, #tpu.memory_space<vmem>>) dst(%dma_wait3A_60 : memref<128x128xf32, #tpu.memory_space<vmem_shared>>)
      tpu.yield
    }) : () -> ()
    %barrier3A = arith.constant 0 : index
    tpu.barrier barrier_id(%barrier3A)
    %eq3A = arith.constant 0 : i32
    %eq3A_28 = arith.cmpi eq, %arg0, %eq3A : i32
    %jit3A = arith.constant 4 : i32
    %jit3A_29 = arith.constant 1 : i32
    %select_n3A = arith.select %eq3A_28, %jit3A, %jit3A_29 : i32
    %eq3A_30 = arith.constant 0 : i32
    %eq3A_31 = arith.cmpi eq, %arg0, %eq3A_30 : i32
    %mul3A_32 = arith.constant 128 : i32
    %mul3A_33 = arith.muli %arg1, %mul3A_32 : i32
    %mul3A_34 = arith.constant 32 : i32
    %mul3A_35 = arith.muli %arg1, %mul3A_34 : i32
    %add3A_36 = arith.constant 2048 : i32
    %add3A_37 = arith.addi %add3A_36, %mul3A_35 : i32
    %select_n3A_38 = arith.select %eq3A_31, %mul3A_33, %add3A_37 : i32
    %while3A = arith.constant 0 : i32
    %while3A_39 = arith.constant 0 : i32
    %while3A_40 = arith.subi %select_n3A, %while3A : i32
    %while3A_41 = arith.addi %while3A, %while3A_40 : i32
    %while3A_42 = arith.constant 1 : i32
    %while3A_43 = arith.divsi %while3A_40, %while3A_42 : i32
    %while3A_44 = arith.muli %while3A_43, %while3A_42 : i32
    %while3A_45 = arith.addi %while3A, %while3A_44 : i32
    %while3A_46 = arith.constant 1 : i32
    %while3A_47 = scf.for %while3A_55 = %while3A to %while3A_45 step %while3A_46 iter_args(%while3A_56 = %while3A_39) -> (i32)  : i32 {
      %mul3A_57 = arith.constant 32 : i32
      %mul3A_58 = arith.muli %while3A_55, %mul3A_57 : i32
      %add3A_59 = arith.addi %select_n3A_38, %mul3A_58 : i32
      %multiple_of3A = tpu.assume_multiple %add3A_59, 8 : i32
      "tpu.region"() ({
        %run_scoped3A = tpu.sem_alloc : memref<!tpu.dma_semaphore, #tpu.memory_space<semaphore_mem>>
        %dma_start3A_81 = arith.constant 0 : i32
        %dma_start3A_82 = tpu.memref_slice %arg3[%multiple_of3A, %dma_start3A_81] : memref<2560x128xi32, #tpu.memory_space<hbm>> -> memref<32x128xi32, #tpu.memory_space<hbm>>
        %dma_start3A_83 = arith.constant 0 : i32
        %dma_start3A_84 = tpu.memref_slice %arg3[%multiple_of3A, %dma_start3A_83] : memref<2560x128xi32, #tpu.memory_space<hbm>> -> memref<32x128xi32, #tpu.memory_space<hbm>>
        tpu.enqueue_dma source(%dma_start3A_84 : memref<32x128xi32, #tpu.memory_space<hbm>>) target(%arg6 : memref<32x128xi32, #tpu.memory_space<vmem>>) target_semaphore(%run_scoped3A : memref<!tpu.dma_semaphore, #tpu.memory_space<semaphore_mem>>)
        %dma_wait3A = arith.constant 0 : i32
        %dma_wait3A_85 = tpu.memref_slice %arg3[%multiple_of3A, %dma_wait3A] : memref<2560x128xi32, #tpu.memory_space<hbm>> -> memref<32x128xi32, #tpu.memory_space<hbm>>
        %dma_wait3A_86 = arith.constant 0 : i32
        %dma_wait3A_87 = tpu.memref_slice %arg3[%multiple_of3A, %dma_wait3A_86] : memref<2560x128xi32, #tpu.memory_space<hbm>> -> memref<32x128xi32, #tpu.memory_space<hbm>>
        tpu.wait_dma2 semaphore(%run_scoped3A : memref<!tpu.dma_semaphore, #tpu.memory_space<semaphore_mem>>) src(%dma_wait3A_87 : memref<32x128xi32, #tpu.memory_space<hbm>>) dst(%arg6 : memref<32x128xi32, #tpu.memory_space<vmem>>)
        tpu.yield
      }) : () -> ()
      "tpu.region"() ({
        %run_scoped3A = tpu.sem_alloc : memref<!tpu.dma_semaphore, #tpu.memory_space<semaphore_mem>>
        %dma_start3A_81 = arith.constant 0 : i32
        %dma_start3A_82 = tpu.memref_slice %arg4[%multiple_of3A, %dma_start3A_81] : memref<2560x128xi32, #tpu.memory_space<hbm>> -> memref<32x128xi32, #tpu.memory_space<hbm>>
        %dma_start3A_83 = arith.constant 0 : i32
        %dma_start3A_84 = tpu.memref_slice %arg4[%multiple_of3A, %dma_start3A_83] : memref<2560x128xi32, #tpu.memory_space<hbm>> -> memref<32x128xi32, #tpu.memory_space<hbm>>
        tpu.enqueue_dma source(%dma_start3A_84 : memref<32x128xi32, #tpu.memory_space<hbm>>) target(%arg7 : memref<32x128xi32, #tpu.memory_space<vmem>>) target_semaphore(%run_scoped3A : memref<!tpu.dma_semaphore, #tpu.memory_space<semaphore_mem>>)
        %dma_wait3A = arith.constant 0 : i32
        %dma_wait3A_85 = tpu.memref_slice %arg4[%multiple_of3A, %dma_wait3A] : memref<2560x128xi32, #tpu.memory_space<hbm>> -> memref<32x128xi32, #tpu.memory_space<hbm>>
        %dma_wait3A_86 = arith.constant 0 : i32
        %dma_wait3A_87 = tpu.memref_slice %arg4[%multiple_of3A, %dma_wait3A_86] : memref<2560x128xi32, #tpu.memory_space<hbm>> -> memref<32x128xi32, #tpu.memory_space<hbm>>
        tpu.wait_dma2 semaphore(%run_scoped3A : memref<!tpu.dma_semaphore, #tpu.memory_space<semaphore_mem>>) src(%dma_wait3A_87 : memref<32x128xi32, #tpu.memory_space<hbm>>) dst(%arg7 : memref<32x128xi32, #tpu.memory_space<vmem>>)
        tpu.yield
      }) : () -> ()
      %dma_start3A = arith.constant 0 : i32
      %dma_start3A_60 = arith.constant 0 : i32
      %dma_start3A_61 = tpu.memref_slice %arg6[%dma_start3A, %dma_start3A_60] : memref<32x128xi32, #tpu.memory_space<vmem>> -> memref<1x128xi32, #tpu.memory_space<vmem>>
      %dma_start3A_62 = tpu.memref_squeeze %dma_start3A_61 : memref<1x128xi32, #tpu.memory_space<vmem>> -> memref<128xi32, #tpu.memory_space<vmem>>
      %dma_start3A_63 = arith.constant 0 : i32
      %dma_start3A_64 = arith.constant 0 : i32
      %dma_start3A_65 = tpu.memref_slice %arg2[%dma_start3A_63, %dma_start3A_64] : memref<10240x128xf32, #tpu.memory_space<hbm>> -> memref<10240x128xf32, #tpu.memory_space<hbm>>
      tpu.enqueue_indirect_dma source(%dma_start3A_65 : memref<10240x128xf32, #tpu.memory_space<hbm>>) target(%arg8 : memref<128x128xf32, #tpu.memory_space<vmem>>) offsets(%dma_start3A_62 : memref<128xi32, #tpu.memory_space<vmem>>) semaphore(%arg11 : memref<!tpu.dma_semaphore, #tpu.memory_space<semaphore_mem>>)
      %dma_start3A_66 = arith.constant 1 : i32
      %dma_start3A_67 = arith.constant 0 : i32
      %dma_start3A_68 = tpu.memref_slice %arg6[%dma_start3A_66, %dma_start3A_67] : memref<32x128xi32, #tpu.memory_space<vmem>> -> memref<1x128xi32, #tpu.memory_space<vmem>>
      %dma_start3A_69 = tpu.memref_squeeze %dma_start3A_68 : memref<1x128xi32, #tpu.memory_space<vmem>> -> memref<128xi32, #tpu.memory_space<vmem>>
      %dma_start3A_70 = arith.constant 0 : i32
      %dma_start3A_71 = arith.constant 0 : i32
      %dma_start3A_72 = tpu.memref_slice %arg2[%dma_start3A_70, %dma_start3A_71] : memref<10240x128xf32, #tpu.memory_space<hbm>> -> memref<10240x128xf32, #tpu.memory_space<hbm>>
      tpu.enqueue_indirect_dma source(%dma_start3A_72 : memref<10240x128xf32, #tpu.memory_space<hbm>>) target(%arg9 : memref<128x128xf32, #tpu.memory_space<vmem>>) offsets(%dma_start3A_69 : memref<128xi32, #tpu.memory_space<vmem>>) semaphore(%arg12 : memref<!tpu.dma_semaphore, #tpu.memory_space<semaphore_mem>>)
      %scan3A_73 = arith.constant 0 : i32
      %scan3A_74 = arith.constant 0 : i32
      %scan3A_75 = arith.constant 16 : i32
      %scan3A_76 = arith.addi %scan3A_74, %scan3A_75 : i32
      %scan3A_77 = arith.constant 1 : i32
      %scan3A_78 = scf.for %scan3A_81 = %scan3A_74 to %scan3A_76 step %scan3A_77 iter_args(%scan3A_82 = %scan3A_73) -> (i32)  : i32 {
        %mul3A_83 = arith.constant 2 : i32
        %mul3A_84 = arith.muli %mul3A_83, %scan3A_81 : i32
        %dma_wait3A = arith.constant 0 : i32
        %dma_wait3A_85 = tpu.memref_slice %arg6[%mul3A_84, %dma_wait3A] : memref<32x128xi32, #tpu.memory_space<vmem>> -> memref<1x128xi32, #tpu.memory_space<vmem>>
        %dma_wait3A_86 = tpu.memref_squeeze %dma_wait3A_85 : memref<1x128xi32, #tpu.memory_space<vmem>> -> memref<128xi32, #tpu.memory_space<vmem>>
        %dma_wait3A_87 = arith.constant 0 : i32
        %dma_wait3A_88 = arith.constant 0 : i32
        %dma_wait3A_89 = tpu.memref_slice %arg2[%dma_wait3A_87, %dma_wait3A_88] : memref<10240x128xf32, #tpu.memory_space<hbm>> -> memref<10240x128xf32, #tpu.memory_space<hbm>>
        tpu.wait_indirect_dma semaphore(%arg11 : memref<!tpu.dma_semaphore, #tpu.memory_space<semaphore_mem>>) src(%dma_wait3A_89 : memref<10240x128xf32, #tpu.memory_space<hbm>>) dst(%arg8 : memref<128x128xf32, #tpu.memory_space<vmem>>)
        %mul3A_90 = arith.constant 2 : i32
        %mul3A_91 = arith.muli %mul3A_90, %scan3A_81 : i32
        "tpu.region"() ({
          %run_scoped3A = tpu.sem_alloc : memref<!tpu.dma_semaphore, #tpu.memory_space<semaphore_mem>>
          %dma_start3A_114 = arith.constant 0 : i32
          %dma_start3A_115 = tpu.memref_slice %arg7[%mul3A_91, %dma_start3A_114] : memref<32x128xi32, #tpu.memory_space<vmem>> -> memref<1x128xi32, #tpu.memory_space<vmem>>
          %dma_start3A_116 = tpu.memref_squeeze %dma_start3A_115 : memref<1x128xi32, #tpu.memory_space<vmem>> -> memref<128xi32, #tpu.memory_space<vmem>>
          %dma_start3A_117 = arith.constant 0 : i32
          %dma_start3A_118 = arith.constant 0 : i32
          %dma_start3A_119 = tpu.memref_slice %arg10[%dma_start3A_117, %dma_start3A_118] : memref<10240x128xf32, #tpu.memory_space<vmem_shared>> -> memref<10240x128xf32, #tpu.memory_space<vmem_shared>>
          tpu.enqueue_indirect_dma source(%arg8 : memref<128x128xf32, #tpu.memory_space<vmem>>) target(%dma_start3A_119 : memref<10240x128xf32, #tpu.memory_space<vmem_shared>>) offsets(%dma_start3A_116 : memref<128xi32, #tpu.memory_space<vmem>>) semaphore(%run_scoped3A : memref<!tpu.dma_semaphore, #tpu.memory_space<semaphore_mem>>) {add = true}
          %dma_wait3A_120 = arith.constant 0 : i32
          %dma_wait3A_121 = tpu.memref_slice %arg7[%mul3A_91, %dma_wait3A_120] : memref<32x128xi32, #tpu.memory_space<vmem>> -> memref<1x128xi32, #tpu.memory_space<vmem>>
          %dma_wait3A_122 = tpu.memref_squeeze %dma_wait3A_121 : memref<1x128xi32, #tpu.memory_space<vmem>> -> memref<128xi32, #tpu.memory_space<vmem>>
          %dma_wait3A_123 = arith.constant 0 : i32
          %dma_wait3A_124 = arith.constant 0 : i32
          %dma_wait3A_125 = tpu.memref_slice %arg10[%dma_wait3A_123, %dma_wait3A_124] : memref<10240x128xf32, #tpu.memory_space<vmem_shared>> -> memref<10240x128xf32, #tpu.memory_space<vmem_shared>>
          tpu.wait_indirect_dma semaphore(%run_scoped3A : memref<!tpu.dma_semaphore, #tpu.memory_space<semaphore_mem>>) src(%arg8 : memref<128x128xf32, #tpu.memory_space<vmem>>) dst(%dma_wait3A_125 : memref<10240x128xf32, #tpu.memory_space<vmem_shared>>)
          tpu.yield
        }) : () -> ()
        %lt3A = arith.constant 15 : i32
        %lt3A_92 = arith.cmpi slt, %scan3A_81, %lt3A : i32
        %convert_element_type3A = arith.extui %lt3A_92 : i1 to i32
        %cond3A = arith.constant 0 : i32
        %cond3A_93 = arith.cmpi ne, %convert_element_type3A, %cond3A : i32
        scf.if %cond3A_93 {
          %mul3A_114 = arith.constant 2 : i32
          %mul3A_115 = arith.muli %mul3A_114, %scan3A_81 : i32
          %add3A_116 = arith.constant 2 : i32
          %add3A_117 = arith.addi %mul3A_115, %add3A_116 : i32
          %dma_start3A_118 = arith.constant 0 : i32
          %dma_start3A_119 = tpu.memref_slice %arg6[%add3A_117, %dma_start3A_118] : memref<32x128xi32, #tpu.memory_space<vmem>> -> memref<1x128xi32, #tpu.memory_space<vmem>>
          %dma_start3A_120 = tpu.memref_squeeze %dma_start3A_119 : memref<1x128xi32, #tpu.memory_space<vmem>> -> memref<128xi32, #tpu.memory_space<vmem>>
          %dma_start3A_121 = arith.constant 0 : i32
          %dma_start3A_122 = arith.constant 0 : i32
          %dma_start3A_123 = tpu.memref_slice %arg2[%dma_start3A_121, %dma_start3A_122] : memref<10240x128xf32, #tpu.memory_space<hbm>> -> memref<10240x128xf32, #tpu.memory_space<hbm>>
          tpu.enqueue_indirect_dma source(%dma_start3A_123 : memref<10240x128xf32, #tpu.memory_space<hbm>>) target(%arg8 : memref<128x128xf32, #tpu.memory_space<vmem>>) offsets(%dma_start3A_120 : memref<128xi32, #tpu.memory_space<vmem>>) semaphore(%arg11 : memref<!tpu.dma_semaphore, #tpu.memory_space<semaphore_mem>>)
        } else {
        }
        %mul3A_94 = arith.constant 2 : i32
        %mul3A_95 = arith.muli %mul3A_94, %scan3A_81 : i32
        %add3A_96 = arith.constant 1 : i32
        %add3A_97 = arith.addi %mul3A_95, %add3A_96 : i32
        %dma_wait3A_98 = arith.constant 0 : i32
        %dma_wait3A_99 = tpu.memref_slice %arg6[%add3A_97, %dma_wait3A_98] : memref<32x128xi32, #tpu.memory_space<vmem>> -> memref<1x128xi32, #tpu.memory_space<vmem>>
        %dma_wait3A_100 = tpu.memref_squeeze %dma_wait3A_99 : memref<1x128xi32, #tpu.memory_space<vmem>> -> memref<128xi32, #tpu.memory_space<vmem>>
        %dma_wait3A_101 = arith.constant 0 : i32
        %dma_wait3A_102 = arith.constant 0 : i32
        %dma_wait3A_103 = tpu.memref_slice %arg2[%dma_wait3A_101, %dma_wait3A_102] : memref<10240x128xf32, #tpu.memory_space<hbm>> -> memref<10240x128xf32, #tpu.memory_space<hbm>>
        tpu.wait_indirect_dma semaphore(%arg12 : memref<!tpu.dma_semaphore, #tpu.memory_space<semaphore_mem>>) src(%dma_wait3A_103 : memref<10240x128xf32, #tpu.memory_space<hbm>>) dst(%arg9 : memref<128x128xf32, #tpu.memory_space<vmem>>)
        %mul3A_104 = arith.constant 2 : i32
        %mul3A_105 = arith.muli %mul3A_104, %scan3A_81 : i32
        %add3A_106 = arith.constant 1 : i32
        %add3A_107 = arith.addi %mul3A_105, %add3A_106 : i32
        "tpu.region"() ({
          %run_scoped3A = tpu.sem_alloc : memref<!tpu.dma_semaphore, #tpu.memory_space<semaphore_mem>>
          %dma_start3A_114 = arith.constant 0 : i32
          %dma_start3A_115 = tpu.memref_slice %arg7[%add3A_107, %dma_start3A_114] : memref<32x128xi32, #tpu.memory_space<vmem>> -> memref<1x128xi32, #tpu.memory_space<vmem>>
          %dma_start3A_116 = tpu.memref_squeeze %dma_start3A_115 : memref<1x128xi32, #tpu.memory_space<vmem>> -> memref<128xi32, #tpu.memory_space<vmem>>
          %dma_start3A_117 = arith.constant 0 : i32
          %dma_start3A_118 = arith.constant 0 : i32
          %dma_start3A_119 = tpu.memref_slice %arg10[%dma_start3A_117, %dma_start3A_118] : memref<10240x128xf32, #tpu.memory_space<vmem_shared>> -> memref<10240x128xf32, #tpu.memory_space<vmem_shared>>
          tpu.enqueue_indirect_dma source(%arg9 : memref<128x128xf32, #tpu.memory_space<vmem>>) target(%dma_start3A_119 : memref<10240x128xf32, #tpu.memory_space<vmem_shared>>) offsets(%dma_start3A_116 : memref<128xi32, #tpu.memory_space<vmem>>) semaphore(%run_scoped3A : memref<!tpu.dma_semaphore, #tpu.memory_space<semaphore_mem>>) {add = true}
          %dma_wait3A_120 = arith.constant 0 : i32
          %dma_wait3A_121 = tpu.memref_slice %arg7[%add3A_107, %dma_wait3A_120] : memref<32x128xi32, #tpu.memory_space<vmem>> -> memref<1x128xi32, #tpu.memory_space<vmem>>
          %dma_wait3A_122 = tpu.memref_squeeze %dma_wait3A_121 : memref<1x128xi32, #tpu.memory_space<vmem>> -> memref<128xi32, #tpu.memory_space<vmem>>
          %dma_wait3A_123 = arith.constant 0 : i32
          %dma_wait3A_124 = arith.constant 0 : i32
          %dma_wait3A_125 = tpu.memref_slice %arg10[%dma_wait3A_123, %dma_wait3A_124] : memref<10240x128xf32, #tpu.memory_space<vmem_shared>> -> memref<10240x128xf32, #tpu.memory_space<vmem_shared>>
          tpu.wait_indirect_dma semaphore(%run_scoped3A : memref<!tpu.dma_semaphore, #tpu.memory_space<semaphore_mem>>) src(%arg9 : memref<128x128xf32, #tpu.memory_space<vmem>>) dst(%dma_wait3A_125 : memref<10240x128xf32, #tpu.memory_space<vmem_shared>>)
          tpu.yield
        }) : () -> ()
        %lt3A_108 = arith.constant 15 : i32
        %lt3A_109 = arith.cmpi slt, %scan3A_81, %lt3A_108 : i32
        %convert_element_type3A_110 = arith.extui %lt3A_109 : i1 to i32
        %cond3A_111 = arith.constant 0 : i32
        %cond3A_112 = arith.cmpi ne, %convert_element_type3A_110, %cond3A_111 : i32
        scf.if %cond3A_112 {
          %mul3A_114 = arith.constant 2 : i32
          %mul3A_115 = arith.muli %mul3A_114, %scan3A_81 : i32
          %add3A_116 = arith.constant 3 : i32
          %add3A_117 = arith.addi %mul3A_115, %add3A_116 : i32
          %dma_start3A_118 = arith.constant 0 : i32
          %dma_start3A_119 = tpu.memref_slice %arg6[%add3A_117, %dma_start3A_118] : memref<32x128xi32, #tpu.memory_space<vmem>> -> memref<1x128xi32, #tpu.memory_space<vmem>>
          %dma_start3A_120 = tpu.memref_squeeze %dma_start3A_119 : memref<1x128xi32, #tpu.memory_space<vmem>> -> memref<128xi32, #tpu.memory_space<vmem>>
          %dma_start3A_121 = arith.constant 0 : i32
          %dma_start3A_122 = arith.constant 0 : i32
          %dma_start3A_123 = tpu.memref_slice %arg2[%dma_start3A_121, %dma_start3A_122] : memref<10240x128xf32, #tpu.memory_space<hbm>> -> memref<10240x128xf32, #tpu.memory_space<hbm>>
          tpu.enqueue_indirect_dma source(%dma_start3A_123 : memref<10240x128xf32, #tpu.memory_space<hbm>>) target(%arg9 : memref<128x128xf32, #tpu.memory_space<vmem>>) offsets(%dma_start3A_120 : memref<128xi32, #tpu.memory_space<vmem>>) semaphore(%arg12 : memref<!tpu.dma_semaphore, #tpu.memory_space<semaphore_mem>>)
        } else {
        }
        %scan3A_113 = arith.constant 0 : i32
        scf.yield %scan3A_113 : i32
      }
      %scan3A_79 = arith.constant 16 : i32
      %while3A_80 = arith.constant 0 : i32
      scf.yield %while3A_80 : i32
    }
    %while3A_48 = arith.constant 1 : i32
    %while3A_49 = scf.for %while3A_55 = %while3A_45 to %while3A_41 step %while3A_48 iter_args(%while3A_56 = %while3A_47) -> (i32)  : i32 {
      %mul3A_57 = arith.constant 32 : i32
      %mul3A_58 = arith.muli %while3A_55, %mul3A_57 : i32
      %add3A_59 = arith.addi %select_n3A_38, %mul3A_58 : i32
      %multiple_of3A = tpu.assume_multiple %add3A_59, 8 : i32
      "tpu.region"() ({
        %run_scoped3A = tpu.sem_alloc : memref<!tpu.dma_semaphore, #tpu.memory_space<semaphore_mem>>
        %dma_start3A_81 = arith.constant 0 : i32
        %dma_start3A_82 = tpu.memref_slice %arg3[%multiple_of3A, %dma_start3A_81] : memref<2560x128xi32, #tpu.memory_space<hbm>> -> memref<32x128xi32, #tpu.memory_space<hbm>>
        %dma_start3A_83 = arith.constant 0 : i32
        %dma_start3A_84 = tpu.memref_slice %arg3[%multiple_of3A, %dma_start3A_83] : memref<2560x128xi32, #tpu.memory_space<hbm>> -> memref<32x128xi32, #tpu.memory_space<hbm>>
        tpu.enqueue_dma source(%dma_start3A_84 : memref<32x128xi32, #tpu.memory_space<hbm>>) target(%arg6 : memref<32x128xi32, #tpu.memory_space<vmem>>) target_semaphore(%run_scoped3A : memref<!tpu.dma_semaphore, #tpu.memory_space<semaphore_mem>>)
        %dma_wait3A = arith.constant 0 : i32
        %dma_wait3A_85 = tpu.memref_slice %arg3[%multiple_of3A, %dma_wait3A] : memref<2560x128xi32, #tpu.memory_space<hbm>> -> memref<32x128xi32, #tpu.memory_space<hbm>>
        %dma_wait3A_86 = arith.constant 0 : i32
        %dma_wait3A_87 = tpu.memref_slice %arg3[%multiple_of3A, %dma_wait3A_86] : memref<2560x128xi32, #tpu.memory_space<hbm>> -> memref<32x128xi32, #tpu.memory_space<hbm>>
        tpu.wait_dma2 semaphore(%run_scoped3A : memref<!tpu.dma_semaphore, #tpu.memory_space<semaphore_mem>>) src(%dma_wait3A_87 : memref<32x128xi32, #tpu.memory_space<hbm>>) dst(%arg6 : memref<32x128xi32, #tpu.memory_space<vmem>>)
        tpu.yield
      }) : () -> ()
      "tpu.region"() ({
        %run_scoped3A = tpu.sem_alloc : memref<!tpu.dma_semaphore, #tpu.memory_space<semaphore_mem>>
        %dma_start3A_81 = arith.constant 0 : i32
        %dma_start3A_82 = tpu.memref_slice %arg4[%multiple_of3A, %dma_start3A_81] : memref<2560x128xi32, #tpu.memory_space<hbm>> -> memref<32x128xi32, #tpu.memory_space<hbm>>
        %dma_start3A_83 = arith.constant 0 : i32
        %dma_start3A_84 = tpu.memref_slice %arg4[%multiple_of3A, %dma_start3A_83] : memref<2560x128xi32, #tpu.memory_space<hbm>> -> memref<32x128xi32, #tpu.memory_space<hbm>>
        tpu.enqueue_dma source(%dma_start3A_84 : memref<32x128xi32, #tpu.memory_space<hbm>>) target(%arg7 : memref<32x128xi32, #tpu.memory_space<vmem>>) target_semaphore(%run_scoped3A : memref<!tpu.dma_semaphore, #tpu.memory_space<semaphore_mem>>)
        %dma_wait3A = arith.constant 0 : i32
        %dma_wait3A_85 = tpu.memref_slice %arg4[%multiple_of3A, %dma_wait3A] : memref<2560x128xi32, #tpu.memory_space<hbm>> -> memref<32x128xi32, #tpu.memory_space<hbm>>
        %dma_wait3A_86 = arith.constant 0 : i32
        %dma_wait3A_87 = tpu.memref_slice %arg4[%multiple_of3A, %dma_wait3A_86] : memref<2560x128xi32, #tpu.memory_space<hbm>> -> memref<32x128xi32, #tpu.memory_space<hbm>>
        tpu.wait_dma2 semaphore(%run_scoped3A : memref<!tpu.dma_semaphore, #tpu.memory_space<semaphore_mem>>) src(%dma_wait3A_87 : memref<32x128xi32, #tpu.memory_space<hbm>>) dst(%arg7 : memref<32x128xi32, #tpu.memory_space<vmem>>)
        tpu.yield
      }) : () -> ()
      %dma_start3A = arith.constant 0 : i32
      %dma_start3A_60 = arith.constant 0 : i32
      %dma_start3A_61 = tpu.memref_slice %arg6[%dma_start3A, %dma_start3A_60] : memref<32x128xi32, #tpu.memory_space<vmem>> -> memref<1x128xi32, #tpu.memory_space<vmem>>
      %dma_start3A_62 = tpu.memref_squeeze %dma_start3A_61 : memref<1x128xi32, #tpu.memory_space<vmem>> -> memref<128xi32, #tpu.memory_space<vmem>>
      %dma_start3A_63 = arith.constant 0 : i32
      %dma_start3A_64 = arith.constant 0 : i32
      %dma_start3A_65 = tpu.memref_slice %arg2[%dma_start3A_63, %dma_start3A_64] : memref<10240x128xf32, #tpu.memory_space<hbm>> -> memref<10240x128xf32, #tpu.memory_space<hbm>>
      tpu.enqueue_indirect_dma source(%dma_start3A_65 : memref<10240x128xf32, #tpu.memory_space<hbm>>) target(%arg8 : memref<128x128xf32, #tpu.memory_space<vmem>>) offsets(%dma_start3A_62 : memref<128xi32, #tpu.memory_space<vmem>>) semaphore(%arg11 : memref<!tpu.dma_semaphore, #tpu.memory_space<semaphore_mem>>)
      %dma_start3A_66 = arith.constant 1 : i32
      %dma_start3A_67 = arith.constant 0 : i32
      %dma_start3A_68 = tpu.memref_slice %arg6[%dma_start3A_66, %dma_start3A_67] : memref<32x128xi32, #tpu.memory_space<vmem>> -> memref<1x128xi32, #tpu.memory_space<vmem>>
      %dma_start3A_69 = tpu.memref_squeeze %dma_start3A_68 : memref<1x128xi32, #tpu.memory_space<vmem>> -> memref<128xi32, #tpu.memory_space<vmem>>
      %dma_start3A_70 = arith.constant 0 : i32
      %dma_start3A_71 = arith.constant 0 : i32
      %dma_start3A_72 = tpu.memref_slice %arg2[%dma_start3A_70, %dma_start3A_71] : memref<10240x128xf32, #tpu.memory_space<hbm>> -> memref<10240x128xf32, #tpu.memory_space<hbm>>
      tpu.enqueue_indirect_dma source(%dma_start3A_72 : memref<10240x128xf32, #tpu.memory_space<hbm>>) target(%arg9 : memref<128x128xf32, #tpu.memory_space<vmem>>) offsets(%dma_start3A_69 : memref<128xi32, #tpu.memory_space<vmem>>) semaphore(%arg12 : memref<!tpu.dma_semaphore, #tpu.memory_space<semaphore_mem>>)
      %scan3A_73 = arith.constant 0 : i32
      %scan3A_74 = arith.constant 0 : i32
      %scan3A_75 = arith.constant 16 : i32
      %scan3A_76 = arith.addi %scan3A_74, %scan3A_75 : i32
      %scan3A_77 = arith.constant 1 : i32
      %scan3A_78 = scf.for %scan3A_81 = %scan3A_74 to %scan3A_76 step %scan3A_77 iter_args(%scan3A_82 = %scan3A_73) -> (i32)  : i32 {
        %mul3A_83 = arith.constant 2 : i32
        %mul3A_84 = arith.muli %mul3A_83, %scan3A_81 : i32
        %dma_wait3A = arith.constant 0 : i32
        %dma_wait3A_85 = tpu.memref_slice %arg6[%mul3A_84, %dma_wait3A] : memref<32x128xi32, #tpu.memory_space<vmem>> -> memref<1x128xi32, #tpu.memory_space<vmem>>
        %dma_wait3A_86 = tpu.memref_squeeze %dma_wait3A_85 : memref<1x128xi32, #tpu.memory_space<vmem>> -> memref<128xi32, #tpu.memory_space<vmem>>
        %dma_wait3A_87 = arith.constant 0 : i32
        %dma_wait3A_88 = arith.constant 0 : i32
        %dma_wait3A_89 = tpu.memref_slice %arg2[%dma_wait3A_87, %dma_wait3A_88] : memref<10240x128xf32, #tpu.memory_space<hbm>> -> memref<10240x128xf32, #tpu.memory_space<hbm>>
        tpu.wait_indirect_dma semaphore(%arg11 : memref<!tpu.dma_semaphore, #tpu.memory_space<semaphore_mem>>) src(%dma_wait3A_89 : memref<10240x128xf32, #tpu.memory_space<hbm>>) dst(%arg8 : memref<128x128xf32, #tpu.memory_space<vmem>>)
        %mul3A_90 = arith.constant 2 : i32
        %mul3A_91 = arith.muli %mul3A_90, %scan3A_81 : i32
        "tpu.region"() ({
          %run_scoped3A = tpu.sem_alloc : memref<!tpu.dma_semaphore, #tpu.memory_space<semaphore_mem>>
          %dma_start3A_114 = arith.constant 0 : i32
          %dma_start3A_115 = tpu.memref_slice %arg7[%mul3A_91, %dma_start3A_114] : memref<32x128xi32, #tpu.memory_space<vmem>> -> memref<1x128xi32, #tpu.memory_space<vmem>>
          %dma_start3A_116 = tpu.memref_squeeze %dma_start3A_115 : memref<1x128xi32, #tpu.memory_space<vmem>> -> memref<128xi32, #tpu.memory_space<vmem>>
          %dma_start3A_117 = arith.constant 0 : i32
          %dma_start3A_118 = arith.constant 0 : i32
          %dma_start3A_119 = tpu.memref_slice %arg10[%dma_start3A_117, %dma_start3A_118] : memref<10240x128xf32, #tpu.memory_space<vmem_shared>> -> memref<10240x128xf32, #tpu.memory_space<vmem_shared>>
          tpu.enqueue_indirect_dma source(%arg8 : memref<128x128xf32, #tpu.memory_space<vmem>>) target(%dma_start3A_119 : memref<10240x128xf32, #tpu.memory_space<vmem_shared>>) offsets(%dma_start3A_116 : memref<128xi32, #tpu.memory_space<vmem>>) semaphore(%run_scoped3A : memref<!tpu.dma_semaphore, #tpu.memory_space<semaphore_mem>>) {add = true}
          %dma_wait3A_120 = arith.constant 0 : i32
          %dma_wait3A_121 = tpu.memref_slice %arg7[%mul3A_91, %dma_wait3A_120] : memref<32x128xi32, #tpu.memory_space<vmem>> -> memref<1x128xi32, #tpu.memory_space<vmem>>
          %dma_wait3A_122 = tpu.memref_squeeze %dma_wait3A_121 : memref<1x128xi32, #tpu.memory_space<vmem>> -> memref<128xi32, #tpu.memory_space<vmem>>
          %dma_wait3A_123 = arith.constant 0 : i32
          %dma_wait3A_124 = arith.constant 0 : i32
          %dma_wait3A_125 = tpu.memref_slice %arg10[%dma_wait3A_123, %dma_wait3A_124] : memref<10240x128xf32, #tpu.memory_space<vmem_shared>> -> memref<10240x128xf32, #tpu.memory_space<vmem_shared>>
          tpu.wait_indirect_dma semaphore(%run_scoped3A : memref<!tpu.dma_semaphore, #tpu.memory_space<semaphore_mem>>) src(%arg8 : memref<128x128xf32, #tpu.memory_space<vmem>>) dst(%dma_wait3A_125 : memref<10240x128xf32, #tpu.memory_space<vmem_shared>>)
          tpu.yield
        }) : () -> ()
        %lt3A = arith.constant 15 : i32
        %lt3A_92 = arith.cmpi slt, %scan3A_81, %lt3A : i32
        %convert_element_type3A = arith.extui %lt3A_92 : i1 to i32
        %cond3A = arith.constant 0 : i32
        %cond3A_93 = arith.cmpi ne, %convert_element_type3A, %cond3A : i32
        scf.if %cond3A_93 {
          %mul3A_114 = arith.constant 2 : i32
          %mul3A_115 = arith.muli %mul3A_114, %scan3A_81 : i32
          %add3A_116 = arith.constant 2 : i32
          %add3A_117 = arith.addi %mul3A_115, %add3A_116 : i32
          %dma_start3A_118 = arith.constant 0 : i32
          %dma_start3A_119 = tpu.memref_slice %arg6[%add3A_117, %dma_start3A_118] : memref<32x128xi32, #tpu.memory_space<vmem>> -> memref<1x128xi32, #tpu.memory_space<vmem>>
          %dma_start3A_120 = tpu.memref_squeeze %dma_start3A_119 : memref<1x128xi32, #tpu.memory_space<vmem>> -> memref<128xi32, #tpu.memory_space<vmem>>
          %dma_start3A_121 = arith.constant 0 : i32
          %dma_start3A_122 = arith.constant 0 : i32
          %dma_start3A_123 = tpu.memref_slice %arg2[%dma_start3A_121, %dma_start3A_122] : memref<10240x128xf32, #tpu.memory_space<hbm>> -> memref<10240x128xf32, #tpu.memory_space<hbm>>
          tpu.enqueue_indirect_dma source(%dma_start3A_123 : memref<10240x128xf32, #tpu.memory_space<hbm>>) target(%arg8 : memref<128x128xf32, #tpu.memory_space<vmem>>) offsets(%dma_start3A_120 : memref<128xi32, #tpu.memory_space<vmem>>) semaphore(%arg11 : memref<!tpu.dma_semaphore, #tpu.memory_space<semaphore_mem>>)
        } else {
        }
        %mul3A_94 = arith.constant 2 : i32
        %mul3A_95 = arith.muli %mul3A_94, %scan3A_81 : i32
        %add3A_96 = arith.constant 1 : i32
        %add3A_97 = arith.addi %mul3A_95, %add3A_96 : i32
        %dma_wait3A_98 = arith.constant 0 : i32
        %dma_wait3A_99 = tpu.memref_slice %arg6[%add3A_97, %dma_wait3A_98] : memref<32x128xi32, #tpu.memory_space<vmem>> -> memref<1x128xi32, #tpu.memory_space<vmem>>
        %dma_wait3A_100 = tpu.memref_squeeze %dma_wait3A_99 : memref<1x128xi32, #tpu.memory_space<vmem>> -> memref<128xi32, #tpu.memory_space<vmem>>
        %dma_wait3A_101 = arith.constant 0 : i32
        %dma_wait3A_102 = arith.constant 0 : i32
        %dma_wait3A_103 = tpu.memref_slice %arg2[%dma_wait3A_101, %dma_wait3A_102] : memref<10240x128xf32, #tpu.memory_space<hbm>> -> memref<10240x128xf32, #tpu.memory_space<hbm>>
        tpu.wait_indirect_dma semaphore(%arg12 : memref<!tpu.dma_semaphore, #tpu.memory_space<semaphore_mem>>) src(%dma_wait3A_103 : memref<10240x128xf32, #tpu.memory_space<hbm>>) dst(%arg9 : memref<128x128xf32, #tpu.memory_space<vmem>>)
        %mul3A_104 = arith.constant 2 : i32
        %mul3A_105 = arith.muli %mul3A_104, %scan3A_81 : i32
        %add3A_106 = arith.constant 1 : i32
        %add3A_107 = arith.addi %mul3A_105, %add3A_106 : i32
        "tpu.region"() ({
          %run_scoped3A = tpu.sem_alloc : memref<!tpu.dma_semaphore, #tpu.memory_space<semaphore_mem>>
          %dma_start3A_114 = arith.constant 0 : i32
          %dma_start3A_115 = tpu.memref_slice %arg7[%add3A_107, %dma_start3A_114] : memref<32x128xi32, #tpu.memory_space<vmem>> -> memref<1x128xi32, #tpu.memory_space<vmem>>
          %dma_start3A_116 = tpu.memref_squeeze %dma_start3A_115 : memref<1x128xi32, #tpu.memory_space<vmem>> -> memref<128xi32, #tpu.memory_space<vmem>>
          %dma_start3A_117 = arith.constant 0 : i32
          %dma_start3A_118 = arith.constant 0 : i32
          %dma_start3A_119 = tpu.memref_slice %arg10[%dma_start3A_117, %dma_start3A_118] : memref<10240x128xf32, #tpu.memory_space<vmem_shared>> -> memref<10240x128xf32, #tpu.memory_space<vmem_shared>>
          tpu.enqueue_indirect_dma source(%arg9 : memref<128x128xf32, #tpu.memory_space<vmem>>) target(%dma_start3A_119 : memref<10240x128xf32, #tpu.memory_space<vmem_shared>>) offsets(%dma_start3A_116 : memref<128xi32, #tpu.memory_space<vmem>>) semaphore(%run_scoped3A : memref<!tpu.dma_semaphore, #tpu.memory_space<semaphore_mem>>) {add = true}
          %dma_wait3A_120 = arith.constant 0 : i32
          %dma_wait3A_121 = tpu.memref_slice %arg7[%add3A_107, %dma_wait3A_120] : memref<32x128xi32, #tpu.memory_space<vmem>> -> memref<1x128xi32, #tpu.memory_space<vmem>>
          %dma_wait3A_122 = tpu.memref_squeeze %dma_wait3A_121 : memref<1x128xi32, #tpu.memory_space<vmem>> -> memref<128xi32, #tpu.memory_space<vmem>>
          %dma_wait3A_123 = arith.constant 0 : i32
          %dma_wait3A_124 = arith.constant 0 : i32
          %dma_wait3A_125 = tpu.memref_slice %arg10[%dma_wait3A_123, %dma_wait3A_124] : memref<10240x128xf32, #tpu.memory_space<vmem_shared>> -> memref<10240x128xf32, #tpu.memory_space<vmem_shared>>
          tpu.wait_indirect_dma semaphore(%run_scoped3A : memref<!tpu.dma_semaphore, #tpu.memory_space<semaphore_mem>>) src(%arg9 : memref<128x128xf32, #tpu.memory_space<vmem>>) dst(%dma_wait3A_125 : memref<10240x128xf32, #tpu.memory_space<vmem_shared>>)
          tpu.yield
        }) : () -> ()
        %lt3A_108 = arith.constant 15 : i32
        %lt3A_109 = arith.cmpi slt, %scan3A_81, %lt3A_108 : i32
        %convert_element_type3A_110 = arith.extui %lt3A_109 : i1 to i32
        %cond3A_111 = arith.constant 0 : i32
        %cond3A_112 = arith.cmpi ne, %convert_element_type3A_110, %cond3A_111 : i32
        scf.if %cond3A_112 {
          %mul3A_114 = arith.constant 2 : i32
          %mul3A_115 = arith.muli %mul3A_114, %scan3A_81 : i32
          %add3A_116 = arith.constant 3 : i32
          %add3A_117 = arith.addi %mul3A_115, %add3A_116 : i32
          %dma_start3A_118 = arith.constant 0 : i32
          %dma_start3A_119 = tpu.memref_slice %arg6[%add3A_117, %dma_start3A_118] : memref<32x128xi32, #tpu.memory_space<vmem>> -> memref<1x128xi32, #tpu.memory_space<vmem>>
          %dma_start3A_120 = tpu.memref_squeeze %dma_start3A_119 : memref<1x128xi32, #tpu.memory_space<vmem>> -> memref<128xi32, #tpu.memory_space<vmem>>
          %dma_start3A_121 = arith.constant 0 : i32
          %dma_start3A_122 = arith.constant 0 : i32
          %dma_start3A_123 = tpu.memref_slice %arg2[%dma_start3A_121, %dma_start3A_122] : memref<10240x128xf32, #tpu.memory_space<hbm>> -> memref<10240x128xf32, #tpu.memory_space<hbm>>
          tpu.enqueue_indirect_dma source(%dma_start3A_123 : memref<10240x128xf32, #tpu.memory_space<hbm>>) target(%arg9 : memref<128x128xf32, #tpu.memory_space<vmem>>) offsets(%dma_start3A_120 : memref<128xi32, #tpu.memory_space<vmem>>) semaphore(%arg12 : memref<!tpu.dma_semaphore, #tpu.memory_space<semaphore_mem>>)
        } else {
        }
        %scan3A_113 = arith.constant 0 : i32
        scf.yield %scan3A_113 : i32
      }
      %scan3A_79 = arith.constant 16 : i32
      %while3A_80 = arith.constant 0 : i32
      scf.yield %while3A_80 : i32
    }
    %barrier3A_50 = arith.constant 0 : index
    tpu.barrier barrier_id(%barrier3A_50)
    %mul3A_51 = arith.constant 640 : i32
    %mul3A_52 = arith.muli %arg1, %mul3A_51 : i32
    %mul3A_53 = arith.constant 640 : i32
    %mul3A_54 = arith.muli %arg1, %mul3A_53 : i32
    "tpu.region"() ({
      %run_scoped3A = tpu.sem_alloc : memref<!tpu.dma_semaphore, #tpu.memory_space<semaphore_mem>>
      %dma_start3A = arith.constant 0 : i32
      %dma_start3A_55 = tpu.memref_slice %arg5[%arg0, %mul3A_54, %dma_start3A] : memref<2x10240x128xf32, #tpu.memory_space<hbm>> -> memref<1x640x128xf32, #tpu.memory_space<hbm>>
      %dma_start3A_56 = tpu.memref_squeeze %dma_start3A_55 : memref<1x640x128xf32, #tpu.memory_space<hbm>> -> memref<640x128xf32, #tpu.memory_space<hbm>>
      %dma_start3A_57 = arith.constant 0 : i32
      %dma_start3A_58 = tpu.memref_slice %arg10[%mul3A_52, %dma_start3A_57] : memref<10240x128xf32, #tpu.memory_space<vmem_shared>> -> memref<640x128xf32, #tpu.memory_space<vmem_shared>>
      tpu.enqueue_dma source(%dma_start3A_58 : memref<640x128xf32, #tpu.memory_space<vmem_shared>>) target(%dma_start3A_56 : memref<640x128xf32, #tpu.memory_space<hbm>>) target_semaphore(%run_scoped3A : memref<!tpu.dma_semaphore, #tpu.memory_space<semaphore_mem>>)
      %dma_wait3A = arith.constant 0 : i32
      %dma_wait3A_59 = tpu.memref_slice %arg5[%arg0, %mul3A_54, %dma_wait3A] : memref<2x10240x128xf32, #tpu.memory_space<hbm>> -> memref<1x640x128xf32, #tpu.memory_space<hbm>>
      %dma_wait3A_60 = tpu.memref_squeeze %dma_wait3A_59 : memref<1x640x128xf32, #tpu.memory_space<hbm>> -> memref<640x128xf32, #tpu.memory_space<hbm>>
      %dma_wait3A_61 = arith.constant 0 : i32
      %dma_wait3A_62 = tpu.memref_slice %arg10[%mul3A_52, %dma_wait3A_61] : memref<10240x128xf32, #tpu.memory_space<vmem_shared>> -> memref<640x128xf32, #tpu.memory_space<vmem_shared>>
      tpu.wait_dma2 semaphore(%run_scoped3A : memref<!tpu.dma_semaphore, #tpu.memory_space<semaphore_mem>>) src(%dma_wait3A_62 : memref<640x128xf32, #tpu.memory_space<vmem_shared>>) dst(%dma_wait3A_60 : memref<640x128xf32, #tpu.memory_space<hbm>>)
      tpu.yield
    }) : () -> ()
    return
  }
}

#map = affine_map<(d0, d1) -> (0, 0)>
#map1 = affine_map<(d0, d1) -> (0, 0, 0)>
module attributes {stable_mosaic.version = 14 : i64} {
  func.func @_scat_body(%arg0: i32, %arg1: i32, %arg2: memref<10240x128xf32, #tpu.memory_space<hbm>>, %arg3: memref<2560x128xi32, #tpu.memory_space<hbm>>, %arg4: memref<2560x128xi32, #tpu.memory_space<hbm>>, %arg5: memref<2x10240x128xf32, #tpu.memory_space<hbm>>, %arg6: memref<32x128xi32, #tpu.memory_space<vmem>>, %arg7: memref<32x128xi32, #tpu.memory_space<vmem>>, %arg8: memref<128x128xf32, #tpu.memory_space<vmem>>, %arg9: memref<128x128xf32, #tpu.memory_space<vmem>>, %arg10: memref<10240x128xf32, #tpu.memory_space<vmem_shared>>, %arg11: memref<!tpu.dma_semaphore, #tpu.memory_space<semaphore_mem>>, %arg12: memref<!tpu.dma_semaphore, #tpu.memory_space<semaphore_mem>>, %arg13: memref<!tpu.dma_semaphore, #tpu.memory_space<semaphore_mem>>, %arg14: memref<!tpu.dma_semaphore, #tpu.memory_space<semaphore_mem>>) attributes {dimension_semantics = [#tpu.dimension_semantics<core_parallel>, #tpu.dimension_semantics<subcore_parallel>], iteration_bounds = array<i64: 2, 16>, scalar_prefetch = 0 : i64, scratch_operands = 9 : i64, tpu.core_type = #tpu.core_type<sc_vector_subcore>, window_params = [{transform_indices = #map}, {transform_indices = #map}, {transform_indices = #map}, {transform_indices = #map1}]} {
    %mul3A = arith.constant 16 : i32
    %mul3A_0 = arith.muli %arg0, %mul3A : i32
    %add3A = arith.addi %mul3A_0, %arg1 : i32
    %broadcast_in_dim3A = arith.constant 0.000000e+00 : f32
    %broadcast_in_dim3A_1 = vector.broadcast %broadcast_in_dim3A : f32 to vector<16xf32>
    %scan3A = arith.constant 0 : i32
    %scan3A_2 = arith.constant 0 : i32
    %scan3A_3 = arith.constant 1024 : i32
    %scan3A_4 = arith.addi %scan3A_2, %scan3A_3 : i32
    %scan3A_5 = arith.constant 1 : i32
    %scan3A_6 = scf.for %scan3A_55 = %scan3A_2 to %scan3A_4 step %scan3A_5 iter_args(%scan3A_56 = %scan3A) -> (i32)  : i32 {
      %jit3A_57 = arith.constant 8 : i32
      %div3A = arith.divsi %scan3A_55, %jit3A_57 : i32
      %sign3A = arith.constant 0 : i32
      %sign3A_58 = arith.cmpi sgt, %scan3A_55, %sign3A : i32
      %sign3A_59 = arith.extui %sign3A_58 : i1 to i32
      %sign3A_60 = arith.constant 0 : i32
      %sign3A_61 = arith.cmpi slt, %scan3A_55, %sign3A_60 : i32
      %sign3A_62 = arith.extui %sign3A_61 : i1 to i32
      %sign3A_63 = arith.subi %sign3A_59, %sign3A_62 : i32
      %sign3A_64 = arith.constant 0 : i32
      %sign3A_65 = arith.cmpi sgt, %jit3A_57, %sign3A_64 : i32
      %sign3A_66 = arith.extui %sign3A_65 : i1 to i32
      %sign3A_67 = arith.constant 0 : i32
      %sign3A_68 = arith.cmpi slt, %jit3A_57, %sign3A_67 : i32
      %sign3A_69 = arith.extui %sign3A_68 : i1 to i32
      %sign3A_70 = arith.subi %sign3A_66, %sign3A_69 : i32
      %ne3A = arith.cmpi ne, %sign3A_63, %sign3A_70 : i32
      %rem3A = arith.remsi %scan3A_55, %jit3A_57 : i32
      %ne3A_71 = arith.constant 0 : i32
      %ne3A_72 = arith.cmpi ne, %rem3A, %ne3A_71 : i32
      %and3A = arith.andi %ne3A, %ne3A_72 : i1
      %sub3A = arith.constant 1 : i32
      %sub3A_73 = arith.subi %div3A, %sub3A : i32
      %select_n3A_74 = arith.select %and3A, %sub3A_73, %div3A : i32
      %jit3A_75 = arith.constant 8 : i32
      %eq3A_76 = arith.constant 0 : i32
      %eq3A_77 = arith.cmpi eq, %jit3A_75, %eq3A_76 : i32
      %jit3A_78 = arith.constant 1 : i32
      %select_n3A_79 = arith.select %eq3A_77, %jit3A_78, %jit3A_75 : i32
      %rem3A_80 = arith.remsi %scan3A_55, %select_n3A_79 : i32
      %ne3A_81 = arith.constant 0 : i32
      %ne3A_82 = arith.cmpi ne, %rem3A_80, %ne3A_81 : i32
      %lt3A = arith.constant 0 : i32
      %lt3A_83 = arith.cmpi slt, %rem3A_80, %lt3A : i32
      %lt3A_84 = arith.constant 0 : i32
      %lt3A_85 = arith.cmpi slt, %select_n3A_79, %lt3A_84 : i32
      %ne3A_86 = arith.xori %lt3A_83, %lt3A_85 : i1
      %and3A_87 = arith.andi %ne3A_86, %ne3A_82 : i1
      %add3A_88 = arith.addi %rem3A_80, %select_n3A_79 : i32
      %select_n3A_89 = arith.select %and3A_87, %add3A_88, %rem3A_80 : i32
      %mul3A_90 = arith.constant 16 : i32
      %mul3A_91 = arith.muli %select_n3A_89, %mul3A_90 : i32
      %swap3A = arith.index_cast %select_n3A_74 : i32 to index
      %swap3A_92 = arith.index_cast %mul3A_91 : i32 to index
      %swap3A_93 = tpu.vector_load %arg8[%swap3A, %swap3A_92] {strides = array<i32>} : memref<128x128xf32, #tpu.memory_space<vmem>>, vector<1x16xf32>,
      %swap3A_94 = vector.shape_cast %swap3A_93 : vector<1x16xf32> to vector<16xf32>
      %swap3A_95 = vector.shape_cast %broadcast_in_dim3A_1 : vector<16xf32> to vector<1x16xf32>
      tpu.vector_store %arg8[%swap3A, %swap3A_92], %swap3A_95 {strides = array<i32>} : memref<128x128xf32, #tpu.memory_space<vmem>>, vector<1x16xf32>,
      %scan3A_96 = arith.constant 0 : i32
      scf.yield %scan3A_96 : i32
    }
    %scan3A_7 = arith.constant 1024 : i32
    %mul3A_8 = arith.constant 640 : i32
    %mul3A_9 = arith.muli %arg1, %mul3A_8 : i32
    %add3A_10 = arith.constant 0 : i32
    %add3A_11 = arith.addi %mul3A_9, %add3A_10 : i32
    "tpu.region"() ({
      %run_scoped3A = tpu.sem_alloc : memref<!tpu.dma_semaphore, #tpu.memory_space<semaphore_mem>>
      %dma_start3A = arith.constant 0 : i32
      %dma_start3A_55 = tpu.memref_slice %arg10[%add3A_11, %dma_start3A] : memref<10240x128xf32, #tpu.memory_space<vmem_shared>> -> memref<128x128xf32, #tpu.memory_space<vmem_shared>>
      %dma_start3A_56 = arith.constant 0 : i32
      %dma_start3A_57 = tpu.memref_slice %arg10[%add3A_11, %dma_start3A_56] : memref<10240x128xf32, #tpu.memory_space<vmem_shared>> -> memref<128x128xf32, #tpu.memory_space<vmem_shared>>
      tpu.enqueue_dma source(%arg8 : memref<128x128xf32, #tpu.memory_space<vmem>>) target(%dma_start3A_57 : memref<128x128xf32, #tpu.memory_space<vmem_shared>>) target_semaphore(%run_scoped3A : memref<!tpu.dma_semaphore, #tpu.memory_space<semaphore_mem>>)
      %dma_wait3A = arith.constant 0 : i32
      %dma_wait3A_58 = tpu.memref_slice %arg10[%add3A_11, %dma_wait3A] : memref<10240x128xf32, #tpu.memory_space<vmem_shared>> -> memref<128x128xf32, #tpu.memory_space<vmem_shared>>
      %dma_wait3A_59 = arith.constant 0 : i32
      %dma_wait3A_60 = tpu.memref_slice %arg10[%add3A_11, %dma_wait3A_59] : memref<10240x128xf32, #tpu.memory_space<vmem_shared>> -> memref<128x128xf32, #tpu.memory_space<vmem_shared>>
      tpu.wait_dma2 semaphore(%run_scoped3A : memref<!tpu.dma_semaphore, #tpu.memory_space<semaphore_mem>>) src(%arg8 : memref<128x128xf32, #tpu.memory_space<vmem>>) dst(%dma_wait3A_60 : memref<128x128xf32, #tpu.memory_space<vmem_shared>>)
      tpu.yield
    }) : () -> ()
    %mul3A_12 = arith.constant 640 : i32
    %mul3A_13 = arith.muli %arg1, %mul3A_12 : i32
    %add3A_14 = arith.constant 128 : i32
    %add3A_15 = arith.addi %mul3A_13, %add3A_14 : i32
    "tpu.region"() ({
      %run_scoped3A = tpu.sem_alloc : memref<!tpu.dma_semaphore, #tpu.memory_space<semaphore_mem>>
      %dma_start3A = arith.constant 0 : i32
      %dma_start3A_55 = tpu.memref_slice %arg10[%add3A_15, %dma_start3A] : memref<10240x128xf32, #tpu.memory_space<vmem_shared>> -> memref<128x128xf32, #tpu.memory_space<vmem_shared>>
      %dma_start3A_56 = arith.constant 0 : i32
      %dma_start3A_57 = tpu.memref_slice %arg10[%add3A_15, %dma_start3A_56] : memref<10240x128xf32, #tpu.memory_space<vmem_shared>> -> memref<128x128xf32, #tpu.memory_space<vmem_shared>>
      tpu.enqueue_dma source(%arg8 : memref<128x128xf32, #tpu.memory_space<vmem>>) target(%dma_start3A_57 : memref<128x128xf32, #tpu.memory_space<vmem_shared>>) target_semaphore(%run_scoped3A : memref<!tpu.dma_semaphore, #tpu.memory_space<semaphore_mem>>)
      %dma_wait3A = arith.constant 0 : i32
      %dma_wait3A_58 = tpu.memref_slice %arg10[%add3A_15, %dma_wait3A] : memref<10240x128xf32, #tpu.memory_space<vmem_shared>> -> memref<128x128xf32, #tpu.memory_space<vmem_shared>>
      %dma_wait3A_59 = arith.constant 0 : i32
      %dma_wait3A_60 = tpu.memref_slice %arg10[%add3A_15, %dma_wait3A_59] : memref<10240x128xf32, #tpu.memory_space<vmem_shared>> -> memref<128x128xf32, #tpu.memory_space<vmem_shared>>
      tpu.wait_dma2 semaphore(%run_scoped3A : memref<!tpu.dma_semaphore, #tpu.memory_space<semaphore_mem>>) src(%arg8 : memref<128x128xf32, #tpu.memory_space<vmem>>) dst(%dma_wait3A_60 : memref<128x128xf32, #tpu.memory_space<vmem_shared>>)
      tpu.yield
    }) : () -> ()
    %mul3A_16 = arith.constant 640 : i32
    %mul3A_17 = arith.muli %arg1, %mul3A_16 : i32
    %add3A_18 = arith.constant 256 : i32
    %add3A_19 = arith.addi %mul3A_17, %add3A_18 : i32
    "tpu.region"() ({
      %run_scoped3A = tpu.sem_alloc : memref<!tpu.dma_semaphore, #tpu.memory_space<semaphore_mem>>
      %dma_start3A = arith.constant 0 : i32
      %dma_start3A_55 = tpu.memref_slice %arg10[%add3A_19, %dma_start3A] : memref<10240x128xf32, #tpu.memory_space<vmem_shared>> -> memref<128x128xf32, #tpu.memory_space<vmem_shared>>
      %dma_start3A_56 = arith.constant 0 : i32
      %dma_start3A_57 = tpu.memref_slice %arg10[%add3A_19, %dma_start3A_56] : memref<10240x128xf32, #tpu.memory_space<vmem_shared>> -> memref<128x128xf32, #tpu.memory_space<vmem_shared>>
      tpu.enqueue_dma source(%arg8 : memref<128x128xf32, #tpu.memory_space<vmem>>) target(%dma_start3A_57 : memref<128x128xf32, #tpu.memory_space<vmem_shared>>) target_semaphore(%run_scoped3A : memref<!tpu.dma_semaphore, #tpu.memory_space<semaphore_mem>>)
      %dma_wait3A = arith.constant 0 : i32
      %dma_wait3A_58 = tpu.memref_slice %arg10[%add3A_19, %dma_wait3A] : memref<10240x128xf32, #tpu.memory_space<vmem_shared>> -> memref<128x128xf32, #tpu.memory_space<vmem_shared>>
      %dma_wait3A_59 = arith.constant 0 : i32
      %dma_wait3A_60 = tpu.memref_slice %arg10[%add3A_19, %dma_wait3A_59] : memref<10240x128xf32, #tpu.memory_space<vmem_shared>> -> memref<128x128xf32, #tpu.memory_space<vmem_shared>>
      tpu.wait_dma2 semaphore(%run_scoped3A : memref<!tpu.dma_semaphore, #tpu.memory_space<semaphore_mem>>) src(%arg8 : memref<128x128xf32, #tpu.memory_space<vmem>>) dst(%dma_wait3A_60 : memref<128x128xf32, #tpu.memory_space<vmem_shared>>)
      tpu.yield
    }) : () -> ()
    %mul3A_20 = arith.constant 640 : i32
    %mul3A_21 = arith.muli %arg1, %mul3A_20 : i32
    %add3A_22 = arith.constant 384 : i32
    %add3A_23 = arith.addi %mul3A_21, %add3A_22 : i32
    "tpu.region"() ({
      %run_scoped3A = tpu.sem_alloc : memref<!tpu.dma_semaphore, #tpu.memory_space<semaphore_mem>>
      %dma_start3A = arith.constant 0 : i32
      %dma_start3A_55 = tpu.memref_slice %arg10[%add3A_23, %dma_start3A] : memref<10240x128xf32, #tpu.memory_space<vmem_shared>> -> memref<128x128xf32, #tpu.memory_space<vmem_shared>>
      %dma_start3A_56 = arith.constant 0 : i32
      %dma_start3A_57 = tpu.memref_slice %arg10[%add3A_23, %dma_start3A_56] : memref<10240x128xf32, #tpu.memory_space<vmem_shared>> -> memref<128x128xf32, #tpu.memory_space<vmem_shared>>
      tpu.enqueue_dma source(%arg8 : memref<128x128xf32, #tpu.memory_space<vmem>>) target(%dma_start3A_57 : memref<128x128xf32, #tpu.memory_space<vmem_shared>>) target_semaphore(%run_scoped3A : memref<!tpu.dma_semaphore, #tpu.memory_space<semaphore_mem>>)
      %dma_wait3A = arith.constant 0 : i32
      %dma_wait3A_58 = tpu.memref_slice %arg10[%add3A_23, %dma_wait3A] : memref<10240x128xf32, #tpu.memory_space<vmem_shared>> -> memref<128x128xf32, #tpu.memory_space<vmem_shared>>
      %dma_wait3A_59 = arith.constant 0 : i32
      %dma_wait3A_60 = tpu.memref_slice %arg10[%add3A_23, %dma_wait3A_59] : memref<10240x128xf32, #tpu.memory_space<vmem_shared>> -> memref<128x128xf32, #tpu.memory_space<vmem_shared>>
      tpu.wait_dma2 semaphore(%run_scoped3A : memref<!tpu.dma_semaphore, #tpu.memory_space<semaphore_mem>>) src(%arg8 : memref<128x128xf32, #tpu.memory_space<vmem>>) dst(%dma_wait3A_60 : memref<128x128xf32, #tpu.memory_space<vmem_shared>>)
      tpu.yield
    }) : () -> ()
    %mul3A_24 = arith.constant 640 : i32
    %mul3A_25 = arith.muli %arg1, %mul3A_24 : i32
    %add3A_26 = arith.constant 512 : i32
    %add3A_27 = arith.addi %mul3A_25, %add3A_26 : i32
    "tpu.region"() ({
      %run_scoped3A = tpu.sem_alloc : memref<!tpu.dma_semaphore, #tpu.memory_space<semaphore_mem>>
      %dma_start3A = arith.constant 0 : i32
      %dma_start3A_55 = tpu.memref_slice %arg10[%add3A_27, %dma_start3A] : memref<10240x128xf32, #tpu.memory_space<vmem_shared>> -> memref<128x128xf32, #tpu.memory_space<vmem_shared>>
      %dma_start3A_56 = arith.constant 0 : i32
      %dma_start3A_57 = tpu.memref_slice %arg10[%add3A_27, %dma_start3A_56] : memref<10240x128xf32, #tpu.memory_space<vmem_shared>> -> memref<128x128xf32, #tpu.memory_space<vmem_shared>>
      tpu.enqueue_dma source(%arg8 : memref<128x128xf32, #tpu.memory_space<vmem>>) target(%dma_start3A_57 : memref<128x128xf32, #tpu.memory_space<vmem_shared>>) target_semaphore(%run_scoped3A : memref<!tpu.dma_semaphore, #tpu.memory_space<semaphore_mem>>)
      %dma_wait3A = arith.constant 0 : i32
      %dma_wait3A_58 = tpu.memref_slice %arg10[%add3A_27, %dma_wait3A] : memref<10240x128xf32, #tpu.memory_space<vmem_shared>> -> memref<128x128xf32, #tpu.memory_space<vmem_shared>>
      %dma_wait3A_59 = arith.constant 0 : i32
      %dma_wait3A_60 = tpu.memref_slice %arg10[%add3A_27, %dma_wait3A_59] : memref<10240x128xf32, #tpu.memory_space<vmem_shared>> -> memref<128x128xf32, #tpu.memory_space<vmem_shared>>
      tpu.wait_dma2 semaphore(%run_scoped3A : memref<!tpu.dma_semaphore, #tpu.memory_space<semaphore_mem>>) src(%arg8 : memref<128x128xf32, #tpu.memory_space<vmem>>) dst(%dma_wait3A_60 : memref<128x128xf32, #tpu.memory_space<vmem_shared>>)
      tpu.yield
    }) : () -> ()
    %barrier3A = arith.constant 0 : index
    tpu.barrier barrier_id(%barrier3A)
    %eq3A = arith.constant 0 : i32
    %eq3A_28 = arith.cmpi eq, %arg0, %eq3A : i32
    %jit3A = arith.constant 4 : i32
    %jit3A_29 = arith.constant 1 : i32
    %select_n3A = arith.select %eq3A_28, %jit3A, %jit3A_29 : i32
    %eq3A_30 = arith.constant 0 : i32
    %eq3A_31 = arith.cmpi eq, %arg0, %eq3A_30 : i32
    %mul3A_32 = arith.constant 128 : i32
    %mul3A_33 = arith.muli %arg1, %mul3A_32 : i32
    %mul3A_34 = arith.constant 32 : i32
    %mul3A_35 = arith.muli %arg1, %mul3A_34 : i32
    %add3A_36 = arith.constant 2048 : i32
    %add3A_37 = arith.addi %add3A_36, %mul3A_35 : i32
    %select_n3A_38 = arith.select %eq3A_31, %mul3A_33, %add3A_37 : i32
    %while3A = arith.constant 0 : i32
    %while3A_39 = arith.constant 0 : i32
    %while3A_40 = arith.subi %select_n3A, %while3A : i32
    %while3A_41 = arith.addi %while3A, %while3A_40 : i32
    %while3A_42 = arith.constant 1 : i32
    %while3A_43 = arith.divsi %while3A_40, %while3A_42 : i32
    %while3A_44 = arith.muli %while3A_43, %while3A_42 : i32
    %while3A_45 = arith.addi %while3A, %while3A_44 : i32
    %while3A_46 = arith.constant 1 : i32
    %while3A_47 = scf.for %while3A_55 = %while3A to %while3A_45 step %while3A_46 iter_args(%while3A_56 = %while3A_39) -> (i32)  : i32 {
      %mul3A_57 = arith.constant 32 : i32
      %mul3A_58 = arith.muli %while3A_55, %mul3A_57 : i32
      %add3A_59 = arith.addi %select_n3A_38, %mul3A_58 : i32
      %multiple_of3A = tpu.assume_multiple %add3A_59, 8 : i32
      "tpu.region"() ({
        %run_scoped3A = tpu.sem_alloc : memref<!tpu.dma_semaphore, #tpu.memory_space<semaphore_mem>>
        %dma_start3A_81 = arith.constant 0 : i32
        %dma_start3A_82 = tpu.memref_slice %arg3[%multiple_of3A, %dma_start3A_81] : memref<2560x128xi32, #tpu.memory_space<hbm>> -> memref<32x128xi32, #tpu.memory_space<hbm>>
        %dma_start3A_83 = arith.constant 0 : i32
        %dma_start3A_84 = tpu.memref_slice %arg3[%multiple_of3A, %dma_start3A_83] : memref<2560x128xi32, #tpu.memory_space<hbm>> -> memref<32x128xi32, #tpu.memory_space<hbm>>
        tpu.enqueue_dma source(%dma_start3A_84 : memref<32x128xi32, #tpu.memory_space<hbm>>) target(%arg6 : memref<32x128xi32, #tpu.memory_space<vmem>>) target_semaphore(%run_scoped3A : memref<!tpu.dma_semaphore, #tpu.memory_space<semaphore_mem>>)
        %dma_wait3A = arith.constant 0 : i32
        %dma_wait3A_85 = tpu.memref_slice %arg3[%multiple_of3A, %dma_wait3A] : memref<2560x128xi32, #tpu.memory_space<hbm>> -> memref<32x128xi32, #tpu.memory_space<hbm>>
        %dma_wait3A_86 = arith.constant 0 : i32
        %dma_wait3A_87 = tpu.memref_slice %arg3[%multiple_of3A, %dma_wait3A_86] : memref<2560x128xi32, #tpu.memory_space<hbm>> -> memref<32x128xi32, #tpu.memory_space<hbm>>
        tpu.wait_dma2 semaphore(%run_scoped3A : memref<!tpu.dma_semaphore, #tpu.memory_space<semaphore_mem>>) src(%dma_wait3A_87 : memref<32x128xi32, #tpu.memory_space<hbm>>) dst(%arg6 : memref<32x128xi32, #tpu.memory_space<vmem>>)
        tpu.yield
      }) : () -> ()
      "tpu.region"() ({
        %run_scoped3A = tpu.sem_alloc : memref<!tpu.dma_semaphore, #tpu.memory_space<semaphore_mem>>
        %dma_start3A_81 = arith.constant 0 : i32
        %dma_start3A_82 = tpu.memref_slice %arg4[%multiple_of3A, %dma_start3A_81] : memref<2560x128xi32, #tpu.memory_space<hbm>> -> memref<32x128xi32, #tpu.memory_space<hbm>>
        %dma_start3A_83 = arith.constant 0 : i32
        %dma_start3A_84 = tpu.memref_slice %arg4[%multiple_of3A, %dma_start3A_83] : memref<2560x128xi32, #tpu.memory_space<hbm>> -> memref<32x128xi32, #tpu.memory_space<hbm>>
        tpu.enqueue_dma source(%dma_start3A_84 : memref<32x128xi32, #tpu.memory_space<hbm>>) target(%arg7 : memref<32x128xi32, #tpu.memory_space<vmem>>) target_semaphore(%run_scoped3A : memref<!tpu.dma_semaphore, #tpu.memory_space<semaphore_mem>>)
        %dma_wait3A = arith.constant 0 : i32
        %dma_wait3A_85 = tpu.memref_slice %arg4[%multiple_of3A, %dma_wait3A] : memref<2560x128xi32, #tpu.memory_space<hbm>> -> memref<32x128xi32, #tpu.memory_space<hbm>>
        %dma_wait3A_86 = arith.constant 0 : i32
        %dma_wait3A_87 = tpu.memref_slice %arg4[%multiple_of3A, %dma_wait3A_86] : memref<2560x128xi32, #tpu.memory_space<hbm>> -> memref<32x128xi32, #tpu.memory_space<hbm>>
        tpu.wait_dma2 semaphore(%run_scoped3A : memref<!tpu.dma_semaphore, #tpu.memory_space<semaphore_mem>>) src(%dma_wait3A_87 : memref<32x128xi32, #tpu.memory_space<hbm>>) dst(%arg7 : memref<32x128xi32, #tpu.memory_space<vmem>>)
        tpu.yield
      }) : () -> ()
      %dma_start3A = arith.constant 0 : i32
      %dma_start3A_60 = arith.constant 0 : i32
      %dma_start3A_61 = tpu.memref_slice %arg6[%dma_start3A, %dma_start3A_60] : memref<32x128xi32, #tpu.memory_space<vmem>> -> memref<1x128xi32, #tpu.memory_space<vmem>>
      %dma_start3A_62 = tpu.memref_squeeze %dma_start3A_61 : memref<1x128xi32, #tpu.memory_space<vmem>> -> memref<128xi32, #tpu.memory_space<vmem>>
      %dma_start3A_63 = arith.constant 0 : i32
      %dma_start3A_64 = arith.constant 0 : i32
      %dma_start3A_65 = tpu.memref_slice %arg2[%dma_start3A_63, %dma_start3A_64] : memref<10240x128xf32, #tpu.memory_space<hbm>> -> memref<10240x128xf32, #tpu.memory_space<hbm>>
      tpu.enqueue_indirect_dma source(%dma_start3A_65 : memref<10240x128xf32, #tpu.memory_space<hbm>>) target(%arg8 : memref<128x128xf32, #tpu.memory_space<vmem>>) offsets(%dma_start3A_62 : memref<128xi32, #tpu.memory_space<vmem>>) semaphore(%arg11 : memref<!tpu.dma_semaphore, #tpu.memory_space<semaphore_mem>>)
      %dma_start3A_66 = arith.constant 1 : i32
      %dma_start3A_67 = arith.constant 0 : i32
      %dma_start3A_68 = tpu.memref_slice %arg6[%dma_start3A_66, %dma_start3A_67] : memref<32x128xi32, #tpu.memory_space<vmem>> -> memref<1x128xi32, #tpu.memory_space<vmem>>
      %dma_start3A_69 = tpu.memref_squeeze %dma_start3A_68 : memref<1x128xi32, #tpu.memory_space<vmem>> -> memref<128xi32, #tpu.memory_space<vmem>>
      %dma_start3A_70 = arith.constant 0 : i32
      %dma_start3A_71 = arith.constant 0 : i32
      %dma_start3A_72 = tpu.memref_slice %arg2[%dma_start3A_70, %dma_start3A_71] : memref<10240x128xf32, #tpu.memory_space<hbm>> -> memref<10240x128xf32, #tpu.memory_space<hbm>>
      tpu.enqueue_indirect_dma source(%dma_start3A_72 : memref<10240x128xf32, #tpu.memory_space<hbm>>) target(%arg9 : memref<128x128xf32, #tpu.memory_space<vmem>>) offsets(%dma_start3A_69 : memref<128xi32, #tpu.memory_space<vmem>>) semaphore(%arg12 : memref<!tpu.dma_semaphore, #tpu.memory_space<semaphore_mem>>)
      %scan3A_73 = arith.constant 0 : i32
      %scan3A_74 = arith.constant 0 : i32
      %scan3A_75 = arith.constant 16 : i32
      %scan3A_76 = arith.addi %scan3A_74, %scan3A_75 : i32
      %scan3A_77 = arith.constant 1 : i32
      %scan3A_78 = scf.for %scan3A_81 = %scan3A_74 to %scan3A_76 step %scan3A_77 iter_args(%scan3A_82 = %scan3A_73) -> (i32)  : i32 {
        %mul3A_83 = arith.constant 2 : i32
        %mul3A_84 = arith.muli %mul3A_83, %scan3A_81 : i32
        %dma_wait3A = arith.constant 0 : i32
        %dma_wait3A_85 = tpu.memref_slice %arg6[%mul3A_84, %dma_wait3A] : memref<32x128xi32, #tpu.memory_space<vmem>> -> memref<1x128xi32, #tpu.memory_space<vmem>>
        %dma_wait3A_86 = tpu.memref_squeeze %dma_wait3A_85 : memref<1x128xi32, #tpu.memory_space<vmem>> -> memref<128xi32, #tpu.memory_space<vmem>>
        %dma_wait3A_87 = arith.constant 0 : i32
        %dma_wait3A_88 = arith.constant 0 : i32
        %dma_wait3A_89 = tpu.memref_slice %arg2[%dma_wait3A_87, %dma_wait3A_88] : memref<10240x128xf32, #tpu.memory_space<hbm>> -> memref<10240x128xf32, #tpu.memory_space<hbm>>
        tpu.wait_indirect_dma semaphore(%arg11 : memref<!tpu.dma_semaphore, #tpu.memory_space<semaphore_mem>>) src(%dma_wait3A_89 : memref<10240x128xf32, #tpu.memory_space<hbm>>) dst(%arg8 : memref<128x128xf32, #tpu.memory_space<vmem>>)
        %mul3A_90 = arith.constant 2 : i32
        %mul3A_91 = arith.muli %mul3A_90, %scan3A_81 : i32
        "tpu.region"() ({
          %run_scoped3A = tpu.sem_alloc : memref<!tpu.dma_semaphore, #tpu.memory_space<semaphore_mem>>
          %dma_start3A_114 = arith.constant 0 : i32
          %dma_start3A_115 = tpu.memref_slice %arg7[%mul3A_91, %dma_start3A_114] : memref<32x128xi32, #tpu.memory_space<vmem>> -> memref<1x128xi32, #tpu.memory_space<vmem>>
          %dma_start3A_116 = tpu.memref_squeeze %dma_start3A_115 : memref<1x128xi32, #tpu.memory_space<vmem>> -> memref<128xi32, #tpu.memory_space<vmem>>
          %dma_start3A_117 = arith.constant 0 : i32
          %dma_start3A_118 = arith.constant 0 : i32
          %dma_start3A_119 = tpu.memref_slice %arg10[%dma_start3A_117, %dma_start3A_118] : memref<10240x128xf32, #tpu.memory_space<vmem_shared>> -> memref<10240x128xf32, #tpu.memory_space<vmem_shared>>
          tpu.enqueue_indirect_dma source(%arg8 : memref<128x128xf32, #tpu.memory_space<vmem>>) target(%dma_start3A_119 : memref<10240x128xf32, #tpu.memory_space<vmem_shared>>) offsets(%dma_start3A_116 : memref<128xi32, #tpu.memory_space<vmem>>) semaphore(%run_scoped3A : memref<!tpu.dma_semaphore, #tpu.memory_space<semaphore_mem>>) {add = true}
          %dma_wait3A_120 = arith.constant 0 : i32
          %dma_wait3A_121 = tpu.memref_slice %arg7[%mul3A_91, %dma_wait3A_120] : memref<32x128xi32, #tpu.memory_space<vmem>> -> memref<1x128xi32, #tpu.memory_space<vmem>>
          %dma_wait3A_122 = tpu.memref_squeeze %dma_wait3A_121 : memref<1x128xi32, #tpu.memory_space<vmem>> -> memref<128xi32, #tpu.memory_space<vmem>>
          %dma_wait3A_123 = arith.constant 0 : i32
          %dma_wait3A_124 = arith.constant 0 : i32
          %dma_wait3A_125 = tpu.memref_slice %arg10[%dma_wait3A_123, %dma_wait3A_124] : memref<10240x128xf32, #tpu.memory_space<vmem_shared>> -> memref<10240x128xf32, #tpu.memory_space<vmem_shared>>
          tpu.wait_indirect_dma semaphore(%run_scoped3A : memref<!tpu.dma_semaphore, #tpu.memory_space<semaphore_mem>>) src(%arg8 : memref<128x128xf32, #tpu.memory_space<vmem>>) dst(%dma_wait3A_125 : memref<10240x128xf32, #tpu.memory_space<vmem_shared>>)
          tpu.yield
        }) : () -> ()
        %lt3A = arith.constant 15 : i32
        %lt3A_92 = arith.cmpi slt, %scan3A_81, %lt3A : i32
        %convert_element_type3A = arith.extui %lt3A_92 : i1 to i32
        %cond3A = arith.constant 0 : i32
        %cond3A_93 = arith.cmpi ne, %convert_element_type3A, %cond3A : i32
        scf.if %cond3A_93 {
          %mul3A_114 = arith.constant 2 : i32
          %mul3A_115 = arith.muli %mul3A_114, %scan3A_81 : i32
          %add3A_116 = arith.constant 2 : i32
          %add3A_117 = arith.addi %mul3A_115, %add3A_116 : i32
          %dma_start3A_118 = arith.constant 0 : i32
          %dma_start3A_119 = tpu.memref_slice %arg6[%add3A_117, %dma_start3A_118] : memref<32x128xi32, #tpu.memory_space<vmem>> -> memref<1x128xi32, #tpu.memory_space<vmem>>
          %dma_start3A_120 = tpu.memref_squeeze %dma_start3A_119 : memref<1x128xi32, #tpu.memory_space<vmem>> -> memref<128xi32, #tpu.memory_space<vmem>>
          %dma_start3A_121 = arith.constant 0 : i32
          %dma_start3A_122 = arith.constant 0 : i32
          %dma_start3A_123 = tpu.memref_slice %arg2[%dma_start3A_121, %dma_start3A_122] : memref<10240x128xf32, #tpu.memory_space<hbm>> -> memref<10240x128xf32, #tpu.memory_space<hbm>>
          tpu.enqueue_indirect_dma source(%dma_start3A_123 : memref<10240x128xf32, #tpu.memory_space<hbm>>) target(%arg8 : memref<128x128xf32, #tpu.memory_space<vmem>>) offsets(%dma_start3A_120 : memref<128xi32, #tpu.memory_space<vmem>>) semaphore(%arg11 : memref<!tpu.dma_semaphore, #tpu.memory_space<semaphore_mem>>)
        } else {
        }
        %mul3A_94 = arith.constant 2 : i32
        %mul3A_95 = arith.muli %mul3A_94, %scan3A_81 : i32
        %add3A_96 = arith.constant 1 : i32
        %add3A_97 = arith.addi %mul3A_95, %add3A_96 : i32
        %dma_wait3A_98 = arith.constant 0 : i32
        %dma_wait3A_99 = tpu.memref_slice %arg6[%add3A_97, %dma_wait3A_98] : memref<32x128xi32, #tpu.memory_space<vmem>> -> memref<1x128xi32, #tpu.memory_space<vmem>>
        %dma_wait3A_100 = tpu.memref_squeeze %dma_wait3A_99 : memref<1x128xi32, #tpu.memory_space<vmem>> -> memref<128xi32, #tpu.memory_space<vmem>>
        %dma_wait3A_101 = arith.constant 0 : i32
        %dma_wait3A_102 = arith.constant 0 : i32
        %dma_wait3A_103 = tpu.memref_slice %arg2[%dma_wait3A_101, %dma_wait3A_102] : memref<10240x128xf32, #tpu.memory_space<hbm>> -> memref<10240x128xf32, #tpu.memory_space<hbm>>
        tpu.wait_indirect_dma semaphore(%arg12 : memref<!tpu.dma_semaphore, #tpu.memory_space<semaphore_mem>>) src(%dma_wait3A_103 : memref<10240x128xf32, #tpu.memory_space<hbm>>) dst(%arg9 : memref<128x128xf32, #tpu.memory_space<vmem>>)
        %mul3A_104 = arith.constant 2 : i32
        %mul3A_105 = arith.muli %mul3A_104, %scan3A_81 : i32
        %add3A_106 = arith.constant 1 : i32
        %add3A_107 = arith.addi %mul3A_105, %add3A_106 : i32
        "tpu.region"() ({
          %run_scoped3A = tpu.sem_alloc : memref<!tpu.dma_semaphore, #tpu.memory_space<semaphore_mem>>
          %dma_start3A_114 = arith.constant 0 : i32
          %dma_start3A_115 = tpu.memref_slice %arg7[%add3A_107, %dma_start3A_114] : memref<32x128xi32, #tpu.memory_space<vmem>> -> memref<1x128xi32, #tpu.memory_space<vmem>>
          %dma_start3A_116 = tpu.memref_squeeze %dma_start3A_115 : memref<1x128xi32, #tpu.memory_space<vmem>> -> memref<128xi32, #tpu.memory_space<vmem>>
          %dma_start3A_117 = arith.constant 0 : i32
          %dma_start3A_118 = arith.constant 0 : i32
          %dma_start3A_119 = tpu.memref_slice %arg10[%dma_start3A_117, %dma_start3A_118] : memref<10240x128xf32, #tpu.memory_space<vmem_shared>> -> memref<10240x128xf32, #tpu.memory_space<vmem_shared>>
          tpu.enqueue_indirect_dma source(%arg9 : memref<128x128xf32, #tpu.memory_space<vmem>>) target(%dma_start3A_119 : memref<10240x128xf32, #tpu.memory_space<vmem_shared>>) offsets(%dma_start3A_116 : memref<128xi32, #tpu.memory_space<vmem>>) semaphore(%run_scoped3A : memref<!tpu.dma_semaphore, #tpu.memory_space<semaphore_mem>>) {add = true}
          %dma_wait3A_120 = arith.constant 0 : i32
          %dma_wait3A_121 = tpu.memref_slice %arg7[%add3A_107, %dma_wait3A_120] : memref<32x128xi32, #tpu.memory_space<vmem>> -> memref<1x128xi32, #tpu.memory_space<vmem>>
          %dma_wait3A_122 = tpu.memref_squeeze %dma_wait3A_121 : memref<1x128xi32, #tpu.memory_space<vmem>> -> memref<128xi32, #tpu.memory_space<vmem>>
          %dma_wait3A_123 = arith.constant 0 : i32
          %dma_wait3A_124 = arith.constant 0 : i32
          %dma_wait3A_125 = tpu.memref_slice %arg10[%dma_wait3A_123, %dma_wait3A_124] : memref<10240x128xf32, #tpu.memory_space<vmem_shared>> -> memref<10240x128xf32, #tpu.memory_space<vmem_shared>>
          tpu.wait_indirect_dma semaphore(%run_scoped3A : memref<!tpu.dma_semaphore, #tpu.memory_space<semaphore_mem>>) src(%arg9 : memref<128x128xf32, #tpu.memory_space<vmem>>) dst(%dma_wait3A_125 : memref<10240x128xf32, #tpu.memory_space<vmem_shared>>)
          tpu.yield
        }) : () -> ()
        %lt3A_108 = arith.constant 15 : i32
        %lt3A_109 = arith.cmpi slt, %scan3A_81, %lt3A_108 : i32
        %convert_element_type3A_110 = arith.extui %lt3A_109 : i1 to i32
        %cond3A_111 = arith.constant 0 : i32
        %cond3A_112 = arith.cmpi ne, %convert_element_type3A_110, %cond3A_111 : i32
        scf.if %cond3A_112 {
          %mul3A_114 = arith.constant 2 : i32
          %mul3A_115 = arith.muli %mul3A_114, %scan3A_81 : i32
          %add3A_116 = arith.constant 3 : i32
          %add3A_117 = arith.addi %mul3A_115, %add3A_116 : i32
          %dma_start3A_118 = arith.constant 0 : i32
          %dma_start3A_119 = tpu.memref_slice %arg6[%add3A_117, %dma_start3A_118] : memref<32x128xi32, #tpu.memory_space<vmem>> -> memref<1x128xi32, #tpu.memory_space<vmem>>
          %dma_start3A_120 = tpu.memref_squeeze %dma_start3A_119 : memref<1x128xi32, #tpu.memory_space<vmem>> -> memref<128xi32, #tpu.memory_space<vmem>>
          %dma_start3A_121 = arith.constant 0 : i32
          %dma_start3A_122 = arith.constant 0 : i32
          %dma_start3A_123 = tpu.memref_slice %arg2[%dma_start3A_121, %dma_start3A_122] : memref<10240x128xf32, #tpu.memory_space<hbm>> -> memref<10240x128xf32, #tpu.memory_space<hbm>>
          tpu.enqueue_indirect_dma source(%dma_start3A_123 : memref<10240x128xf32, #tpu.memory_space<hbm>>) target(%arg9 : memref<128x128xf32, #tpu.memory_space<vmem>>) offsets(%dma_start3A_120 : memref<128xi32, #tpu.memory_space<vmem>>) semaphore(%arg12 : memref<!tpu.dma_semaphore, #tpu.memory_space<semaphore_mem>>)
        } else {
        }
        %scan3A_113 = arith.constant 0 : i32
        scf.yield %scan3A_113 : i32
      }
      %scan3A_79 = arith.constant 16 : i32
      %while3A_80 = arith.constant 0 : i32
      scf.yield %while3A_80 : i32
    }
    %while3A_48 = arith.constant 1 : i32
    %while3A_49 = scf.for %while3A_55 = %while3A_45 to %while3A_41 step %while3A_48 iter_args(%while3A_56 = %while3A_47) -> (i32)  : i32 {
      %mul3A_57 = arith.constant 32 : i32
      %mul3A_58 = arith.muli %while3A_55, %mul3A_57 : i32
      %add3A_59 = arith.addi %select_n3A_38, %mul3A_58 : i32
      %multiple_of3A = tpu.assume_multiple %add3A_59, 8 : i32
      "tpu.region"() ({
        %run_scoped3A = tpu.sem_alloc : memref<!tpu.dma_semaphore, #tpu.memory_space<semaphore_mem>>
        %dma_start3A_81 = arith.constant 0 : i32
        %dma_start3A_82 = tpu.memref_slice %arg3[%multiple_of3A, %dma_start3A_81] : memref<2560x128xi32, #tpu.memory_space<hbm>> -> memref<32x128xi32, #tpu.memory_space<hbm>>
        %dma_start3A_83 = arith.constant 0 : i32
        %dma_start3A_84 = tpu.memref_slice %arg3[%multiple_of3A, %dma_start3A_83] : memref<2560x128xi32, #tpu.memory_space<hbm>> -> memref<32x128xi32, #tpu.memory_space<hbm>>
        tpu.enqueue_dma source(%dma_start3A_84 : memref<32x128xi32, #tpu.memory_space<hbm>>) target(%arg6 : memref<32x128xi32, #tpu.memory_space<vmem>>) target_semaphore(%run_scoped3A : memref<!tpu.dma_semaphore, #tpu.memory_space<semaphore_mem>>)
        %dma_wait3A = arith.constant 0 : i32
        %dma_wait3A_85 = tpu.memref_slice %arg3[%multiple_of3A, %dma_wait3A] : memref<2560x128xi32, #tpu.memory_space<hbm>> -> memref<32x128xi32, #tpu.memory_space<hbm>>
        %dma_wait3A_86 = arith.constant 0 : i32
        %dma_wait3A_87 = tpu.memref_slice %arg3[%multiple_of3A, %dma_wait3A_86] : memref<2560x128xi32, #tpu.memory_space<hbm>> -> memref<32x128xi32, #tpu.memory_space<hbm>>
        tpu.wait_dma2 semaphore(%run_scoped3A : memref<!tpu.dma_semaphore, #tpu.memory_space<semaphore_mem>>) src(%dma_wait3A_87 : memref<32x128xi32, #tpu.memory_space<hbm>>) dst(%arg6 : memref<32x128xi32, #tpu.memory_space<vmem>>)
        tpu.yield
      }) : () -> ()
      "tpu.region"() ({
        %run_scoped3A = tpu.sem_alloc : memref<!tpu.dma_semaphore, #tpu.memory_space<semaphore_mem>>
        %dma_start3A_81 = arith.constant 0 : i32
        %dma_start3A_82 = tpu.memref_slice %arg4[%multiple_of3A, %dma_start3A_81] : memref<2560x128xi32, #tpu.memory_space<hbm>> -> memref<32x128xi32, #tpu.memory_space<hbm>>
        %dma_start3A_83 = arith.constant 0 : i32
        %dma_start3A_84 = tpu.memref_slice %arg4[%multiple_of3A, %dma_start3A_83] : memref<2560x128xi32, #tpu.memory_space<hbm>> -> memref<32x128xi32, #tpu.memory_space<hbm>>
        tpu.enqueue_dma source(%dma_start3A_84 : memref<32x128xi32, #tpu.memory_space<hbm>>) target(%arg7 : memref<32x128xi32, #tpu.memory_space<vmem>>) target_semaphore(%run_scoped3A : memref<!tpu.dma_semaphore, #tpu.memory_space<semaphore_mem>>)
        %dma_wait3A = arith.constant 0 : i32
        %dma_wait3A_85 = tpu.memref_slice %arg4[%multiple_of3A, %dma_wait3A] : memref<2560x128xi32, #tpu.memory_space<hbm>> -> memref<32x128xi32, #tpu.memory_space<hbm>>
        %dma_wait3A_86 = arith.constant 0 : i32
        %dma_wait3A_87 = tpu.memref_slice %arg4[%multiple_of3A, %dma_wait3A_86] : memref<2560x128xi32, #tpu.memory_space<hbm>> -> memref<32x128xi32, #tpu.memory_space<hbm>>
        tpu.wait_dma2 semaphore(%run_scoped3A : memref<!tpu.dma_semaphore, #tpu.memory_space<semaphore_mem>>) src(%dma_wait3A_87 : memref<32x128xi32, #tpu.memory_space<hbm>>) dst(%arg7 : memref<32x128xi32, #tpu.memory_space<vmem>>)
        tpu.yield
      }) : () -> ()
      %dma_start3A = arith.constant 0 : i32
      %dma_start3A_60 = arith.constant 0 : i32
      %dma_start3A_61 = tpu.memref_slice %arg6[%dma_start3A, %dma_start3A_60] : memref<32x128xi32, #tpu.memory_space<vmem>> -> memref<1x128xi32, #tpu.memory_space<vmem>>
      %dma_start3A_62 = tpu.memref_squeeze %dma_start3A_61 : memref<1x128xi32, #tpu.memory_space<vmem>> -> memref<128xi32, #tpu.memory_space<vmem>>
      %dma_start3A_63 = arith.constant 0 : i32
      %dma_start3A_64 = arith.constant 0 : i32
      %dma_start3A_65 = tpu.memref_slice %arg2[%dma_start3A_63, %dma_start3A_64] : memref<10240x128xf32, #tpu.memory_space<hbm>> -> memref<10240x128xf32, #tpu.memory_space<hbm>>
      tpu.enqueue_indirect_dma source(%dma_start3A_65 : memref<10240x128xf32, #tpu.memory_space<hbm>>) target(%arg8 : memref<128x128xf32, #tpu.memory_space<vmem>>) offsets(%dma_start3A_62 : memref<128xi32, #tpu.memory_space<vmem>>) semaphore(%arg11 : memref<!tpu.dma_semaphore, #tpu.memory_space<semaphore_mem>>)
      %dma_start3A_66 = arith.constant 1 : i32
      %dma_start3A_67 = arith.constant 0 : i32
      %dma_start3A_68 = tpu.memref_slice %arg6[%dma_start3A_66, %dma_start3A_67] : memref<32x128xi32, #tpu.memory_space<vmem>> -> memref<1x128xi32, #tpu.memory_space<vmem>>
      %dma_start3A_69 = tpu.memref_squeeze %dma_start3A_68 : memref<1x128xi32, #tpu.memory_space<vmem>> -> memref<128xi32, #tpu.memory_space<vmem>>
      %dma_start3A_70 = arith.constant 0 : i32
      %dma_start3A_71 = arith.constant 0 : i32
      %dma_start3A_72 = tpu.memref_slice %arg2[%dma_start3A_70, %dma_start3A_71] : memref<10240x128xf32, #tpu.memory_space<hbm>> -> memref<10240x128xf32, #tpu.memory_space<hbm>>
      tpu.enqueue_indirect_dma source(%dma_start3A_72 : memref<10240x128xf32, #tpu.memory_space<hbm>>) target(%arg9 : memref<128x128xf32, #tpu.memory_space<vmem>>) offsets(%dma_start3A_69 : memref<128xi32, #tpu.memory_space<vmem>>) semaphore(%arg12 : memref<!tpu.dma_semaphore, #tpu.memory_space<semaphore_mem>>)
      %scan3A_73 = arith.constant 0 : i32
      %scan3A_74 = arith.constant 0 : i32
      %scan3A_75 = arith.constant 16 : i32
      %scan3A_76 = arith.addi %scan3A_74, %scan3A_75 : i32
      %scan3A_77 = arith.constant 1 : i32
      %scan3A_78 = scf.for %scan3A_81 = %scan3A_74 to %scan3A_76 step %scan3A_77 iter_args(%scan3A_82 = %scan3A_73) -> (i32)  : i32 {
        %mul3A_83 = arith.constant 2 : i32
        %mul3A_84 = arith.muli %mul3A_83, %scan3A_81 : i32
        %dma_wait3A = arith.constant 0 : i32
        %dma_wait3A_85 = tpu.memref_slice %arg6[%mul3A_84, %dma_wait3A] : memref<32x128xi32, #tpu.memory_space<vmem>> -> memref<1x128xi32, #tpu.memory_space<vmem>>
        %dma_wait3A_86 = tpu.memref_squeeze %dma_wait3A_85 : memref<1x128xi32, #tpu.memory_space<vmem>> -> memref<128xi32, #tpu.memory_space<vmem>>
        %dma_wait3A_87 = arith.constant 0 : i32
        %dma_wait3A_88 = arith.constant 0 : i32
        %dma_wait3A_89 = tpu.memref_slice %arg2[%dma_wait3A_87, %dma_wait3A_88] : memref<10240x128xf32, #tpu.memory_space<hbm>> -> memref<10240x128xf32, #tpu.memory_space<hbm>>
        tpu.wait_indirect_dma semaphore(%arg11 : memref<!tpu.dma_semaphore, #tpu.memory_space<semaphore_mem>>) src(%dma_wait3A_89 : memref<10240x128xf32, #tpu.memory_space<hbm>>) dst(%arg8 : memref<128x128xf32, #tpu.memory_space<vmem>>)
        %mul3A_90 = arith.constant 2 : i32
        %mul3A_91 = arith.muli %mul3A_90, %scan3A_81 : i32
        "tpu.region"() ({
          %run_scoped3A = tpu.sem_alloc : memref<!tpu.dma_semaphore, #tpu.memory_space<semaphore_mem>>
          %dma_start3A_114 = arith.constant 0 : i32
          %dma_start3A_115 = tpu.memref_slice %arg7[%mul3A_91, %dma_start3A_114] : memref<32x128xi32, #tpu.memory_space<vmem>> -> memref<1x128xi32, #tpu.memory_space<vmem>>
          %dma_start3A_116 = tpu.memref_squeeze %dma_start3A_115 : memref<1x128xi32, #tpu.memory_space<vmem>> -> memref<128xi32, #tpu.memory_space<vmem>>
          %dma_start3A_117 = arith.constant 0 : i32
          %dma_start3A_118 = arith.constant 0 : i32
          %dma_start3A_119 = tpu.memref_slice %arg10[%dma_start3A_117, %dma_start3A_118] : memref<10240x128xf32, #tpu.memory_space<vmem_shared>> -> memref<10240x128xf32, #tpu.memory_space<vmem_shared>>
          tpu.enqueue_indirect_dma source(%arg8 : memref<128x128xf32, #tpu.memory_space<vmem>>) target(%dma_start3A_119 : memref<10240x128xf32, #tpu.memory_space<vmem_shared>>) offsets(%dma_start3A_116 : memref<128xi32, #tpu.memory_space<vmem>>) semaphore(%run_scoped3A : memref<!tpu.dma_semaphore, #tpu.memory_space<semaphore_mem>>) {add = true}
          %dma_wait3A_120 = arith.constant 0 : i32
          %dma_wait3A_121 = tpu.memref_slice %arg7[%mul3A_91, %dma_wait3A_120] : memref<32x128xi32, #tpu.memory_space<vmem>> -> memref<1x128xi32, #tpu.memory_space<vmem>>
          %dma_wait3A_122 = tpu.memref_squeeze %dma_wait3A_121 : memref<1x128xi32, #tpu.memory_space<vmem>> -> memref<128xi32, #tpu.memory_space<vmem>>
          %dma_wait3A_123 = arith.constant 0 : i32
          %dma_wait3A_124 = arith.constant 0 : i32
          %dma_wait3A_125 = tpu.memref_slice %arg10[%dma_wait3A_123, %dma_wait3A_124] : memref<10240x128xf32, #tpu.memory_space<vmem_shared>> -> memref<10240x128xf32, #tpu.memory_space<vmem_shared>>
          tpu.wait_indirect_dma semaphore(%run_scoped3A : memref<!tpu.dma_semaphore, #tpu.memory_space<semaphore_mem>>) src(%arg8 : memref<128x128xf32, #tpu.memory_space<vmem>>) dst(%dma_wait3A_125 : memref<10240x128xf32, #tpu.memory_space<vmem_shared>>)
          tpu.yield
        }) : () -> ()
        %lt3A = arith.constant 15 : i32
        %lt3A_92 = arith.cmpi slt, %scan3A_81, %lt3A : i32
        %convert_element_type3A = arith.extui %lt3A_92 : i1 to i32
        %cond3A = arith.constant 0 : i32
        %cond3A_93 = arith.cmpi ne, %convert_element_type3A, %cond3A : i32
        scf.if %cond3A_93 {
          %mul3A_114 = arith.constant 2 : i32
          %mul3A_115 = arith.muli %mul3A_114, %scan3A_81 : i32
          %add3A_116 = arith.constant 2 : i32
          %add3A_117 = arith.addi %mul3A_115, %add3A_116 : i32
          %dma_start3A_118 = arith.constant 0 : i32
          %dma_start3A_119 = tpu.memref_slice %arg6[%add3A_117, %dma_start3A_118] : memref<32x128xi32, #tpu.memory_space<vmem>> -> memref<1x128xi32, #tpu.memory_space<vmem>>
          %dma_start3A_120 = tpu.memref_squeeze %dma_start3A_119 : memref<1x128xi32, #tpu.memory_space<vmem>> -> memref<128xi32, #tpu.memory_space<vmem>>
          %dma_start3A_121 = arith.constant 0 : i32
          %dma_start3A_122 = arith.constant 0 : i32
          %dma_start3A_123 = tpu.memref_slice %arg2[%dma_start3A_121, %dma_start3A_122] : memref<10240x128xf32, #tpu.memory_space<hbm>> -> memref<10240x128xf32, #tpu.memory_space<hbm>>
          tpu.enqueue_indirect_dma source(%dma_start3A_123 : memref<10240x128xf32, #tpu.memory_space<hbm>>) target(%arg8 : memref<128x128xf32, #tpu.memory_space<vmem>>) offsets(%dma_start3A_120 : memref<128xi32, #tpu.memory_space<vmem>>) semaphore(%arg11 : memref<!tpu.dma_semaphore, #tpu.memory_space<semaphore_mem>>)
        } else {
        }
        %mul3A_94 = arith.constant 2 : i32
        %mul3A_95 = arith.muli %mul3A_94, %scan3A_81 : i32
        %add3A_96 = arith.constant 1 : i32
        %add3A_97 = arith.addi %mul3A_95, %add3A_96 : i32
        %dma_wait3A_98 = arith.constant 0 : i32
        %dma_wait3A_99 = tpu.memref_slice %arg6[%add3A_97, %dma_wait3A_98] : memref<32x128xi32, #tpu.memory_space<vmem>> -> memref<1x128xi32, #tpu.memory_space<vmem>>
        %dma_wait3A_100 = tpu.memref_squeeze %dma_wait3A_99 : memref<1x128xi32, #tpu.memory_space<vmem>> -> memref<128xi32, #tpu.memory_space<vmem>>
        %dma_wait3A_101 = arith.constant 0 : i32
        %dma_wait3A_102 = arith.constant 0 : i32
        %dma_wait3A_103 = tpu.memref_slice %arg2[%dma_wait3A_101, %dma_wait3A_102] : memref<10240x128xf32, #tpu.memory_space<hbm>> -> memref<10240x128xf32, #tpu.memory_space<hbm>>
        tpu.wait_indirect_dma semaphore(%arg12 : memref<!tpu.dma_semaphore, #tpu.memory_space<semaphore_mem>>) src(%dma_wait3A_103 : memref<10240x128xf32, #tpu.memory_space<hbm>>) dst(%arg9 : memref<128x128xf32, #tpu.memory_space<vmem>>)
        %mul3A_104 = arith.constant 2 : i32
        %mul3A_105 = arith.muli %mul3A_104, %scan3A_81 : i32
        %add3A_106 = arith.constant 1 : i32
        %add3A_107 = arith.addi %mul3A_105, %add3A_106 : i32
        "tpu.region"() ({
          %run_scoped3A = tpu.sem_alloc : memref<!tpu.dma_semaphore, #tpu.memory_space<semaphore_mem>>
          %dma_start3A_114 = arith.constant 0 : i32
          %dma_start3A_115 = tpu.memref_slice %arg7[%add3A_107, %dma_start3A_114] : memref<32x128xi32, #tpu.memory_space<vmem>> -> memref<1x128xi32, #tpu.memory_space<vmem>>
          %dma_start3A_116 = tpu.memref_squeeze %dma_start3A_115 : memref<1x128xi32, #tpu.memory_space<vmem>> -> memref<128xi32, #tpu.memory_space<vmem>>
          %dma_start3A_117 = arith.constant 0 : i32
          %dma_start3A_118 = arith.constant 0 : i32
          %dma_start3A_119 = tpu.memref_slice %arg10[%dma_start3A_117, %dma_start3A_118] : memref<10240x128xf32, #tpu.memory_space<vmem_shared>> -> memref<10240x128xf32, #tpu.memory_space<vmem_shared>>
          tpu.enqueue_indirect_dma source(%arg9 : memref<128x128xf32, #tpu.memory_space<vmem>>) target(%dma_start3A_119 : memref<10240x128xf32, #tpu.memory_space<vmem_shared>>) offsets(%dma_start3A_116 : memref<128xi32, #tpu.memory_space<vmem>>) semaphore(%run_scoped3A : memref<!tpu.dma_semaphore, #tpu.memory_space<semaphore_mem>>) {add = true}
          %dma_wait3A_120 = arith.constant 0 : i32
          %dma_wait3A_121 = tpu.memref_slice %arg7[%add3A_107, %dma_wait3A_120] : memref<32x128xi32, #tpu.memory_space<vmem>> -> memref<1x128xi32, #tpu.memory_space<vmem>>
          %dma_wait3A_122 = tpu.memref_squeeze %dma_wait3A_121 : memref<1x128xi32, #tpu.memory_space<vmem>> -> memref<128xi32, #tpu.memory_space<vmem>>
          %dma_wait3A_123 = arith.constant 0 : i32
          %dma_wait3A_124 = arith.constant 0 : i32
          %dma_wait3A_125 = tpu.memref_slice %arg10[%dma_wait3A_123, %dma_wait3A_124] : memref<10240x128xf32, #tpu.memory_space<vmem_shared>> -> memref<10240x128xf32, #tpu.memory_space<vmem_shared>>
          tpu.wait_indirect_dma semaphore(%run_scoped3A : memref<!tpu.dma_semaphore, #tpu.memory_space<semaphore_mem>>) src(%arg9 : memref<128x128xf32, #tpu.memory_space<vmem>>) dst(%dma_wait3A_125 : memref<10240x128xf32, #tpu.memory_space<vmem_shared>>)
          tpu.yield
        }) : () -> ()
        %lt3A_108 = arith.constant 15 : i32
        %lt3A_109 = arith.cmpi slt, %scan3A_81, %lt3A_108 : i32
        %convert_element_type3A_110 = arith.extui %lt3A_109 : i1 to i32
        %cond3A_111 = arith.constant 0 : i32
        %cond3A_112 = arith.cmpi ne, %convert_element_type3A_110, %cond3A_111 : i32
        scf.if %cond3A_112 {
          %mul3A_114 = arith.constant 2 : i32
          %mul3A_115 = arith.muli %mul3A_114, %scan3A_81 : i32
          %add3A_116 = arith.constant 3 : i32
          %add3A_117 = arith.addi %mul3A_115, %add3A_116 : i32
          %dma_start3A_118 = arith.constant 0 : i32
          %dma_start3A_119 = tpu.memref_slice %arg6[%add3A_117, %dma_start3A_118] : memref<32x128xi32, #tpu.memory_space<vmem>> -> memref<1x128xi32, #tpu.memory_space<vmem>>
          %dma_start3A_120 = tpu.memref_squeeze %dma_start3A_119 : memref<1x128xi32, #tpu.memory_space<vmem>> -> memref<128xi32, #tpu.memory_space<vmem>>
          %dma_start3A_121 = arith.constant 0 : i32
          %dma_start3A_122 = arith.constant 0 : i32
          %dma_start3A_123 = tpu.memref_slice %arg2[%dma_start3A_121, %dma_start3A_122] : memref<10240x128xf32, #tpu.memory_space<hbm>> -> memref<10240x128xf32, #tpu.memory_space<hbm>>
          tpu.enqueue_indirect_dma source(%dma_start3A_123 : memref<10240x128xf32, #tpu.memory_space<hbm>>) target(%arg9 : memref<128x128xf32, #tpu.memory_space<vmem>>) offsets(%dma_start3A_120 : memref<128xi32, #tpu.memory_space<vmem>>) semaphore(%arg12 : memref<!tpu.dma_semaphore, #tpu.memory_space<semaphore_mem>>)
        } else {
        }
        %scan3A_113 = arith.constant 0 : i32
        scf.yield %scan3A_113 : i32
      }
      %scan3A_79 = arith.constant 16 : i32
      %while3A_80 = arith.constant 0 : i32
      scf.yield %while3A_80 : i32
    }
    %barrier3A_50 = arith.constant 0 : index
    tpu.barrier barrier_id(%barrier3A_50)
    %mul3A_51 = arith.constant 640 : i32
    %mul3A_52 = arith.muli %arg1, %mul3A_51 : i32
    %mul3A_53 = arith.constant 640 : i32
    %mul3A_54 = arith.muli %arg1, %mul3A_53 : i32
    "tpu.region"() ({
      %run_scoped3A = tpu.sem_alloc : memref<!tpu.dma_semaphore, #tpu.memory_space<semaphore_mem>>
      %dma_start3A = arith.constant 0 : i32
      %dma_start3A_55 = tpu.memref_slice %arg5[%arg0, %mul3A_54, %dma_start3A] : memref<2x10240x128xf32, #tpu.memory_space<hbm>> -> memref<1x640x128xf32, #tpu.memory_space<hbm>>
      %dma_start3A_56 = tpu.memref_squeeze %dma_start3A_55 : memref<1x640x128xf32, #tpu.memory_space<hbm>> -> memref<640x128xf32, #tpu.memory_space<hbm>>
      %dma_start3A_57 = arith.constant 0 : i32
      %dma_start3A_58 = tpu.memref_slice %arg10[%mul3A_52, %dma_start3A_57] : memref<10240x128xf32, #tpu.memory_space<vmem_shared>> -> memref<640x128xf32, #tpu.memory_space<vmem_shared>>
      tpu.enqueue_dma source(%dma_start3A_58 : memref<640x128xf32, #tpu.memory_space<vmem_shared>>) target(%dma_start3A_56 : memref<640x128xf32, #tpu.memory_space<hbm>>) target_semaphore(%run_scoped3A : memref<!tpu.dma_semaphore, #tpu.memory_space<semaphore_mem>>)
      %dma_wait3A = arith.constant 0 : i32
      %dma_wait3A_59 = tpu.memref_slice %arg5[%arg0, %mul3A_54, %dma_wait3A] : memref<2x10240x128xf32, #tpu.memory_space<hbm>> -> memref<1x640x128xf32, #tpu.memory_space<hbm>>
      %dma_wait3A_60 = tpu.memref_squeeze %dma_wait3A_59 : memref<1x640x128xf32, #tpu.memory_space<hbm>> -> memref<640x128xf32, #tpu.memory_space<hbm>>
      %dma_wait3A_61 = arith.constant 0 : i32
      %dma_wait3A_62 = tpu.memref_slice %arg10[%mul3A_52, %dma_wait3A_61] : memref<10240x128xf32, #tpu.memory_space<vmem_shared>> -> memref<640x128xf32, #tpu.memory_space<vmem_shared>>
      tpu.wait_dma2 semaphore(%run_scoped3A : memref<!tpu.dma_semaphore, #tpu.memory_space<semaphore_mem>>) src(%dma_wait3A_62 : memref<640x128xf32, #tpu.memory_space<vmem_shared>>) dst(%dma_wait3A_60 : memref<640x128xf32, #tpu.memory_space<hbm>>)
      tpu.yield
    }) : () -> ()
    return
  }
}

module attributes {stable_mosaic.version = 14 : i64} {
  func.func @_dinv_body(%arg0: memref<2x10240xf32, #tpu.memory_space<vmem>>, %arg1: memref<10240xf32, #tpu.memory_space<vmem>>) attributes {dimension_semantics = [], scalar_prefetch = 0 : i64, scratch_operands = 0 : i64, tpu.core_type = #tpu.core_type<tc>} {
    %get3A = arith.constant 0 : index
    %get3A_0 = arith.constant 0 : index
    %get3A_1 = vector.load %arg0[%get3A, %get3A_0] : memref<2x10240xf32, #tpu.memory_space<vmem>>, vector<1x10240xf32>
    %get3A_2 = vector.shape_cast %get3A_1 : vector<1x10240xf32> to vector<10240xf32>
    %get3A_3 = arith.constant 1 : index
    %get3A_4 = arith.constant 0 : index
    %get3A_5 = vector.load %arg0[%get3A_3, %get3A_4] : memref<2x10240xf32, #tpu.memory_space<vmem>>, vector<1x10240xf32>
    %get3A_6 = vector.shape_cast %get3A_5 : vector<1x10240xf32> to vector<10240xf32>
    %add3A = arith.addf %get3A_2, %get3A_6 : vector<10240xf32>
    %add3A_7 = arith.constant 1.000000e+00 : f32
    %add3A_8 = vector.broadcast %add3A_7 : f32 to vector<10240xf32>
    %add3A_9 = arith.addf %add3A, %add3A_8 : vector<10240xf32>
    %rsqrt3A = math.rsqrt %add3A_9 : vector<10240xf32>
    %swap3A = arith.constant 0 : index
    %swap3A_10 = vector.load %arg1[%swap3A] : memref<10240xf32, #tpu.memory_space<vmem>>, vector<10240xf32>
    tpu.vector_store %arg1[%swap3A], %rsqrt3A {strides = array<i32>} : memref<10240xf32, #tpu.memory_space<vmem>>, vector<10240xf32>,
    return
  }
}

module attributes {stable_mosaic.version = 14 : i64} {
  func.func @_mm1_body(%arg0: i32, %arg1: memref<256x128xf32, #tpu.memory_space<vmem>>, %arg2: memref<128x128xf32, #tpu.memory_space<vmem>>, %arg3: memref<256xf32, #tpu.memory_space<vmem>>, %arg4: memref<256x128xf32, #tpu.memory_space<vmem>>) attributes {dimension_semantics = [#tpu.dimension_semantics<arbitrary>], iteration_bounds = array<i64: 40>, scalar_prefetch = 0 : i64, scratch_operands = 0 : i64, tpu.core_type = #tpu.core_type<tc>, window_params = [{transform_indices = @transform_0, window_bounds = array<i64: 256, 128>}, {pipeline_mode = #tpu.pipeline_mode<synchronous>, transform_indices = @transform_1, window_bounds = array<i64: 128, 128>}, {transform_indices = @transform_2, window_bounds = array<i64: 256>}, {transform_indices = @transform_3, window_bounds = array<i64: 256, 128>}]} {
    %get3A = arith.constant 0 : index
    %get3A_0 = arith.constant 0 : index
    %get3A_1 = vector.load %arg1[%get3A, %get3A_0] : memref<256x128xf32, #tpu.memory_space<vmem>>, vector<256x128xf32>
    %get3A_2 = arith.constant 0 : index
    %get3A_3 = arith.constant 0 : index
    %get3A_4 = vector.load %arg2[%get3A_2, %get3A_3] : memref<128x128xf32, #tpu.memory_space<vmem>>, vector<128x128xf32>
    %dot_general3A = arith.constant dense<0.000000e+00> : vector<256x128xf32>
    %dot_general3A_5 = tpu.matmul %get3A_1, %get3A_4, %dot_general3A {dimension_numbers = #tpu.dot_dimension_numbers<[1], [0], [0], [1], [0, 0, 1, 1], [], []>, transpose_lhs_hint = false} : vector<256x128xf32>, vector<128x128xf32>, vector<256x128xf32> -> vector<256x128xf32>
    %get3A_6 = arith.constant 0 : index
    %get3A_7 = vector.load %arg3[%get3A_6] : memref<256xf32, #tpu.memory_space<vmem>>, vector<256xf32>
    %broadcast_in_dim3A = vector.shape_cast %get3A_7 : vector<256xf32> to vector<256x1xf32>
    %mul3A = vector.broadcast %broadcast_in_dim3A : vector<256x1xf32> to vector<256x128xf32>
    %mul3A_8 = arith.mulf %dot_general3A_5, %mul3A : vector<256x128xf32>
    %swap3A = arith.constant 0 : index
    %swap3A_9 = arith.constant 0 : index
    %swap3A_10 = vector.load %arg4[%swap3A, %swap3A_9] : memref<256x128xf32, #tpu.memory_space<vmem>>, vector<256x128xf32>
    tpu.vector_store %arg4[%swap3A, %swap3A_9], %mul3A_8 {strides = array<i32>} : memref<256x128xf32, #tpu.memory_space<vmem>>, vector<256x128xf32>,
    return
  }
  func.func @transform_0(%arg0: i32) -> (i32, i32) {
    %c0_i32 = arith.constant 0 : i32
    %c0_i32_0 = arith.constant 0 : i32
    return %arg0, %c0_i32 : i32, i32
  }
  func.func @transform_1(%arg0: i32) -> (i32, i32) {
    %c0_i32 = arith.constant 0 : i32
    %c0_i32_0 = arith.constant 0 : i32
    %c0_i32_1 = arith.constant 0 : i32
    return %c0_i32, %c0_i32_0 : i32, i32
  }
  func.func @transform_2(%arg0: i32) -> i32 {
    %c0_i32 = arith.constant 0 : i32
    return %arg0 : i32
  }
  func.func @transform_3(%arg0: i32) -> (i32, i32) {
    %c0_i32 = arith.constant 0 : i32
    %c0_i32_0 = arith.constant 0 : i32
    return %arg0, %c0_i32 : i32, i32
  }
}

module attributes {stable_mosaic.version = 14 : i64} {
  func.func @_fuse_body(%arg0: i32, %arg1: memref<1x256x128xf32, #tpu.memory_space<vmem>>, %arg2: memref<1x256x128xf32, #tpu.memory_space<vmem>>, %arg3: memref<256x128xf32, #tpu.memory_space<vmem>>, %arg4: memref<256xf32, #tpu.memory_space<vmem>>, %arg5: memref<128xf32, #tpu.memory_space<vmem>>, %arg6: memref<128xf32, #tpu.memory_space<vmem>>, %arg7: memref<128xf32, #tpu.memory_space<vmem>>, %arg8: memref<128xf32, #tpu.memory_space<vmem>>, %arg9: memref<128xf32, #tpu.memory_space<vmem>>, %arg10: memref<128x128xf32, #tpu.memory_space<vmem>>, %arg11: memref<256x128xf32, #tpu.memory_space<vmem>>) attributes {dimension_semantics = [#tpu.dimension_semantics<arbitrary>], iteration_bounds = array<i64: 40>, scalar_prefetch = 0 : i64, scratch_operands = 0 : i64, tpu.core_type = #tpu.core_type<tc>, window_params = [{transform_indices = @transform_0, window_bounds = array<i64: 1, 256, 128>}, {transform_indices = @transform_1, window_bounds = array<i64: 1, 256, 128>}, {transform_indices = @transform_2, window_bounds = array<i64: 256, 128>}, {transform_indices = @transform_3, window_bounds = array<i64: 256>}, {pipeline_mode = #tpu.pipeline_mode<synchronous>, transform_indices = @transform_4, window_bounds = array<i64: 128>}, {pipeline_mode = #tpu.pipeline_mode<synchronous>, transform_indices = @transform_5, window_bounds = array<i64: 128>}, {pipeline_mode = #tpu.pipeline_mode<synchronous>, transform_indices = @transform_6, window_bounds = array<i64: 128>}, {pipeline_mode = #tpu.pipeline_mode<synchronous>, transform_indices = @transform_7, window_bounds = array<i64: 128>}, {pipeline_mode = #tpu.pipeline_mode<synchronous>, transform_indices = @transform_8, window_bounds = array<i64: 128>}, {pipeline_mode = #tpu.pipeline_mode<synchronous>, transform_indices = @transform_9, window_bounds = array<i64: 128, 128>}, {transform_indices = @transform_10, window_bounds = array<i64: 256, 128>}]} {
    %get3A = arith.constant 0 : index
    %get3A_0 = vector.load %arg4[%get3A] : memref<256xf32, #tpu.memory_space<vmem>>, vector<256xf32>
    %broadcast_in_dim3A = vector.shape_cast %get3A_0 : vector<256xf32> to vector<256x1xf32>
    %get3A_1 = arith.constant 0 : index
    %get3A_2 = arith.constant 0 : index
    %get3A_3 = arith.constant 0 : index
    %get3A_4 = vector.load %arg1[%get3A_1, %get3A_2, %get3A_3] : memref<1x256x128xf32, #tpu.memory_space<vmem>>, vector<1x256x128xf32>
    %get3A_5 = vector.shape_cast %get3A_4 : vector<1x256x128xf32> to vector<256x128xf32>
    %get3A_6 = arith.constant 0 : index
    %get3A_7 = arith.constant 0 : index
    %get3A_8 = arith.constant 0 : index
    %get3A_9 = vector.load %arg2[%get3A_6, %get3A_7, %get3A_8] : memref<1x256x128xf32, #tpu.memory_space<vmem>>, vector<1x256x128xf32>
    %get3A_10 = vector.shape_cast %get3A_9 : vector<1x256x128xf32> to vector<256x128xf32>
    %add3A = arith.addf %get3A_5, %get3A_10 : vector<256x128xf32>
    %get3A_11 = arith.constant 0 : index
    %get3A_12 = arith.constant 0 : index
    %get3A_13 = vector.load %arg3[%get3A_11, %get3A_12] : memref<256x128xf32, #tpu.memory_space<vmem>>, vector<256x128xf32>
    %add3A_14 = arith.addf %add3A, %get3A_13 : vector<256x128xf32>
    %mul3A = vector.broadcast %broadcast_in_dim3A : vector<256x1xf32> to vector<256x128xf32>
    %mul3A_15 = arith.mulf %add3A_14, %mul3A : vector<256x128xf32>
    %get3A_16 = arith.constant 0 : index
    %get3A_17 = vector.load %arg5[%get3A_16] : memref<128xf32, #tpu.memory_space<vmem>>, vector<128xf32>
    %broadcast_in_dim3A_18 = vector.shape_cast %get3A_17 : vector<128xf32> to vector<1x128xf32>
    %add3A_19 = vector.broadcast %broadcast_in_dim3A_18 : vector<1x128xf32> to vector<256x128xf32>
    %add3A_20 = arith.addf %mul3A_15, %add3A_19 : vector<256x128xf32>
    %get3A_21 = arith.constant 0 : index
    %get3A_22 = vector.load %arg8[%get3A_21] : memref<128xf32, #tpu.memory_space<vmem>>, vector<128xf32>
    %get3A_23 = arith.constant 0 : index
    %get3A_24 = vector.load %arg7[%get3A_23] : memref<128xf32, #tpu.memory_space<vmem>>, vector<128xf32>
    %add3A_25 = arith.constant 9.99999974E-6 : f32
    %add3A_26 = vector.broadcast %add3A_25 : f32 to vector<128xf32>
    %add3A_27 = arith.addf %get3A_24, %add3A_26 : vector<128xf32>
    %rsqrt3A = math.rsqrt %add3A_27 : vector<128xf32>
    %mul3A_28 = arith.mulf %get3A_22, %rsqrt3A : vector<128xf32>
    %get3A_29 = arith.constant 0 : index
    %get3A_30 = vector.load %arg9[%get3A_29] : memref<128xf32, #tpu.memory_space<vmem>>, vector<128xf32>
    %get3A_31 = arith.constant 0 : index
    %get3A_32 = vector.load %arg6[%get3A_31] : memref<128xf32, #tpu.memory_space<vmem>>, vector<128xf32>
    %mul3A_33 = arith.mulf %get3A_32, %mul3A_28 : vector<128xf32>
    %sub3A = arith.subf %get3A_30, %mul3A_33 : vector<128xf32>
    %broadcast_in_dim3A_34 = vector.shape_cast %mul3A_28 : vector<128xf32> to vector<1x128xf32>
    %mul3A_35 = vector.broadcast %broadcast_in_dim3A_34 : vector<1x128xf32> to vector<256x128xf32>
    %mul3A_36 = arith.mulf %add3A_20, %mul3A_35 : vector<256x128xf32>
    %broadcast_in_dim3A_37 = vector.shape_cast %sub3A : vector<128xf32> to vector<1x128xf32>
    %add3A_38 = vector.broadcast %broadcast_in_dim3A_37 : vector<1x128xf32> to vector<256x128xf32>
    %add3A_39 = arith.addf %mul3A_36, %add3A_38 : vector<256x128xf32>
    %max3A = arith.constant 0.000000e+00 : f32
    %max3A_40 = vector.broadcast %max3A : f32 to vector<256x128xf32>
    %max3A_41 = arith.maximumf %add3A_39, %max3A_40 : vector<256x128xf32>
    %get3A_42 = arith.constant 0 : index
    %get3A_43 = arith.constant 0 : index
    %get3A_44 = vector.load %arg10[%get3A_42, %get3A_43] : memref<128x128xf32, #tpu.memory_space<vmem>>, vector<128x128xf32>
    %dot_general3A = arith.constant dense<0.000000e+00> : vector<256x128xf32>
    %dot_general3A_45 = tpu.matmul %max3A_41, %get3A_44, %dot_general3A {dimension_numbers = #tpu.dot_dimension_numbers<[1], [0], [0], [1], [0, 0, 1, 1], [], []>, transpose_lhs_hint = false} : vector<256x128xf32>, vector<128x128xf32>, vector<256x128xf32> -> vector<256x128xf32>
    %mul3A_46 = vector.broadcast %broadcast_in_dim3A : vector<256x1xf32> to vector<256x128xf32>
    %mul3A_47 = arith.mulf %dot_general3A_45, %mul3A_46 : vector<256x128xf32>
    %swap3A = arith.constant 0 : index
    %swap3A_48 = arith.constant 0 : index
    %swap3A_49 = vector.load %arg11[%swap3A, %swap3A_48] : memref<256x128xf32, #tpu.memory_space<vmem>>, vector<256x128xf32>
    tpu.vector_store %arg11[%swap3A, %swap3A_48], %mul3A_47 {strides = array<i32>} : memref<256x128xf32, #tpu.memory_space<vmem>>, vector<256x128xf32>,
    return
  }
  func.func @transform_0(%arg0: i32) -> (i32, i32, i32) {
    %c0_i32 = arith.constant 0 : i32
    %c0_i32_0 = arith.constant 0 : i32
    %c0_i32_1 = arith.constant 0 : i32
    return %c0_i32, %arg0, %c0_i32_0 : i32, i32, i32
  }
  func.func @transform_1(%arg0: i32) -> (i32, i32, i32) {
    %c1_i32 = arith.constant 1 : i32
    %c0_i32 = arith.constant 0 : i32
    %c0_i32_0 = arith.constant 0 : i32
    return %c1_i32, %arg0, %c0_i32 : i32, i32, i32
  }
  func.func @transform_2(%arg0: i32) -> (i32, i32) {
    %c0_i32 = arith.constant 0 : i32
    %c0_i32_0 = arith.constant 0 : i32
    return %arg0, %c0_i32 : i32, i32
  }
  func.func @transform_3(%arg0: i32) -> i32 {
    %c0_i32 = arith.constant 0 : i32
    return %arg0 : i32
  }
  func.func @transform_4(%arg0: i32) -> i32 {
    %c0_i32 = arith.constant 0 : i32
    %c0_i32_0 = arith.constant 0 : i32
    return %c0_i32 : i32
  }
  func.func @transform_5(%arg0: i32) -> i32 {
    %c0_i32 = arith.constant 0 : i32
    %c0_i32_0 = arith.constant 0 : i32
    return %c0_i32 : i32
  }
  func.func @transform_6(%arg0: i32) -> i32 {
    %c0_i32 = arith.constant 0 : i32
    %c0_i32_0 = arith.constant 0 : i32
    return %c0_i32 : i32
  }
  func.func @transform_7(%arg0: i32) -> i32 {
    %c0_i32 = arith.constant 0 : i32
    %c0_i32_0 = arith.constant 0 : i32
    return %c0_i32 : i32
  }
  func.func @transform_8(%arg0: i32) -> i32 {
    %c0_i32 = arith.constant 0 : i32
    %c0_i32_0 = arith.constant 0 : i32
    return %c0_i32 : i32
  }
  func.func @transform_9(%arg0: i32) -> (i32, i32) {
    %c0_i32 = arith.constant 0 : i32
    %c0_i32_0 = arith.constant 0 : i32
    %c0_i32_1 = arith.constant 0 : i32
    return %c0_i32, %c0_i32_0 : i32, i32
  }
  func.func @transform_10(%arg0: i32) -> (i32, i32) {
    %c0_i32 = arith.constant 0 : i32
    %c0_i32_0 = arith.constant 0 : i32
    return %arg0, %c0_i32 : i32, i32
  }
}

module attributes {stable_mosaic.version = 14 : i64} {
  func.func @_final_body(%arg0: i32, %arg1: memref<1x256x128xf32, #tpu.memory_space<vmem>>, %arg2: memref<1x256x128xf32, #tpu.memory_space<vmem>>, %arg3: memref<256x128xf32, #tpu.memory_space<vmem>>, %arg4: memref<256xf32, #tpu.memory_space<vmem>>, %arg5: memref<128xf32, #tpu.memory_space<vmem>>, %arg6: memref<256x64xf32, #tpu.memory_space<vmem>>) attributes {dimension_semantics = [#tpu.dimension_semantics<arbitrary>], iteration_bounds = array<i64: 40>, scalar_prefetch = 0 : i64, scratch_operands = 0 : i64, tpu.core_type = #tpu.core_type<tc>, window_params = [{transform_indices = @transform_0, window_bounds = array<i64: 1, 256, 128>}, {transform_indices = @transform_1, window_bounds = array<i64: 1, 256, 128>}, {transform_indices = @transform_2, window_bounds = array<i64: 256, 128>}, {transform_indices = @transform_3, window_bounds = array<i64: 256>}, {pipeline_mode = #tpu.pipeline_mode<synchronous>, transform_indices = @transform_4, window_bounds = array<i64: 128>}, {transform_indices = @transform_5, window_bounds = array<i64: 256, 64>}]} {
    %get3A = arith.constant 0 : index
    %get3A_0 = vector.load %arg4[%get3A] : memref<256xf32, #tpu.memory_space<vmem>>, vector<256xf32>
    %broadcast_in_dim3A = vector.shape_cast %get3A_0 : vector<256xf32> to vector<256x1xf32>
    %get3A_1 = arith.constant 0 : index
    %get3A_2 = arith.constant 0 : index
    %get3A_3 = arith.constant 0 : index
    %get3A_4 = vector.load %arg1[%get3A_1, %get3A_2, %get3A_3] : memref<1x256x128xf32, #tpu.memory_space<vmem>>, vector<1x256x128xf32>
    %get3A_5 = vector.shape_cast %get3A_4 : vector<1x256x128xf32> to vector<256x128xf32>
    %get3A_6 = arith.constant 0 : index
    %get3A_7 = arith.constant 0 : index
    %get3A_8 = arith.constant 0 : index
    %get3A_9 = vector.load %arg2[%get3A_6, %get3A_7, %get3A_8] : memref<1x256x128xf32, #tpu.memory_space<vmem>>, vector<1x256x128xf32>
    %get3A_10 = vector.shape_cast %get3A_9 : vector<1x256x128xf32> to vector<256x128xf32>
    %add3A = arith.addf %get3A_5, %get3A_10 : vector<256x128xf32>
    %get3A_11 = arith.constant 0 : index
    %get3A_12 = arith.constant 0 : index
    %get3A_13 = vector.load %arg3[%get3A_11, %get3A_12] : memref<256x128xf32, #tpu.memory_space<vmem>>, vector<256x128xf32>
    %add3A_14 = arith.addf %add3A, %get3A_13 : vector<256x128xf32>
    %mul3A = vector.broadcast %broadcast_in_dim3A : vector<256x1xf32> to vector<256x128xf32>
    %mul3A_15 = arith.mulf %add3A_14, %mul3A : vector<256x128xf32>
    %get3A_16 = arith.constant 0 : index
    %get3A_17 = vector.load %arg5[%get3A_16] : memref<128xf32, #tpu.memory_space<vmem>>, vector<128xf32>
    %broadcast_in_dim3A_18 = vector.shape_cast %get3A_17 : vector<128xf32> to vector<1x128xf32>
    %add3A_19 = vector.broadcast %broadcast_in_dim3A_18 : vector<1x128xf32> to vector<256x128xf32>
    %add3A_20 = arith.addf %mul3A_15, %add3A_19 : vector<256x128xf32>
    %slice3A = vector.extract_strided_slice %add3A_20 {offsets = [0, 0], sizes = [256, 64], strides = [1, 1]} : vector<256x128xf32> to vector<256x64xf32>
    %reduce_max3A = arith.constant dense<0xFF800000> : vector<256xf32>
    %reduce_max3A_21 = vector.multi_reduction <maximumf>, %slice3A, %reduce_max3A [1] : vector<256x64xf32> to vector<256xf32>
    %broadcast_in_dim3A_22 = vector.shape_cast %reduce_max3A_21 : vector<256xf32> to vector<256x1xf32>
    %sub3A = vector.broadcast %broadcast_in_dim3A_22 : vector<256x1xf32> to vector<256x64xf32>
    %sub3A_23 = arith.subf %slice3A, %sub3A : vector<256x64xf32>
    %exp3A = math.exp %sub3A_23 : vector<256x64xf32>
    %reduce_sum3A = arith.constant dense<0.000000e+00> : vector<256xf32>
    %reduce_sum3A_24 = vector.multi_reduction <add>, %exp3A, %reduce_sum3A [1] : vector<256x64xf32> to vector<256xf32>
    %broadcast_in_dim3A_25 = vector.shape_cast %reduce_sum3A_24 : vector<256xf32> to vector<256x1xf32>
    %log3A = math.log %broadcast_in_dim3A_25 : vector<256x1xf32>
    %add3A_26 = arith.addf %log3A, %broadcast_in_dim3A_22 : vector<256x1xf32>
    %sub3A_27 = vector.broadcast %add3A_26 : vector<256x1xf32> to vector<256x64xf32>
    %sub3A_28 = arith.subf %slice3A, %sub3A_27 : vector<256x64xf32>
    %swap3A = arith.constant 0 : index
    %swap3A_29 = arith.constant 0 : index
    %swap3A_30 = vector.load %arg6[%swap3A, %swap3A_29] : memref<256x64xf32, #tpu.memory_space<vmem>>, vector<256x64xf32>
    tpu.vector_store %arg6[%swap3A, %swap3A_29], %sub3A_28 {strides = array<i32>} : memref<256x64xf32, #tpu.memory_space<vmem>>, vector<256x64xf32>,
    return
  }
  func.func @transform_0(%arg0: i32) -> (i32, i32, i32) {
    %c0_i32 = arith.constant 0 : i32
    %c0_i32_0 = arith.constant 0 : i32
    %c0_i32_1 = arith.constant 0 : i32
    return %c0_i32, %arg0, %c0_i32_0 : i32, i32, i32
  }
  func.func @transform_1(%arg0: i32) -> (i32, i32, i32) {
    %c1_i32 = arith.constant 1 : i32
    %c0_i32 = arith.constant 0 : i32
    %c0_i32_0 = arith.constant 0 : i32
    return %c1_i32, %arg0, %c0_i32 : i32, i32, i32
  }
  func.func @transform_2(%arg0: i32) -> (i32, i32) {
    %c0_i32 = arith.constant 0 : i32
    %c0_i32_0 = arith.constant 0 : i32
    return %arg0, %c0_i32 : i32, i32
  }
  func.func @transform_3(%arg0: i32) -> i32 {
    %c0_i32 = arith.constant 0 : i32
    return %arg0 : i32
  }
  func.func @transform_4(%arg0: i32) -> i32 {
    %c0_i32 = arith.constant 0 : i32
    %c0_i32_0 = arith.constant 0 : i32
    return %c0_i32 : i32
  }
  func.func @transform_5(%arg0: i32) -> (i32, i32) {
    %c0_i32 = arith.constant 0 : i32
    %c0_i32_0 = arith.constant 0 : i32
    return %arg0, %c0_i32 : i32, i32
  }
}

</mosaic_0001>

<sc_bundles>
// kernel: kernel.11.cloned.1.call-start
scs
__scs_entry_jumppad:
0x0: {  	(pc) =	sbr.rel $0x88, $3  }
0x1: {  	(tag) =	ssettag $0x0;
	lr =	simm.s32 $0x1  }
0x2: {  	[smem:$0x3F91] =	sst lr;
	_ =	strace $0xD0000000  }
0x3: {  	_ = 	snop  }
0x4: {  	_ = 	snop  }
0x5: {  	_ = 	snop  }
0x6: {  	_ = 	snop  }
0x7: {  	_ = 	snop  }
__scs_overlays_trampoline_lowered:
0x8: {  	[smem:$0x3FA0] =	sst s0  }
0x9: {  	[smem:$0x3FA1] =	sst s1  }
0xa: {  	[smem:$0x3FA2] =	sst s2  }
0xb: {  	[smem:$0x3FA3] =	sst s3  }
0xc: {  	[smem:$0x3FA4] =	sst s4  }
0xd: {  	[smem:$0x3FA5] =	sst s5  }
0xe: {  	[smem:$0x3FA6] =	sst s6  }
0xf: {  	[smem:$0x3FA7] =	sst s7  }
0x10: {  	[smem:$0x3FA8] =	sst s8  }
0x11: {  	[smem:$0x3FA9] =	sst s9;
	s0 =	simm.s32 @!p0 $0x0  }
0x12: {  	s1 =	sld [smem:$0x3F8F];
	s0 =	simm.s32 @p0 $0x1  }
0x13: {  	[smem:$0x3FAA] =	sst s0;
	s0 =	simm.s32 @!p1 $0x0  }
0x14: {  	s2 =	sld [smem:$0x3F8E];
	s0 =	simm.s32 @p1 $0x1  }
0x15: {  	[smem:$0x3FAB] =	sst s0;
	s0 =	simm.s32 @!p2 $0x0  }
0x16: {  	s3 =	sld [smem:$0x3FDB];
	s0 =	simm.s32 @p2 $0x1  }
0x17: {  	s4 =	simm.s32 $0x1BF5;
	[smem:$0x3FAD] =	sst s0  }
0x18: {  	s0 =	sld [smem:$0x3F90];
	_ =	swait.ge [sflag:s4], $0x0  }
0x19: {  	s7 =	sld [smem:$0x3F91]  }
0x1a: {  	s8 =	sadd.s32 $0xFFFFE003, lr  }
0x1b: {  	s9 =	sadd.s32 $0xFFFFFEF7, lr;
	s5 =	simm.s32 $0xFFFFFFFF;
	p2 =	slt.u32 s8, $0xFFFFF086  }
0x1c: {  	p1 =	slt.u32 s9, $0xF7A;
	s5 =	simm.s32 @!p2 $0x0  }
0x1d: {  	s5 =	simm.s32 @p1 $0x1;
	p0 =	seq.s32 s7, s2  }
0x1e: {  	s7 =	smul.u32 @!p0 $0xF7A, s2;
	p2 =	seq.s32 @!p0 s5, $0x0  }
0x1f: {  	s9 =	smul.u32 $0xF7A, s1;
	s8 =	simm.s32 @!p0 $0x1BF5;
	p2 =	por !p2, p0  }
0x20: {  	[sflag:s8] =	ssyncset.s32 @!p0 $0xFFFFF086;
	s6 =	sadd.s32 @!p0 s3, s7;
	s7 =	simm.s32 @!p0 $0x108  }
0x21: {  	s3 =	sadd.s32 s3, s9;
	s6 =	sadd.s32 @!p0 $0x88, s6;
	s7 =	simm.s32 @p2 $0x1082  }
0x22: {  	[simem:s7], [sflag:s8] =	dma.local @!p0 [hbm:s6], $0xF7A  }
0x23: {  	s9 =	sor.u32 $0xD0000000, s2;
	s6 =	simm.s32 $0x108;
	_ =	swait.ge @!p0 [sflag:s8], $0x0  }
0x24: {  	s3 =	sadd.s32 $0x88, s3;
	s6 =	simm.s32 @!p1 $0x1082;
	[sflag:s4] =	ssyncset.s32 $0xFFFFF086  }
0x25: {  	[simem:s6], [sflag:s4] =	dma.local [hbm:s3], $0xF7A  }
0x26: {  	[smem:$0x3F91] =	sst s1;
	(tag) =	ssettag s2;
	_ =	strace s9  }
0x27: {  	s1 =	sld [smem:$0x3FA1]  }
0x28: {  	s2 =	sld [smem:$0x3FA2]  }
0x29: {  	s4 =	sld [smem:$0x3FA4]  }
0x2a: {  	p0 =	seq.s32 s5, $0x0;
	s5 =	sld [smem:$0x3FA5]  }
0x2b: {  	s6 =	sld [smem:$0x3FA6]  }
0x2c: {  	s7 =	sld [smem:$0x3FA7]  }
0x2d: {  	s3 =	simm.s32 $0x108;
	s8 =	sld [smem:$0x3FA8]  }
0x2e: {  	s3 =	simm.s32 @!p0 $0x1082;
	s9 =	sld [smem:$0x3FA9]  }
0x2f: {  	lr =	sadd.s32 s0, s3;
	s0 =	sld [smem:$0x3FA0]  }
0x30: {  	s3 =	sld [smem:$0x3FA3]  }
0x31: {  	[smem:$0x3FAC] =	sst s10  }
0x32: {  	s10 =	sld [smem:$0x3FAA];
	_ =	sdelay $0x3  }
0x33: {  	p0 =	seq.s32 s10, $0x1;
	s10 =	sld [smem:$0x3FAC];
	_ =	sdelay $0x3  }
0x34: {  	[smem:$0x3FAC] =	sst s10  }
0x35: {  	s10 =	sld [smem:$0x3FAB];
	_ =	sdelay $0x3  }
0x36: {  	p1 =	seq.s32 s10, $0x1;
	s10 =	sld [smem:$0x3FAC];
	_ =	sdelay $0x3  }
0x37: {  	[smem:$0x3FAC] =	sst s10  }
0x38: {  	s10 =	sld [smem:$0x3FAD]  }
0x39: {  	_ = 	snop;
	(pc) =	sbr.ind lr, $3  }
0x3a: {  	_ = 	snop  }
0x3b: {  	_ = 	snop  }
0x3c: {  	p2 =	seq.s32 s10, $0x1;
	s10 =	sld [smem:$0x3FAC]  }
0x3d: {  	_ =	shalt  }
0x3e: {  	_ =	shalt  }
0x3f: {  	_ =	shalt  }
0x40: {  	_ =	shalt  }
0x41: {  	_ =	shalt  }
0x42: {  	_ =	shalt  }
0x43: {  	_ =	shalt  }
0x44: {  	_ =	shalt  }
0x45: {  	_ =	shalt  }
0x46: {  	_ =	shalt  }
0x47: {  	_ =	shalt  }
0x48: {  	_ =	shalt  }
0x49: {  	_ =	shalt  }
0x4a: {  	_ =	shalt  }
0x4b: {  	_ =	shalt  }
0x4c: {  	_ =	shalt  }
0x4d: {  	_ =	shalt  }
0x4e: {  	_ =	shalt  }
0x4f: {  	_ =	shalt  }
0x50: {  	_ =	shalt  }
0x51: {  	_ =	shalt  }
0x52: {  	_ =	shalt  }
0x53: {  	_ =	shalt  }
0x54: {  	_ =	shalt  }
0x55: {  	_ =	shalt  }
0x56: {  	_ =	shalt  }
0x57: {  	_ =	shalt  }
0x58: {  	_ =	shalt  }
0x59: {  	_ =	shalt  }
0x5a: {  	_ =	shalt  }
0x5b: {  	_ =	shalt  }
0x5c: {  	_ =	shalt  }
0x5d: {  	_ =	shalt  }
0x5e: {  	_ =	shalt  }
0x5f: {  	_ =	shalt  }
0x60: {  	_ =	shalt  }
0x61: {  	_ =	shalt  }
0x62: {  	_ =	shalt  }
0x63: {  	_ =	shalt  }
0x64: {  	_ =	shalt  }
0x65: {  	_ =	shalt  }
0x66: {  	_ =	shalt  }
0x67: {  	_ =	shalt  }
0x68: {  	_ =	shalt  }
0x69: {  	_ =	shalt  }
0x6a: {  	_ =	shalt  }
0x6b: {  	_ =	shalt  }
0x6c: {  	_ =	shalt  }
0x6d: {  	_ =	shalt  }
0x6e: {  	_ =	shalt  }
0x6f: {  	_ =	shalt  }
0x70: {  	_ =	shalt  }
0x71: {  	_ =	shalt  }
0x72: {  	_ =	shalt  }
0x73: {  	_ =	shalt  }
0x74: {  	_ =	shalt  }
0x75: {  	_ =	shalt  }
0x76: {  	_ =	shalt  }
0x77: {  	_ =	shalt  }
0x78: {  	_ =	shalt  }
0x79: {  	_ =	shalt  }
0x7a: {  	_ =	shalt  }
0x7b: {  	_ =	shalt  }
0x7c: {  	_ =	shalt  }
0x7d: {  	_ =	shalt  }
0x7e: {  	_ =	shalt  }
0x7f: {  	_ =	shalt  }
0x80: {  	_ =	shalt  }
0x81: {  	_ =	shalt  }
0x82: {  	_ =	shalt  }
0x83: {  	_ =	shalt  }
0x84: {  	_ =	shalt  }
0x85: {  	_ =	shalt  }
0x86: {  	_ =	shalt  }
0x87: {  	_ =	shalt  }
.Lfunc_end0:
.L_simem_size_0:
called_computation_lowered:
.L_overlay_start_0:
0x88: {  	s2 =	sld [smem:$0x3FD9]  }
0x89: {  	s3 =	sld [smem:$0x3FFE];
	_ =	sdelay $0x1  }
0x8a: {  	s1 =	srdreg.scid  }
0x8b: {  	s0 =	sand.u32 $0x1, s1  }
0x8c: {  	s17 =	sshll.u32 s0, $0xA;
	s2 =	sadd.s32 s3, s2  }
0x8d: {  	s2 =	sadd.s32 s2, s17  }
0x8e: {  	[smem:$0x3FB8] =	sst s2  }
0x8f: {  	_ = 	snop  }
0x90: {  	s2 =	sld [smem:$0x3FD0];
	(tm) =	ssettm $0x1  }
0x91: {  	s18 =	sld [smem:$0x3FFB];
	_ =	sdelay $0x3  }
0x92: {  	_ =	strace s18  }
0x93: {  	s3 =	sld [smem:$0x3FFC];
	_ =	sdelay $0x3  }
0x94: {  	_ =	strace s3  }
0x95: {  	s3 =	sld [smem:$0x3FFD];
	_ =	sdelay $0x3  }
0x96: {  	_ =	strace s3  }
0x97: {  	_ =	strace $0x8FFFFFFF  }
0x98: {  	s19 =	sld [smem:$0x3FDB];
	_ =	sdelay $0x1  }
0x99: {  	s4 =	simm.s32 $_scs_section_size  }
0x9a: {  	s5 =	simm.s32 $_size__tile_overlayer_lowered;
	s6 =	simm.s32 $_tile_overlayer_lowered  }
0x9b: {  	s22 =	simm.s32 $0x1BFF;
	s21 =	sshll.u32 s6, $0x1;
	s3 =	sadd.s32 s4, s19  }
0x9c: {  	s7 =	simm.s32 $0x0;
	s20 =	sshll.u32 s5, $0x1;
	s5 =	sadd.s32 s21, s3  }
0x9d: {  	[timem:s7], [sflag:s22] =	dma.local [hbm:s5], s20  }
0x9e: {  	_ =	swait.ge [sflag:s22], s20  }
0x9f: {  	s4 =	ssub.s32 $0x0, s20;
	[sflag:s22] =	ssyncset.done $0x0  }
0xa0: {  	[sflag:s22] =	ssyncadd.s32 s4;
	_ =	sdelay $0x1  }
0xa1: {  	s23 =	simm.s32 $0x1B8B  }
0xa2: {  	_ =	swait.ge [sflag:s23], $0x1  }
0xa3: {  	[sflag:s23] =	ssyncset.done $0x0  }
0xa4: {  	s25 =	simm.s32 $0x1B8E;
	s24 =	sld [smem:$0x3FFE];
	[sflag:s23] =	ssyncadd.s32 $0xFFFFFFFF  }
0xa5: {  	s26 =	simm.s32 $execute0_lowered;
	[smem:$0x3FD2] =	sst s25  }
0xa6: {  	s5 =	sshll.u32 s26, $0x1;
	_ =	strace $0x80000046;
	[dreg:$0x1] =	wrdreg $0xFFFFFFFF  }
0xa7: {  	s28 =	simm.s32 $_size_execute0_lowered;
	s3 =	sadd.s32 s3, s5;
	[dreg:$0x0] =	wrdreg $0x0  }
0xa8: {  	s5 =	sshll.u32 s28, $0x1;
	[dreg:$0x2] =	wrdreg s3  }
0xa9: {  	[dreg:$0x3] =	wrdreg s5  }
0xaa: {  	[dreg:$0x4] =	wrdreg $0xC0  }
0xab: {  	_ =	task [dreg:s7], $0x5FFFF  }
0xac: {  	[dreg:$0x1] =	wrdreg $0xFFFFFFFF  }
0xad: {  	[dreg:$0x0] =	wrdreg $0x60  }
0xae: {  	[dreg:$0x2] =	wrdreg s2  }
0xaf: {  	[dreg:$0x3] =	wrdreg s24  }
0xb0: {  	[dreg:$0x4] =	wrdreg $0x2B000  }
0xb1: {  	[dreg:$0x5] =	wrdreg $0x9  }
0xb2: {  	_ =	task.clear_ibuf [dreg:s7], $0x6FFFF;
	_ =	strace $0x90000046  }
0xb3: {  	s29 =	simm.s32 $0x9;
	_ =	strace $0x80000048  }
0xb4: {  	_ =	swait.ge [sflag:s29], $0x1  }
0xb5: {  	[sflag:s29] =	ssyncadd.s32 $0xFFFFFFFF  }
0xb6: {  	_ =	strace $0x90000048  }
0xb7: {  	_ =	sfence  }
0xb8: {  	s30 =	sld [smem:$0x0];
	_ =	sdelay $0x2  }
0xb9: {  	s31 =	sshll.u32 s1, $0xD;
	s1 =	sshrl.u32 s1, $0x2  }
0xba: {  	s3 =	sand.u32 $0x4000, s31;
	s1 =	sadd.s32 s1, s30  }
0xbb: {  	s0 =	sor.u32 s3, s0;
	s1 =	sshll.u32 s1, $0x11  }
0xbc: {  	s0 =	sor.u32 s1, s0  }
0xbd: {  	s0 =	sadd.s32 $0x8F2B, s0  }
0xbe: {  	[sflag:s0] =	ssyncadd.remote.s32 $0x1  }
0xbf: {  	_ =	sfence.sel $0xFFFF  }
0xc0: {  	[dreg:$0x0] =	wrdreg $0xFFFFFFFF;
	(pc) =	sbr.abs _section_cstart, $3  }
0xc1: {  	[dreg:$0x1] =	wrdreg $0xFFFFFFFF  }
0xc2: {  	_ =	task.clear_ibuf [dreg:s7], $0x2FFFF;
	_ =	strace $0x9FFFFFFF  }
0xc3: {  	(tm) =	ssettm $0x7FFFFFFF  }
tec
execute0_lowered:
.L_overlay_start_1:
0x0: {  	(tag) =	ssettag $0x1  }
0x1: {  	s4 =	rddreg [dreg:$0x0]  }
0x2: {  	s5 =	rddreg [dreg:$0x1];
	s1 =	srdreg.scid  }
0x3: {  	s0 =	stileid.u32;
	s2 =	rddreg [dreg:$0x2];
	s3 =	simm.s32 $0x0  }
0x4: {  	s11 =	simm.s32 $0x2800;
	s6 =	sand.u32 $0x1, s1;
	s1 =	rddreg [dreg:$0x3]  }
0x5: {  	s14 =	simm.s32 $0x0;
	s7 =	smul.u32 $0x280, s0;
	[smem:$0x7FF] =	sst s3  }
0x6: {  	s12 =	sshll.u32 s0, $0x6;
	s8 =	smul.u32 $0x2800, s6;
	s9 =	sshll.u32 s6, $0x4  }
0x7: {  	s6 =	ssub.s32 $0x2, s6;
	_ =	strace $0x80000047;
	s9 =	sor.u32 s0, s9  }
0x8: {  	s10 =	sshrl.u32 s6, $0x1;
	s8 =	sadd.s32 s7, s8;
	s9 =	smul.u32 $0x500, s9  }
0x9: {  	s12 =	sor.u32 $0x1C01, s12;
	s10 =	ssub.s32 s6, s10;
	s8 =	sshrl.u32 s8, $0x3  }
0xa: {  	s8 =	sadd.s32 s8, s5;
	s4 =	sadd.s32 s4, s9;
	s5 =	sadd.s32 s7, s2  }
0xb: {  	s7 =	smax.u32 s10, $0x1;
	s9 =	simm.s32 $0x2880;
	s10 =	simm.s32 $0x80  }
0xc: {  	v0 =	vimm.f32 $1.000000000e+00;
	v1 =	vimm.f32 $0.0e+00;
	s6 =	sadd.s32 $0xE600, s8;
	s8 =	simm.s32 $0x1;
	s13 =	sshrl.u32 s5, $0x3  }
.LBB2_1:
0xd: {  	[tilespmem:s3], [sflag:$0x1] =	stream.linear.gather [hbm4b:s4+s3], $0x2800, $0x38;
	[tilespmem:$0x2D80] =	vst v63  }
0xe: {  	_ =	swait.ge [sflag:s8], $0x2800  }
0xf: {  	[sflag:s8] =	ssyncset.done $0x0  }
0x10: {  	[sflag:s8] =	ssyncadd.s32 $0xFFFFD800  }
0x11: {  	[tilespmem:$0x2800] =	vst v0  }
0x12: {  	[tilespmem:$0x2810] =	vst v0  }
0x13: {  	[tilespmem:$0x2820] =	vst v0  }
0x14: {  	[tilespmem:$0x2830] =	vst v0  }
0x15: {  	[tilespmem:$0x2840] =	vst v0  }
0x16: {  	[tilespmem:$0x2850] =	vst v0  }
0x17: {  	[tilespmem:$0x2860] =	vst v0  }
0x18: {  	[tilespmem:$0x2870] =	vst v0  }
0x19: {  	[tilespmem:$0x2880] =	vst v1  }
0x1a: {  	[tilespmem:$0x2890] =	vst v1  }
0x1b: {  	[tilespmem:$0x28A0] =	vst v1  }
0x1c: {  	[tilespmem:$0x28B0] =	vst v1  }
0x1d: {  	[tilespmem:$0x28C0] =	vst v1  }
0x1e: {  	[tilespmem:$0x28D0] =	vst v1  }
0x1f: {  	[tilespmem:$0x28E0] =	vst v1  }
0x20: {  	[tilespmem:$0x28F0] =	vst v1  }
0x21: {  	[tilespmem:$0x2900] =	vst v1  }
0x22: {  	[tilespmem:$0x2910] =	vst v1  }
0x23: {  	[tilespmem:$0x2920] =	vst v1  }
0x24: {  	[tilespmem:$0x2930] =	vst v1  }
0x25: {  	[tilespmem:$0x2940] =	vst v1  }
0x26: {  	[tilespmem:$0x2950] =	vst v1  }
0x27: {  	[tilespmem:$0x2960] =	vst v1  }
0x28: {  	[tilespmem:$0x2970] =	vst v1  }
0x29: {  	[tilespmem:$0x2980] =	vst v1  }
0x2a: {  	[tilespmem:$0x2990] =	vst v1  }
0x2b: {  	[tilespmem:$0x29A0] =	vst v1  }
0x2c: {  	[tilespmem:$0x29B0] =	vst v1  }
0x2d: {  	[tilespmem:$0x29C0] =	vst v1  }
0x2e: {  	[tilespmem:$0x29D0] =	vst v1  }
0x2f: {  	[tilespmem:$0x29E0] =	vst v1  }
0x30: {  	[tilespmem:$0x29F0] =	vst v1  }
0x31: {  	[tilespmem:$0x2A00] =	vst v1  }
0x32: {  	[tilespmem:$0x2A10] =	vst v1  }
0x33: {  	[tilespmem:$0x2A20] =	vst v1  }
0x34: {  	[tilespmem:$0x2A30] =	vst v1  }
0x35: {  	[tilespmem:$0x2A40] =	vst v1  }
0x36: {  	[tilespmem:$0x2A50] =	vst v1  }
0x37: {  	[tilespmem:$0x2A60] =	vst v1  }
0x38: {  	[tilespmem:$0x2A70] =	vst v1  }
0x39: {  	[tilespmem:$0x2A80] =	vst v1  }
0x3a: {  	[tilespmem:$0x2A90] =	vst v1  }
0x3b: {  	[tilespmem:$0x2AA0] =	vst v1  }
0x3c: {  	[tilespmem:$0x2AB0] =	vst v1  }
0x3d: {  	[tilespmem:$0x2AC0] =	vst v1  }
0x3e: {  	[tilespmem:$0x2AD0] =	vst v1  }
0x3f: {  	[tilespmem:$0x2AE0] =	vst v1  }
0x40: {  	[tilespmem:$0x2AF0] =	vst v1  }
0x41: {  	[spmem:s5] =	stream.linear.scatter [tilespmem:s9], [sflag:$0x1], $0x280, $0x38;
	[tilespmem:$0x2D80] =	vst v63  }
0x42: {  	_ =	swait.ge [sflag:s8], $0x280  }
0x43: {  	[sflag:s8] =	ssyncset.done $0x0  }
0x44: {  	[sflag:s8] =	ssyncadd.s32 $0xFFFFFD80  }
0x45: {  	s15 =	simm.s32 $0x0;
	[bflag:$0x0] =	sbarrier.arrive $0xFFFF  }
0x46: {  	[spmem:s2] =	stream.indirect.scatter.add.f32 [tilespmem:s11], [sflag:$0x1], $0x1, s15, s10, $0xb8;
	[tilespmem:$0x2D80] =	vst v63  }
0x47: {  	_ =	swait.ge [sflag:s8], $0x80  }
0x48: {  	s15 =	simm.s32 $0x200;
	[sflag:s8] =	ssyncset.done $0x0  }
.LBB2_2:
0x49: {  	s16 =	sshra.s32 s15, $0x2;
	[sflag:s8] =	ssyncadd.s32 $0xFFFFFF80;
	p0 =	sne.s32 s15, $0x9E00  }
0x4a: {  	[spmem:s2] =	stream.indirect.scatter.add.f32 [tilespmem:s11], [sflag:$0x1], $0x1, s16, s10, $0xb8;
	[tilespmem:$0x2D80] =	vst v63  }
.Ltmp0:
0x4b: {  	_ = 	snop;
	(pc) =	sbr.rel @p0 .LBB2_2-.Ltmp0, $4  }
0x4c: {  	_ = 	snop  }
0x4d: {  	s15 =	sadd.s32 $0x200, s15  }
0x4e: {  	_ =	swait.ge [sflag:s8], $0x80  }
0x4f: {  	[sflag:s8] =	ssyncset.done $0x0  }
0x50: {  	s14 =	sadd.s32 $0x1, s14  }
0x51: {  	[sflag:s8] =	ssyncadd.s32 $0xFFFFFF80;
	p0 =	sne.s32 s14, s7  }
.Ltmp1:
0x52: {  	[bflag:$0x0] =	sbarrier.arrive $0xFFFF;
	(pc) =	sbr.rel @p0 .LBB2_1-.Ltmp1, $4  }
0x53: {  	[hbm:s6], [sflag:s12] =	dma.local [spmem:s13], $0x50  }
0x54: {  	_ =	swait.ge [sflag:s8], $0x50  }
0x55: {  	[sflag:s8] =	ssyncset.done $0x0  }
0x56: {  	[sflag:s8] =	ssyncadd.s32 $0xFFFFFFB0  }
0x57: {  	_ =	sfence.sel $0x180000  }
0x58: {  	[bflag:$0x0] =	sbarrier.arrive $0xFFFF  }
0x59: {  	p0 =	sne.s32 s0, $0x0;
	_ =	strace $0x90000047  }
0x5a: {  	s0 =	sadd.s32 @!p0 $0x100000, s1;
	[bflag:$0x2] =	sbarrier.arrive $0xFFFF  }
0x5b: {  	[sflag:s0] =	ssyncadd.tile.s32 @!p0 $0x1;
	_ =	shalt  }
.Lfunc_end2:
_tile_overlayer_lowered:
.L_overlay_start_2:
0x5c: {  	(tag) =	ssettag $0x2  }
0x5d: {  	s0 =	rddreg [dreg:$0x0];
	s2 =	stileid.u32  }
0x5e: {  	s1 =	rddreg [dreg:$0x1];
	p0 =	sne.s32 s2, $0x0  }
0x5f: {  	s3 =	rddreg [dreg:$0x2];
	[bflag:$0x3] =	sbarrier.arrive $0xFFFF;
	s2 =	simm.s32 @!p0 $0x1C01  }
0x60: {  	[timem:s3], [sflag:s2] =	dma.local @!p0 [hbm:s0], s1  }
0x61: {  	s0 =	simm.s32 @!p0 $0x1  }
0x62: {  	_ =	swait.ge @!p0 [sflag:s0], s1  }
0x63: {  	s1 =	ssub.s32 @!p0 $0x0, s1;
	[sflag:s0] =	ssyncset.done @!p0 $0x0  }
0x64: {  	[sflag:s0] =	ssyncadd.s32 @!p0 s1  }
0x65: {  	[bflag:$0x3] =	sbarrier.arrive $0xFFFF  }
0x66: {  	_ =	shalt  }

// kernel: kernel.14.cloned.1.call-start
scs
__scs_entry_jumppad:
0x0: {  	(pc) =	sbr.rel $0x88, $3  }
0x1: {  	(tag) =	ssettag $0x0;
	lr =	simm.s32 $0x1  }
0x2: {  	[smem:$0x3F91] =	sst lr;
	_ =	strace $0xD0000000  }
0x3: {  	_ = 	snop  }
0x4: {  	_ = 	snop  }
0x5: {  	_ = 	snop  }
0x6: {  	_ = 	snop  }
0x7: {  	_ = 	snop  }
__scs_overlays_trampoline_lowered:
0x8: {  	[smem:$0x3FA0] =	sst s0  }
0x9: {  	[smem:$0x3FA1] =	sst s1  }
0xa: {  	[smem:$0x3FA2] =	sst s2  }
0xb: {  	[smem:$0x3FA3] =	sst s3  }
0xc: {  	[smem:$0x3FA4] =	sst s4  }
0xd: {  	[smem:$0x3FA5] =	sst s5  }
0xe: {  	[smem:$0x3FA6] =	sst s6  }
0xf: {  	[smem:$0x3FA7] =	sst s7  }
0x10: {  	[smem:$0x3FA8] =	sst s8  }
0x11: {  	[smem:$0x3FA9] =	sst s9;
	s0 =	simm.s32 @!p0 $0x0  }
0x12: {  	s1 =	sld [smem:$0x3F8F];
	s0 =	simm.s32 @p0 $0x1  }
0x13: {  	[smem:$0x3FAA] =	sst s0;
	s0 =	simm.s32 @!p1 $0x0  }
0x14: {  	s2 =	sld [smem:$0x3F8E];
	s0 =	simm.s32 @p1 $0x1  }
0x15: {  	[smem:$0x3FAB] =	sst s0;
	s0 =	simm.s32 @!p2 $0x0  }
0x16: {  	s3 =	sld [smem:$0x3FDB];
	s0 =	simm.s32 @p2 $0x1  }
0x17: {  	s4 =	simm.s32 $0x1BF5;
	[smem:$0x3FAD] =	sst s0  }
0x18: {  	s0 =	sld [smem:$0x3F90];
	_ =	swait.ge [sflag:s4], $0x0  }
0x19: {  	s7 =	sld [smem:$0x3F91]  }
0x1a: {  	s8 =	sadd.s32 $0xFFFFE003, lr  }
0x1b: {  	s9 =	sadd.s32 $0xFFFFFEF7, lr;
	s5 =	simm.s32 $0xFFFFFFFF;
	p2 =	slt.u32 s8, $0xFFFFF086  }
0x1c: {  	p1 =	slt.u32 s9, $0xF7A;
	s5 =	simm.s32 @!p2 $0x0  }
0x1d: {  	s5 =	simm.s32 @p1 $0x1;
	p0 =	seq.s32 s7, s2  }
0x1e: {  	s7 =	smul.u32 @!p0 $0xF7A, s2;
	p2 =	seq.s32 @!p0 s5, $0x0  }
0x1f: {  	s9 =	smul.u32 $0xF7A, s1;
	s8 =	simm.s32 @!p0 $0x1BF5;
	p2 =	por !p2, p0  }
0x20: {  	[sflag:s8] =	ssyncset.s32 @!p0 $0xFFFFF086;
	s6 =	sadd.s32 @!p0 s3, s7;
	s7 =	simm.s32 @!p0 $0x108  }
0x21: {  	s3 =	sadd.s32 s3, s9;
	s6 =	sadd.s32 @!p0 $0x88, s6;
	s7 =	simm.s32 @p2 $0x1082  }
0x22: {  	[simem:s7], [sflag:s8] =	dma.local @!p0 [hbm:s6], $0xF7A  }
0x23: {  	s9 =	sor.u32 $0xD0000000, s2;
	s6 =	simm.s32 $0x108;
	_ =	swait.ge @!p0 [sflag:s8], $0x0  }
0x24: {  	s3 =	sadd.s32 $0x88, s3;
	s6 =	simm.s32 @!p1 $0x1082;
	[sflag:s4] =	ssyncset.s32 $0xFFFFF086  }
0x25: {  	[simem:s6], [sflag:s4] =	dma.local [hbm:s3], $0xF7A  }
0x26: {  	[smem:$0x3F91] =	sst s1;
	(tag) =	ssettag s2;
	_ =	strace s9  }
0x27: {  	s1 =	sld [smem:$0x3FA1]  }
0x28: {  	s2 =	sld [smem:$0x3FA2]  }
0x29: {  	s4 =	sld [smem:$0x3FA4]  }
0x2a: {  	p0 =	seq.s32 s5, $0x0;
	s5 =	sld [smem:$0x3FA5]  }
0x2b: {  	s6 =	sld [smem:$0x3FA6]  }
0x2c: {  	s7 =	sld [smem:$0x3FA7]  }
0x2d: {  	s3 =	simm.s32 $0x108;
	s8 =	sld [smem:$0x3FA8]  }
0x2e: {  	s3 =	simm.s32 @!p0 $0x1082;
	s9 =	sld [smem:$0x3FA9]  }
0x2f: {  	lr =	sadd.s32 s0, s3;
	s0 =	sld [smem:$0x3FA0]  }
0x30: {  	s3 =	sld [smem:$0x3FA3]  }
0x31: {  	[smem:$0x3FAC] =	sst s10  }
0x32: {  	s10 =	sld [smem:$0x3FAA];
	_ =	sdelay $0x3  }
0x33: {  	p0 =	seq.s32 s10, $0x1;
	s10 =	sld [smem:$0x3FAC];
	_ =	sdelay $0x3  }
0x34: {  	[smem:$0x3FAC] =	sst s10  }
0x35: {  	s10 =	sld [smem:$0x3FAB];
	_ =	sdelay $0x3  }
0x36: {  	p1 =	seq.s32 s10, $0x1;
	s10 =	sld [smem:$0x3FAC];
	_ =	sdelay $0x3  }
0x37: {  	[smem:$0x3FAC] =	sst s10  }
0x38: {  	s10 =	sld [smem:$0x3FAD]  }
0x39: {  	_ = 	snop;
	(pc) =	sbr.ind lr, $3  }
0x3a: {  	_ = 	snop  }
0x3b: {  	_ = 	snop  }
0x3c: {  	p2 =	seq.s32 s10, $0x1;
	s10 =	sld [smem:$0x3FAC]  }
0x3d: {  	_ =	shalt  }
0x3e: {  	_ =	shalt  }
0x3f: {  	_ =	shalt  }
0x40: {  	_ =	shalt  }
0x41: {  	_ =	shalt  }
0x42: {  	_ =	shalt  }
0x43: {  	_ =	shalt  }
0x44: {  	_ =	shalt  }
0x45: {  	_ =	shalt  }
0x46: {  	_ =	shalt  }
0x47: {  	_ =	shalt  }
0x48: {  	_ =	shalt  }
0x49: {  	_ =	shalt  }
0x4a: {  	_ =	shalt  }
0x4b: {  	_ =	shalt  }
0x4c: {  	_ =	shalt  }
0x4d: {  	_ =	shalt  }
0x4e: {  	_ =	shalt  }
0x4f: {  	_ =	shalt  }
0x50: {  	_ =	shalt  }
0x51: {  	_ =	shalt  }
0x52: {  	_ =	shalt  }
0x53: {  	_ =	shalt  }
0x54: {  	_ =	shalt  }
0x55: {  	_ =	shalt  }
0x56: {  	_ =	shalt  }
0x57: {  	_ =	shalt  }
0x58: {  	_ =	shalt  }
0x59: {  	_ =	shalt  }
0x5a: {  	_ =	shalt  }
0x5b: {  	_ =	shalt  }
0x5c: {  	_ =	shalt  }
0x5d: {  	_ =	shalt  }
0x5e: {  	_ =	shalt  }
0x5f: {  	_ =	shalt  }
0x60: {  	_ =	shalt  }
0x61: {  	_ =	shalt  }
0x62: {  	_ =	shalt  }
0x63: {  	_ =	shalt  }
0x64: {  	_ =	shalt  }
0x65: {  	_ =	shalt  }
0x66: {  	_ =	shalt  }
0x67: {  	_ =	shalt  }
0x68: {  	_ =	shalt  }
0x69: {  	_ =	shalt  }
0x6a: {  	_ =	shalt  }
0x6b: {  	_ =	shalt  }
0x6c: {  	_ =	shalt  }
0x6d: {  	_ =	shalt  }
0x6e: {  	_ =	shalt  }
0x6f: {  	_ =	shalt  }
0x70: {  	_ =	shalt  }
0x71: {  	_ =	shalt  }
0x72: {  	_ =	shalt  }
0x73: {  	_ =	shalt  }
0x74: {  	_ =	shalt  }
0x75: {  	_ =	shalt  }
0x76: {  	_ =	shalt  }
0x77: {  	_ =	shalt  }
0x78: {  	_ =	shalt  }
0x79: {  	_ =	shalt  }
0x7a: {  	_ =	shalt  }
0x7b: {  	_ =	shalt  }
0x7c: {  	_ =	shalt  }
0x7d: {  	_ =	shalt  }
0x7e: {  	_ =	shalt  }
0x7f: {  	_ =	shalt  }
0x80: {  	_ =	shalt  }
0x81: {  	_ =	shalt  }
0x82: {  	_ =	shalt  }
0x83: {  	_ =	shalt  }
0x84: {  	_ =	shalt  }
0x85: {  	_ =	shalt  }
0x86: {  	_ =	shalt  }
0x87: {  	_ =	shalt  }
.Lfunc_end0:
.L_simem_size_0:
called_computation.1_lowered:
.L_overlay_start_0:
0x88: {  	s2 =	sld [smem:$0x3FD9]  }
0x89: {  	s3 =	sld [smem:$0x3FFE];
	_ =	sdelay $0x1  }
0x8a: {  	s1 =	srdreg.scid  }
0x8b: {  	s0 =	sand.u32 $0x1, s1  }
0x8c: {  	s17 =	sshll.u32 s0, $0xA;
	s2 =	sadd.s32 s3, s2  }
0x8d: {  	s2 =	sadd.s32 s2, s17  }
0x8e: {  	[smem:$0x3FB8] =	sst s2  }
0x8f: {  	_ = 	snop  }
0x90: {  	s2 =	sld [smem:$0x3FD0];
	(tm) =	ssettm $0x1  }
0x91: {  	s18 =	sld [smem:$0x3FFB];
	_ =	sdelay $0x3  }
0x92: {  	_ =	strace s18  }
0x93: {  	s3 =	sld [smem:$0x3FFC];
	_ =	sdelay $0x3  }
0x94: {  	_ =	strace s3  }
0x95: {  	s3 =	sld [smem:$0x3FFD];
	_ =	sdelay $0x3  }
0x96: {  	_ =	strace s3  }
0x97: {  	_ =	strace $0x8FFFFFFF  }
0x98: {  	s19 =	sld [smem:$0x3FDB];
	_ =	sdelay $0x1  }
0x99: {  	s4 =	simm.s32 $_scs_section_size  }
0x9a: {  	s5 =	simm.s32 $_size__tile_overlayer_lowered;
	s6 =	simm.s32 $_tile_overlayer_lowered  }
0x9b: {  	s22 =	simm.s32 $0x1BFF;
	s21 =	sshll.u32 s6, $0x1;
	s3 =	sadd.s32 s4, s19  }
0x9c: {  	s7 =	simm.s32 $0x0;
	s20 =	sshll.u32 s5, $0x1;
	s5 =	sadd.s32 s21, s3  }
0x9d: {  	[timem:s7], [sflag:s22] =	dma.local [hbm:s5], s20  }
0x9e: {  	_ =	swait.ge [sflag:s22], s20  }
0x9f: {  	s4 =	ssub.s32 $0x0, s20;
	[sflag:s22] =	ssyncset.done $0x0  }
0xa0: {  	[sflag:s22] =	ssyncadd.s32 s4;
	_ =	sdelay $0x1  }
0xa1: {  	s23 =	simm.s32 $0x1B8B  }
0xa2: {  	_ =	swait.ge [sflag:s23], $0x1  }
0xa3: {  	[sflag:s23] =	ssyncset.done $0x0  }
0xa4: {  	s25 =	simm.s32 $0x1B8E;
	s24 =	sld [smem:$0x3FFE];
	[sflag:s23] =	ssyncadd.s32 $0xFFFFFFFF  }
0xa5: {  	s26 =	simm.s32 $execute0_lowered;
	[smem:$0x3FD2] =	sst s25  }
0xa6: {  	s5 =	sshll.u32 s26, $0x1;
	_ =	strace $0x80000049;
	[dreg:$0x1] =	wrdreg $0xFFFFFFFF  }
0xa7: {  	s28 =	simm.s32 $_size_execute0_lowered;
	s3 =	sadd.s32 s3, s5;
	[dreg:$0x0] =	wrdreg $0x0  }
0xa8: {  	s5 =	sshll.u32 s28, $0x1;
	[dreg:$0x2] =	wrdreg s3  }
0xa9: {  	[dreg:$0x3] =	wrdreg s5  }
0xaa: {  	[dreg:$0x4] =	wrdreg $0xC0  }
0xab: {  	_ =	task [dreg:s7], $0x5FFFF  }
0xac: {  	[dreg:$0x1] =	wrdreg $0xFFFFFFFF  }
0xad: {  	[dreg:$0x0] =	wrdreg $0x60  }
0xae: {  	[dreg:$0x2] =	wrdreg s24  }
0xaf: {  	[dreg:$0x3] =	wrdreg s2  }
0xb0: {  	[dreg:$0x4] =	wrdreg $0xA0000  }
0xb1: {  	[dreg:$0x5] =	wrdreg $0x9  }
0xb2: {  	_ =	task.clear_ibuf [dreg:s7], $0x6FFFF;
	_ =	strace $0x90000049  }
0xb3: {  	s29 =	simm.s32 $0x9;
	_ =	strace $0x8000004B  }
0xb4: {  	_ =	swait.ge [sflag:s29], $0x1  }
0xb5: {  	[sflag:s29] =	ssyncadd.s32 $0xFFFFFFFF  }
0xb6: {  	_ =	strace $0x9000004B  }
0xb7: {  	_ =	sfence  }
0xb8: {  	s30 =	sld [smem:$0x0];
	_ =	sdelay $0x2  }
0xb9: {  	s31 =	sshll.u32 s1, $0xD;
	s1 =	sshrl.u32 s1, $0x2  }
0xba: {  	s3 =	sand.u32 $0x4000, s31;
	s1 =	sadd.s32 s1, s30  }
0xbb: {  	s0 =	sor.u32 s3, s0;
	s1 =	sshll.u32 s1, $0x11  }
0xbc: {  	s0 =	sor.u32 s1, s0  }
0xbd: {  	s0 =	sadd.s32 $0x8F2B, s0  }
0xbe: {  	[sflag:s0] =	ssyncadd.remote.s32 $0x1  }
0xbf: {  	_ =	sfence.sel $0xFFFF  }
0xc0: {  	[dreg:$0x0] =	wrdreg $0xFFFFFFFF;
	(pc) =	sbr.abs _section_cstart, $3  }
0xc1: {  	[dreg:$0x1] =	wrdreg $0xFFFFFFFF  }
0xc2: {  	_ =	task.clear_ibuf [dreg:s7], $0x2FFFF;
	_ =	strace $0x9FFFFFFF  }
0xc3: {  	(tm) =	ssettm $0x7FFFFFFF  }
tec
execute0_lowered:
.L_overlay_start_1:
0x0: {  	(tag) =	ssettag $0x1  }
0x1: {  	s8 =	rddreg [dreg:$0x0]  }
0x2: {  	s2 =	rddreg [dreg:$0x1];
	s0 =	srdreg.scid  }
0x3: {  	s3 =	rddreg [dreg:$0x2];
	s1 =	stileid.u32;
	s4 =	simm.s32 $0x0  }
0x4: {  	s16 =	simm.s32 $0x3;
	s17 =	simm.s32 $0x1000;
	s18 =	simm.s32 $0x80  }
0x5: {  	s19 =	simm.s32 $0x6000;
	s20 =	simm.s32 $0x1;
	s21 =	simm.s32 $0x2  }
0x6: {  	s23 =	simm.s32 $0x1F80;
	s22 =	sand.u32 $0x1, s0;
	s0 =	rddreg [dreg:$0x3]  }
0x7: {  	s24 =	simm.s32 $0x0;
	s9 =	smul.u32 $0x14000, s1;
	[smem:$0x7FF] =	sst s4  }
0x8: {  	s10 =	smul.u32 $0x50000, s1;
	s5 =	sadd.s32 $0xE600, s8;
	s6 =	sadd.s32 $0x4600, s8  }
0x9: {  	s31 =	sshll.u32 s1, $0xC;
	s15 =	sshll.u32 s1, $0xE;
	s7 =	smul.u32 $0x140000, s22  }
0xa: {  	_ =	strace $0x8000004A;
	s30 =	ssub.s32 $0x2, s22;
	p0 =	seq.s32 s22, $0x0  }
0xb: {  	s10 =	sshrl.u32 s10, $0x2;
	s12 =	sshrl.u32 s30, $0x1;
	s7 =	sadd.s32 s9, s7  }
0xc: {  	s14 =	ssub.s32 s30, s12;
	s11 =	sshrl.u32 s7, $0x3;
	s7 =	sadd.s32 s10, s3  }
0xd: {  	s14 =	smax.u32 s14, $0x1;
	s13 =	sadd.s32 s11, s8;
	s8 =	sadd.s32 $0x4000, s7  }
0xe: {  	s9 =	sadd.s32 $0x8000, s7;
	s10 =	sadd.s32 $0xC000, s7;
	s11 =	sor.u32 $0x40000, s31  }
0xf: {  	s12 =	sadd.s32 $0x10000, s7;
	s11 =	smov.u32 @p0 s15;
	s13 =	sadd.s32 $0x36600, s13  }
0x10: {  	v0 =	vimm.f32 $0.0e+00;
	s15 =	simm.s32 $0x2000;
	p0 =	sne.s32 s22, $0x0;
	s22 =	simm.s32 $0x1F00  }
.LBB2_1:
0x11: {  	s25 =	sand.u32 $0xFE00, s4  }
0x12: {  	s26 =	sand.u32 $0x70, s4;
	s28 =	sshrl.u32 s25, $0x2  }
0x13: {  	s25 =	simm.s32 $0x40;
	s28 =	sor.u32 s26, s28;
	s26 =	simm.s32 $0x0  }
.LBB2_2:
0x14: {  	p1 =	sne.s32 s25, $0xFFC0  }
0x15: {  	[tilespmem:s28+$0x2000] =	vst v0;
	s26 =	sadd.s32 $0x10, s26;
	s28 =	smov.u32 s25;
	s25 =	sadd.s32 $0x40, s25  }
.Ltmp0:
0x16: {  	(pc) =	sbr.rel @p1 .LBB2_2-.Ltmp0, $4  }
0x17: {  	_ = 	snop  }
0x18: {  	s28 =	sand.u32 $0xFE00, s28  }
0x19: {  	s29 =	sand.u32 $0x70, s26;
	s28 =	sshrl.u32 s28, $0x2  }
0x1a: {  	s28 =	sor.u32 s29, s28  }
0x1b: {  	[tilespmem:s28+$0x2000] =	vst v0  }
0x1c: {  	[spmem:s7] =	stream.linear.scatter [tilespmem:s15], [sflag:$0x3], $0x4000, $0x38;
	[tilespmem:$0x1E000] =	vst v63  }
0x1d: {  	_ =	swait.ge [sflag:s16], $0x4000  }
0x1e: {  	[sflag:s16] =	ssyncset.done $0x0  }
0x1f: {  	[sflag:s16] =	ssyncadd.s32 $0xFFFFC000  }
0x20: {  	[spmem:s8] =	stream.linear.scatter [tilespmem:s15], [sflag:$0x3], $0x4000, $0x38;
	[tilespmem:$0x1E000] =	vst v63  }
0x21: {  	_ =	swait.ge [sflag:s16], $0x4000  }
0x22: {  	[sflag:s16] =	ssyncset.done $0x0  }
0x23: {  	[sflag:s16] =	ssyncadd.s32 $0xFFFFC000  }
0x24: {  	[spmem:s9] =	stream.linear.scatter [tilespmem:s15], [sflag:$0x3], $0x4000, $0x38;
	[tilespmem:$0x1E000] =	vst v63  }
0x25: {  	_ =	swait.ge [sflag:s16], $0x4000  }
0x26: {  	[sflag:s16] =	ssyncset.done $0x0  }
0x27: {  	[sflag:s16] =	ssyncadd.s32 $0xFFFFC000  }
0x28: {  	[spmem:s10] =	stream.linear.scatter [tilespmem:s15], [sflag:$0x3], $0x4000, $0x38;
	[tilespmem:$0x1E000] =	vst v63  }
0x29: {  	_ =	swait.ge [sflag:s16], $0x4000  }
0x2a: {  	[sflag:s16] =	ssyncset.done $0x0  }
0x2b: {  	[sflag:s16] =	ssyncadd.s32 $0xFFFFC000  }
0x2c: {  	[spmem:s12] =	stream.linear.scatter [tilespmem:s15], [sflag:$0x3], $0x4000, $0x38;
	[tilespmem:$0x1E000] =	vst v63  }
0x2d: {  	_ =	swait.ge [sflag:s16], $0x4000  }
0x2e: {  	[sflag:s16] =	ssyncset.done $0x0  }
0x2f: {  	[sflag:s16] =	ssyncadd.s32 $0xFFFFC000  }
0x30: {  	s25 =	simm.s32 $0x0;
	s26 =	simm.s32 $0x0;
	[bflag:$0x0] =	sbarrier.arrive $0xFFFF  }
.LBB2_4:
0x31: {  	s28 =	sshll.u32 s26, $0xC  }
0x32: {  	s28 =	sadd.s32 s11, s28  }
0x33: {  	s28 =	sshrl.u32 s28, $0x3  }
0x34: {  	s29 =	sadd.s32 s6, s28  }
0x35: {  	[tilespmem:s25], [sflag:$0x3] =	stream.linear.gather [hbm4b:s29+s25], $0x1000, $0x38;
	[tilespmem:$0x1E000] =	vst v63  }
0x36: {  	_ =	swait.ge [sflag:s16], $0x1000  }
0x37: {  	[sflag:s16] =	ssyncset.done $0x0  }
0x38: {  	s28 =	sadd.s32 s2, s28;
	[sflag:s16] =	ssyncadd.s32 $0xFFFFF000  }
0x39: {  	[tilespmem:s17], [sflag:$0x3] =	stream.linear.gather [hbm4b:s28+s25], $0x1000, $0x38;
	[tilespmem:$0x1E000] =	vst v63  }
0x3a: {  	_ =	swait.ge [sflag:s16], $0x1000  }
0x3b: {  	[sflag:s16] =	ssyncset.done $0x0  }
0x3c: {  	[sflag:s16] =	ssyncadd.s32 $0xFFFFF000  }
0x3d: {  	[tilespmem:s15], [sflag:$0x1] =	stream.indirect.gather [hbm4b:s5+s18], $0x80, s25, s18, $0xb8;
	[tilespmem:$0x1E000] =	vst v63  }
0x3e: {  	_ = 	snop  }
0x3f: {  	[tilespmem:s19], [sflag:$0x2] =	stream.indirect.gather [hbm4b:s5+s18], $0x80, s18, s18, $0xb8;
	[tilespmem:$0x1E000] =	vst v63  }
0x40: {  	_ =	swait.ge [sflag:s20], $0x4000  }
0x41: {  	[sflag:s20] =	ssyncset.done $0x0  }
0x42: {  	s28 =	simm.s32 $0x1000;
	[sflag:s20] =	ssyncadd.s32 $0xFFFFC000  }
0x43: {  	[spmem:s3] =	stream.indirect.scatter.add.f32 [tilespmem:s15], [sflag:$0x3], $0x80, s28, s18, $0xb8;
	[tilespmem:$0x1E000] =	vst v63  }
0x44: {  	_ =	swait.ge [sflag:s16], $0x4000  }
0x45: {  	[sflag:s16] =	ssyncset.done $0x0  }
0x46: {  	s28 =	simm.s32 $0x100;
	[sflag:s16] =	ssyncadd.s32 $0xFFFFC000  }
0x47: {  	[tilespmem:s15], [sflag:$0x1] =	stream.indirect.gather [hbm4b:s5+s18], $0x80, s28, s18, $0xb8;
	[tilespmem:$0x1E000] =	vst v63  }
0x48: {  	_ =	swait.ge [sflag:s21], $0x4000  }
0x49: {  	[sflag:s21] =	ssyncset.done $0x0  }
0x4a: {  	s28 =	simm.s32 $0x1080;
	[sflag:s21] =	ssyncadd.s32 $0xFFFFC000  }
0x4b: {  	[spmem:s3] =	stream.indirect.scatter.add.f32 [tilespmem:s19], [sflag:$0x3], $0x80, s28, s18, $0xb8;
	[tilespmem:$0x1E000] =	vst v63  }
0x4c: {  	_ =	swait.ge [sflag:s16], $0x4000  }
0x4d: {  	[sflag:s16] =	ssyncset.done $0x0  }
0x4e: {  	s29 =	simm.s32 $0x180;
	s28 =	simm.s32 $0x400;
	[sflag:s16] =	ssyncadd.s32 $0xFFFFC000  }
.LBB2_5:
0x4f: {  	[tilespmem:s19], [sflag:$0x2] =	stream.indirect.gather [hbm4b:s5+s18], $0x80, s29, s18, $0xb8;
	[tilespmem:$0x1E000] =	vst v63  }
0x50: {  	s29 =	smov.u32 s28  }
0x51: {  	p1 =	sne.s32 s28, $0x3800;
	s28 =	sadd.s32 $0x400, s28;
	_ =	swait.ge [sflag:s20], $0x4000  }
0x52: {  	s29 =	sshra.s32 s29, $0x2;
	[sflag:s20] =	ssyncset.done $0x0  }
0x53: {  	s30 =	sadd.s32 $0x1000, s29;
	[sflag:s20] =	ssyncadd.s32 $0xFFFFC000  }
0x54: {  	[spmem:s3] =	stream.indirect.scatter.add.f32 [tilespmem:s15], [sflag:$0x3], $0x80, s30, s18, $0xb8;
	[tilespmem:$0x1E000] =	vst v63  }
0x55: {  	_ =	swait.ge [sflag:s16], $0x4000  }
0x56: {  	[sflag:s16] =	ssyncset.done $0x0  }
0x57: {  	s30 =	sadd.s32 $0x100, s29;
	[sflag:s16] =	ssyncadd.s32 $0xFFFFC000  }
0x58: {  	[tilespmem:s15], [sflag:$0x1] =	stream.indirect.gather [hbm4b:s5+s18], $0x80, s30, s18, $0xb8;
	[tilespmem:$0x1E000] =	vst v63  }
0x59: {  	_ =	swait.ge [sflag:s21], $0x4000  }
0x5a: {  	[sflag:s21] =	ssyncset.done $0x0  }
.Ltmp1:
0x5b: {  	s30 =	sadd.s32 $0x1080, s29;
	[sflag:s21] =	ssyncadd.s32 $0xFFFFC000;
	(pc) =	sbr.rel @p1 .LBB2_5-.Ltmp1, $4  }
0x5c: {  	[spmem:s3] =	stream.indirect.scatter.add.f32 [tilespmem:s19], [sflag:$0x3], $0x80, s30, s18, $0xb8;
	[tilespmem:$0x1E000] =	vst v63  }
0x5d: {  	_ =	swait.ge [sflag:s16], $0x4000  }
0x5e: {  	[sflag:s16] =	ssyncset.done $0x0  }
0x5f: {  	s29 =	sadd.s32 $0x180, s29;
	[sflag:s16] =	ssyncadd.s32 $0xFFFFC000  }
0x60: {  	[tilespmem:s19], [sflag:$0x2] =	stream.indirect.gather [hbm4b:s5+s18], $0x80, s29, s18, $0xb8;
	[tilespmem:$0x1E000] =	vst v63  }
0x61: {  	_ =	swait.ge [sflag:s20], $0x4000  }
0x62: {  	[sflag:s20] =	ssyncset.done $0x0  }
0x63: {  	[sflag:s20] =	ssyncadd.s32 $0xFFFFC000  }
0x64: {  	[spmem:s3] =	stream.indirect.scatter.add.f32 [tilespmem:s15], [sflag:$0x3], $0x80, s22, s18, $0xb8;
	[tilespmem:$0x1E000] =	vst v63  }
0x65: {  	_ =	swait.ge [sflag:s16], $0x4000  }
0x66: {  	[sflag:s16] =	ssyncset.done $0x0  }
0x67: {  	[sflag:s16] =	ssyncadd.s32 $0xFFFFC000  }
0x68: {  	p1 =	slt.u32 @!p0 s26, $0x3;
	_ =	swait.ge [sflag:s21], $0x4000  }
0x69: {  	p1 =	por p0, !p1;
	[sflag:s21] =	ssyncset.done $0x0  }
.Ltmp2:
0x6a: {  	[sflag:s21] =	ssyncadd.s32 $0xFFFFC000;
	(pc) =	sbr.rel @!p1 .LBB2_4-.Ltmp2, $4  }
0x6b: {  	[spmem:s3] =	stream.indirect.scatter.add.f32 [tilespmem:s19], [sflag:$0x3], $0x80, s23, s18, $0xb8;
	[tilespmem:$0x1E000] =	vst v63  }
0x6c: {  	_ =	swait.ge [sflag:s16], $0x4000  }
0x6d: {  	[sflag:s16] =	ssyncset.done $0x0  }
0x6e: {  	s26 =	sadd.s32 $0x1, s26;
	[sflag:s16] =	ssyncadd.s32 $0xFFFFC000  }
0x6f: {  	s24 =	sadd.s32 $0x1, s24  }
0x70: {  	s25 =	sshll.u32 s1, $0x6;
	[bflag:$0x0] =	sbarrier.arrive $0xFFFF;
	p1 =	sne.s32 s24, s14  }
.Ltmp3:
0x71: {  	s26 =	sshrl.u32 s7, $0x3;
	s25 =	sor.u32 $0x1C03, s25;
	(pc) =	sbr.rel @p1 .LBB2_1-.Ltmp3, $4  }
0x72: {  	[hbm:s13], [sflag:s25] =	dma.local [spmem:s26], $0x2800  }
0x73: {  	_ =	swait.ge [sflag:s16], $0x2800  }
0x74: {  	[sflag:s16] =	ssyncset.done $0x0  }
0x75: {  	[sflag:s16] =	ssyncadd.s32 $0xFFFFD800  }
0x76: {  	_ =	sfence.sel $0x180000  }
0x77: {  	[bflag:$0x0] =	sbarrier.arrive $0xFFFF  }
0x78: {  	p0 =	sne.s32 s1, $0x0;
	_ =	strace $0x9000004A  }
0x79: {  	s0 =	sadd.s32 @!p0 $0x100000, s0;
	[bflag:$0x2] =	sbarrier.arrive $0xFFFF  }
0x7a: {  	[sflag:s0] =	ssyncadd.tile.s32 @!p0 $0x1;
	_ =	shalt  }
.Lfunc_end2:
_tile_overlayer_lowered:
.L_overlay_start_2:
0x7b: {  	(tag) =	ssettag $0x2  }
0x7c: {  	s0 =	rddreg [dreg:$0x0];
	s2 =	stileid.u32  }
0x7d: {  	s1 =	rddreg [dreg:$0x1];
	p0 =	sne.s32 s2, $0x0  }
0x7e: {  	s3 =	rddreg [dreg:$0x2];
	[bflag:$0x3] =	sbarrier.arrive $0xFFFF;
	s2 =	simm.s32 @!p0 $0x1C03  }
0x7f: {  	[timem:s3], [sflag:s2] =	dma.local @!p0 [hbm:s0], s1  }
0x80: {  	s0 =	simm.s32 @!p0 $0x3  }
0x81: {  	_ =	swait.ge @!p0 [sflag:s0], s1  }
0x82: {  	s1 =	ssub.s32 @!p0 $0x0, s1;
	[sflag:s0] =	ssyncset.done @!p0 $0x0  }
0x83: {  	[sflag:s0] =	ssyncadd.s32 @!p0 s1  }
0x84: {  	[bflag:$0x3] =	sbarrier.arrive $0xFFFF  }
0x85: {  	_ =	shalt  }

// kernel: kernel.17.cloned.1.call-start
scs
__scs_entry_jumppad:
0x0: {  	(pc) =	sbr.rel $0x88, $3  }
0x1: {  	(tag) =	ssettag $0x0;
	lr =	simm.s32 $0x1  }
0x2: {  	[smem:$0x3F91] =	sst lr;
	_ =	strace $0xD0000000  }
0x3: {  	_ = 	snop  }
0x4: {  	_ = 	snop  }
0x5: {  	_ = 	snop  }
0x6: {  	_ = 	snop  }
0x7: {  	_ = 	snop  }
__scs_overlays_trampoline_lowered:
0x8: {  	[smem:$0x3FA0] =	sst s0  }
0x9: {  	[smem:$0x3FA1] =	sst s1  }
0xa: {  	[smem:$0x3FA2] =	sst s2  }
0xb: {  	[smem:$0x3FA3] =	sst s3  }
0xc: {  	[smem:$0x3FA4] =	sst s4  }
0xd: {  	[smem:$0x3FA5] =	sst s5  }
0xe: {  	[smem:$0x3FA6] =	sst s6  }
0xf: {  	[smem:$0x3FA7] =	sst s7  }
0x10: {  	[smem:$0x3FA8] =	sst s8  }
0x11: {  	[smem:$0x3FA9] =	sst s9;
	s0 =	simm.s32 @!p0 $0x0  }
0x12: {  	s1 =	sld [smem:$0x3F8F];
	s0 =	simm.s32 @p0 $0x1  }
0x13: {  	[smem:$0x3FAA] =	sst s0;
	s0 =	simm.s32 @!p1 $0x0  }
0x14: {  	s2 =	sld [smem:$0x3F8E];
	s0 =	simm.s32 @p1 $0x1  }
0x15: {  	[smem:$0x3FAB] =	sst s0;
	s0 =	simm.s32 @!p2 $0x0  }
0x16: {  	s3 =	sld [smem:$0x3FDB];
	s0 =	simm.s32 @p2 $0x1  }
0x17: {  	s4 =	simm.s32 $0x1BF5;
	[smem:$0x3FAD] =	sst s0  }
0x18: {  	s0 =	sld [smem:$0x3F90];
	_ =	swait.ge [sflag:s4], $0x0  }
0x19: {  	s7 =	sld [smem:$0x3F91]  }
0x1a: {  	s8 =	sadd.s32 $0xFFFFE003, lr  }
0x1b: {  	s9 =	sadd.s32 $0xFFFFFEF7, lr;
	s5 =	simm.s32 $0xFFFFFFFF;
	p2 =	slt.u32 s8, $0xFFFFF086  }
0x1c: {  	p1 =	slt.u32 s9, $0xF7A;
	s5 =	simm.s32 @!p2 $0x0  }
0x1d: {  	s5 =	simm.s32 @p1 $0x1;
	p0 =	seq.s32 s7, s2  }
0x1e: {  	s7 =	smul.u32 @!p0 $0xF7A, s2;
	p2 =	seq.s32 @!p0 s5, $0x0  }
0x1f: {  	s9 =	smul.u32 $0xF7A, s1;
	s8 =	simm.s32 @!p0 $0x1BF5;
	p2 =	por !p2, p0  }
0x20: {  	[sflag:s8] =	ssyncset.s32 @!p0 $0xFFFFF086;
	s6 =	sadd.s32 @!p0 s3, s7;
	s7 =	simm.s32 @!p0 $0x108  }
0x21: {  	s3 =	sadd.s32 s3, s9;
	s6 =	sadd.s32 @!p0 $0x88, s6;
	s7 =	simm.s32 @p2 $0x1082  }
0x22: {  	[simem:s7], [sflag:s8] =	dma.local @!p0 [hbm:s6], $0xF7A  }
0x23: {  	s9 =	sor.u32 $0xD0000000, s2;
	s6 =	simm.s32 $0x108;
	_ =	swait.ge @!p0 [sflag:s8], $0x0  }
0x24: {  	s3 =	sadd.s32 $0x88, s3;
	s6 =	simm.s32 @!p1 $0x1082;
	[sflag:s4] =	ssyncset.s32 $0xFFFFF086  }
0x25: {  	[simem:s6], [sflag:s4] =	dma.local [hbm:s3], $0xF7A  }
0x26: {  	[smem:$0x3F91] =	sst s1;
	(tag) =	ssettag s2;
	_ =	strace s9  }
0x27: {  	s1 =	sld [smem:$0x3FA1]  }
0x28: {  	s2 =	sld [smem:$0x3FA2]  }
0x29: {  	s4 =	sld [smem:$0x3FA4]  }
0x2a: {  	p0 =	seq.s32 s5, $0x0;
	s5 =	sld [smem:$0x3FA5]  }
0x2b: {  	s6 =	sld [smem:$0x3FA6]  }
0x2c: {  	s7 =	sld [smem:$0x3FA7]  }
0x2d: {  	s3 =	simm.s32 $0x108;
	s8 =	sld [smem:$0x3FA8]  }
0x2e: {  	s3 =	simm.s32 @!p0 $0x1082;
	s9 =	sld [smem:$0x3FA9]  }
0x2f: {  	lr =	sadd.s32 s0, s3;
	s0 =	sld [smem:$0x3FA0]  }
0x30: {  	s3 =	sld [smem:$0x3FA3]  }
0x31: {  	[smem:$0x3FAC] =	sst s10  }
0x32: {  	s10 =	sld [smem:$0x3FAA];
	_ =	sdelay $0x3  }
0x33: {  	p0 =	seq.s32 s10, $0x1;
	s10 =	sld [smem:$0x3FAC];
	_ =	sdelay $0x3  }
0x34: {  	[smem:$0x3FAC] =	sst s10  }
0x35: {  	s10 =	sld [smem:$0x3FAB];
	_ =	sdelay $0x3  }
0x36: {  	p1 =	seq.s32 s10, $0x1;
	s10 =	sld [smem:$0x3FAC];
	_ =	sdelay $0x3  }
0x37: {  	[smem:$0x3FAC] =	sst s10  }
0x38: {  	s10 =	sld [smem:$0x3FAD]  }
0x39: {  	_ = 	snop;
	(pc) =	sbr.ind lr, $3  }
0x3a: {  	_ = 	snop  }
0x3b: {  	_ = 	snop  }
0x3c: {  	p2 =	seq.s32 s10, $0x1;
	s10 =	sld [smem:$0x3FAC]  }
0x3d: {  	_ =	shalt  }
0x3e: {  	_ =	shalt  }
0x3f: {  	_ =	shalt  }
0x40: {  	_ =	shalt  }
0x41: {  	_ =	shalt  }
0x42: {  	_ =	shalt  }
0x43: {  	_ =	shalt  }
0x44: {  	_ =	shalt  }
0x45: {  	_ =	shalt  }
0x46: {  	_ =	shalt  }
0x47: {  	_ =	shalt  }
0x48: {  	_ =	shalt  }
0x49: {  	_ =	shalt  }
0x4a: {  	_ =	shalt  }
0x4b: {  	_ =	shalt  }
0x4c: {  	_ =	shalt  }
0x4d: {  	_ =	shalt  }
0x4e: {  	_ =	shalt  }
0x4f: {  	_ =	shalt  }
0x50: {  	_ =	shalt  }
0x51: {  	_ =	shalt  }
0x52: {  	_ =	shalt  }
0x53: {  	_ =	shalt  }
0x54: {  	_ =	shalt  }
0x55: {  	_ =	shalt  }
0x56: {  	_ =	shalt  }
0x57: {  	_ =	shalt  }
0x58: {  	_ =	shalt  }
0x59: {  	_ =	shalt  }
0x5a: {  	_ =	shalt  }
0x5b: {  	_ =	shalt  }
0x5c: {  	_ =	shalt  }
0x5d: {  	_ =	shalt  }
0x5e: {  	_ =	shalt  }
0x5f: {  	_ =	shalt  }
0x60: {  	_ =	shalt  }
0x61: {  	_ =	shalt  }
0x62: {  	_ =	shalt  }
0x63: {  	_ =	shalt  }
0x64: {  	_ =	shalt  }
0x65: {  	_ =	shalt  }
0x66: {  	_ =	shalt  }
0x67: {  	_ =	shalt  }
0x68: {  	_ =	shalt  }
0x69: {  	_ =	shalt  }
0x6a: {  	_ =	shalt  }
0x6b: {  	_ =	shalt  }
0x6c: {  	_ =	shalt  }
0x6d: {  	_ =	shalt  }
0x6e: {  	_ =	shalt  }
0x6f: {  	_ =	shalt  }
0x70: {  	_ =	shalt  }
0x71: {  	_ =	shalt  }
0x72: {  	_ =	shalt  }
0x73: {  	_ =	shalt  }
0x74: {  	_ =	shalt  }
0x75: {  	_ =	shalt  }
0x76: {  	_ =	shalt  }
0x77: {  	_ =	shalt  }
0x78: {  	_ =	shalt  }
0x79: {  	_ =	shalt  }
0x7a: {  	_ =	shalt  }
0x7b: {  	_ =	shalt  }
0x7c: {  	_ =	shalt  }
0x7d: {  	_ =	shalt  }
0x7e: {  	_ =	shalt  }
0x7f: {  	_ =	shalt  }
0x80: {  	_ =	shalt  }
0x81: {  	_ =	shalt  }
0x82: {  	_ =	shalt  }
0x83: {  	_ =	shalt  }
0x84: {  	_ =	shalt  }
0x85: {  	_ =	shalt  }
0x86: {  	_ =	shalt  }
0x87: {  	_ =	shalt  }
.Lfunc_end0:
.L_simem_size_0:
called_computation.2_lowered:
.L_overlay_start_0:
0x88: {  	s2 =	sld [smem:$0x3FD9]  }
0x89: {  	s3 =	sld [smem:$0x3FFE];
	_ =	sdelay $0x1  }
0x8a: {  	s1 =	srdreg.scid  }
0x8b: {  	s0 =	sand.u32 $0x1, s1  }
0x8c: {  	s17 =	sshll.u32 s0, $0xA;
	s2 =	sadd.s32 s3, s2  }
0x8d: {  	s2 =	sadd.s32 s2, s17  }
0x8e: {  	[smem:$0x3FB8] =	sst s2  }
0x8f: {  	_ = 	snop  }
0x90: {  	s2 =	sld [smem:$0x3FD0];
	(tm) =	ssettm $0x1  }
0x91: {  	s18 =	sld [smem:$0x3FFB];
	_ =	sdelay $0x3  }
0x92: {  	_ =	strace s18  }
0x93: {  	s3 =	sld [smem:$0x3FFC];
	_ =	sdelay $0x3  }
0x94: {  	_ =	strace s3  }
0x95: {  	s3 =	sld [smem:$0x3FFD];
	_ =	sdelay $0x3  }
0x96: {  	_ =	strace s3  }
0x97: {  	_ =	strace $0x8FFFFFFF  }
0x98: {  	s19 =	sld [smem:$0x3FDB];
	_ =	sdelay $0x1  }
0x99: {  	s4 =	simm.s32 $_scs_section_size  }
0x9a: {  	s5 =	simm.s32 $_size__tile_overlayer_lowered;
	s6 =	simm.s32 $_tile_overlayer_lowered  }
0x9b: {  	s22 =	simm.s32 $0x1BFF;
	s21 =	sshll.u32 s6, $0x1;
	s3 =	sadd.s32 s4, s19  }
0x9c: {  	s7 =	simm.s32 $0x0;
	s20 =	sshll.u32 s5, $0x1;
	s5 =	sadd.s32 s21, s3  }
0x9d: {  	[timem:s7], [sflag:s22] =	dma.local [hbm:s5], s20  }
0x9e: {  	_ =	swait.ge [sflag:s22], s20  }
0x9f: {  	s4 =	ssub.s32 $0x0, s20;
	[sflag:s22] =	ssyncset.done $0x0  }
0xa0: {  	[sflag:s22] =	ssyncadd.s32 s4;
	_ =	sdelay $0x1  }
0xa1: {  	s23 =	simm.s32 $0x1B8B  }
0xa2: {  	_ =	swait.ge [sflag:s23], $0x1  }
0xa3: {  	[sflag:s23] =	ssyncset.done $0x0  }
0xa4: {  	s25 =	simm.s32 $0x1B8E;
	s24 =	sld [smem:$0x3FFE];
	[sflag:s23] =	ssyncadd.s32 $0xFFFFFFFF  }
0xa5: {  	s26 =	simm.s32 $execute0_lowered;
	[smem:$0x3FD2] =	sst s25  }
0xa6: {  	s5 =	sshll.u32 s26, $0x1;
	_ =	strace $0x8000004C;
	[dreg:$0x1] =	wrdreg $0xFFFFFFFF  }
0xa7: {  	s28 =	simm.s32 $_size_execute0_lowered;
	s3 =	sadd.s32 s3, s5;
	[dreg:$0x0] =	wrdreg $0x0  }
0xa8: {  	s5 =	sshll.u32 s28, $0x1;
	[dreg:$0x2] =	wrdreg s3  }
0xa9: {  	[dreg:$0x3] =	wrdreg s5  }
0xaa: {  	[dreg:$0x4] =	wrdreg $0xC0  }
0xab: {  	_ =	task [dreg:s7], $0x5FFFF  }
0xac: {  	[dreg:$0x1] =	wrdreg $0xFFFFFFFF  }
0xad: {  	[dreg:$0x0] =	wrdreg $0x60  }
0xae: {  	[dreg:$0x2] =	wrdreg s24  }
0xaf: {  	[dreg:$0x3] =	wrdreg s2  }
0xb0: {  	[dreg:$0x4] =	wrdreg $0xA0000  }
0xb1: {  	[dreg:$0x5] =	wrdreg $0x9  }
0xb2: {  	_ =	task.clear_ibuf [dreg:s7], $0x6FFFF;
	_ =	strace $0x9000004C  }
0xb3: {  	s29 =	simm.s32 $0x9;
	_ =	strace $0x8000004E  }
0xb4: {  	_ =	swait.ge [sflag:s29], $0x1  }
0xb5: {  	[sflag:s29] =	ssyncadd.s32 $0xFFFFFFFF  }
0xb6: {  	_ =	strace $0x9000004E  }
0xb7: {  	_ =	sfence  }
0xb8: {  	s30 =	sld [smem:$0x0];
	_ =	sdelay $0x2  }
0xb9: {  	s31 =	sshll.u32 s1, $0xD;
	s1 =	sshrl.u32 s1, $0x2  }
0xba: {  	s3 =	sand.u32 $0x4000, s31;
	s1 =	sadd.s32 s1, s30  }
0xbb: {  	s0 =	sor.u32 s3, s0;
	s1 =	sshll.u32 s1, $0x11  }
0xbc: {  	s0 =	sor.u32 s1, s0  }
0xbd: {  	s0 =	sadd.s32 $0x8F2B, s0  }
0xbe: {  	[sflag:s0] =	ssyncadd.remote.s32 $0x1  }
0xbf: {  	_ =	sfence.sel $0xFFFF  }
0xc0: {  	[dreg:$0x0] =	wrdreg $0xFFFFFFFF;
	(pc) =	sbr.abs _section_cstart, $3  }
0xc1: {  	[dreg:$0x1] =	wrdreg $0xFFFFFFFF  }
0xc2: {  	_ =	task.clear_ibuf [dreg:s7], $0x2FFFF;
	_ =	strace $0x9FFFFFFF  }
0xc3: {  	(tm) =	ssettm $0x7FFFFFFF  }
tec
execute0_lowered:
.L_overlay_start_1:
0x0: {  	(tag) =	ssettag $0x1  }
0x1: {  	s8 =	rddreg [dreg:$0x0]  }
0x2: {  	s2 =	rddreg [dreg:$0x1];
	s0 =	srdreg.scid  }
0x3: {  	s3 =	rddreg [dreg:$0x2];
	s1 =	stileid.u32;
	s4 =	simm.s32 $0x0  }
0x4: {  	s16 =	simm.s32 $0x3;
	s17 =	simm.s32 $0x1000;
	s18 =	simm.s32 $0x80  }
0x5: {  	s19 =	simm.s32 $0x6000;
	s20 =	simm.s32 $0x1;
	s21 =	simm.s32 $0x2  }
0x6: {  	s23 =	simm.s32 $0x1F80;
	s22 =	sand.u32 $0x1, s0;
	s0 =	rddreg [dreg:$0x3]  }
0x7: {  	s24 =	simm.s32 $0x0;
	s9 =	smul.u32 $0x14000, s1;
	[smem:$0x7FF] =	sst s4  }
0x8: {  	s10 =	smul.u32 $0x50000, s1;
	s5 =	sadd.s32 $0xE600, s8;
	s6 =	sadd.s32 $0x4600, s8  }
0x9: {  	s31 =	sshll.u32 s1, $0xC;
	s15 =	sshll.u32 s1, $0xE;
	s7 =	smul.u32 $0x140000, s22  }
0xa: {  	_ =	strace $0x8000004D;
	s30 =	ssub.s32 $0x2, s22;
	p0 =	seq.s32 s22, $0x0  }
0xb: {  	s10 =	sshrl.u32 s10, $0x2;
	s12 =	sshrl.u32 s30, $0x1;
	s7 =	sadd.s32 s9, s7  }
0xc: {  	s14 =	ssub.s32 s30, s12;
	s11 =	sshrl.u32 s7, $0x3;
	s7 =	sadd.s32 s10, s3  }
0xd: {  	s14 =	smax.u32 s14, $0x1;
	s13 =	sadd.s32 s11, s8;
	s8 =	sadd.s32 $0x4000, s7  }
0xe: {  	s9 =	sadd.s32 $0x8000, s7;
	s10 =	sadd.s32 $0xC000, s7;
	s11 =	sor.u32 $0x40000, s31  }
0xf: {  	s12 =	sadd.s32 $0x10000, s7;
	s11 =	smov.u32 @p0 s15;
	s13 =	sadd.s32 $0x36600, s13  }
0x10: {  	v0 =	vimm.f32 $0.0e+00;
	s15 =	simm.s32 $0x2000;
	p0 =	sne.s32 s22, $0x0;
	s22 =	simm.s32 $0x1F00  }
.LBB2_1:
0x11: {  	s25 =	sand.u32 $0xFE00, s4  }
0x12: {  	s26 =	sand.u32 $0x70, s4;
	s28 =	sshrl.u32 s25, $0x2  }
0x13: {  	s25 =	simm.s32 $0x40;
	s28 =	sor.u32 s26, s28;
	s26 =	simm.s32 $0x0  }
.LBB2_2:
0x14: {  	p1 =	sne.s32 s25, $0xFFC0  }
0x15: {  	[tilespmem:s28+$0x2000] =	vst v0;
	s26 =	sadd.s32 $0x10, s26;
	s28 =	smov.u32 s25;
	s25 =	sadd.s32 $0x40, s25  }
.Ltmp0:
0x16: {  	(pc) =	sbr.rel @p1 .LBB2_2-.Ltmp0, $4  }
0x17: {  	_ = 	snop  }
0x18: {  	s28 =	sand.u32 $0xFE00, s28  }
0x19: {  	s29 =	sand.u32 $0x70, s26;
	s28 =	sshrl.u32 s28, $0x2  }
0x1a: {  	s28 =	sor.u32 s29, s28  }
0x1b: {  	[tilespmem:s28+$0x2000] =	vst v0  }
0x1c: {  	[spmem:s7] =	stream.linear.scatter [tilespmem:s15], [sflag:$0x3], $0x4000, $0x38;
	[tilespmem:$0x1E000] =	vst v63  }
0x1d: {  	_ =	swait.ge [sflag:s16], $0x4000  }
0x1e: {  	[sflag:s16] =	ssyncset.done $0x0  }
0x1f: {  	[sflag:s16] =	ssyncadd.s32 $0xFFFFC000  }
0x20: {  	[spmem:s8] =	stream.linear.scatter [tilespmem:s15], [sflag:$0x3], $0x4000, $0x38;
	[tilespmem:$0x1E000] =	vst v63  }
0x21: {  	_ =	swait.ge [sflag:s16], $0x4000  }
0x22: {  	[sflag:s16] =	ssyncset.done $0x0  }
0x23: {  	[sflag:s16] =	ssyncadd.s32 $0xFFFFC000  }
0x24: {  	[spmem:s9] =	stream.linear.scatter [tilespmem:s15], [sflag:$0x3], $0x4000, $0x38;
	[tilespmem:$0x1E000] =	vst v63  }
0x25: {  	_ =	swait.ge [sflag:s16], $0x4000  }
0x26: {  	[sflag:s16] =	ssyncset.done $0x0  }
0x27: {  	[sflag:s16] =	ssyncadd.s32 $0xFFFFC000  }
0x28: {  	[spmem:s10] =	stream.linear.scatter [tilespmem:s15], [sflag:$0x3], $0x4000, $0x38;
	[tilespmem:$0x1E000] =	vst v63  }
0x29: {  	_ =	swait.ge [sflag:s16], $0x4000  }
0x2a: {  	[sflag:s16] =	ssyncset.done $0x0  }
0x2b: {  	[sflag:s16] =	ssyncadd.s32 $0xFFFFC000  }
0x2c: {  	[spmem:s12] =	stream.linear.scatter [tilespmem:s15], [sflag:$0x3], $0x4000, $0x38;
	[tilespmem:$0x1E000] =	vst v63  }
0x2d: {  	_ =	swait.ge [sflag:s16], $0x4000  }
0x2e: {  	[sflag:s16] =	ssyncset.done $0x0  }
0x2f: {  	[sflag:s16] =	ssyncadd.s32 $0xFFFFC000  }
0x30: {  	s25 =	simm.s32 $0x0;
	s26 =	simm.s32 $0x0;
	[bflag:$0x0] =	sbarrier.arrive $0xFFFF  }
.LBB2_4:
0x31: {  	s28 =	sshll.u32 s26, $0xC  }
0x32: {  	s28 =	sadd.s32 s11, s28  }
0x33: {  	s28 =	sshrl.u32 s28, $0x3  }
0x34: {  	s29 =	sadd.s32 s6, s28  }
0x35: {  	[tilespmem:s25], [sflag:$0x3] =	stream.linear.gather [hbm4b:s29+s25], $0x1000, $0x38;
	[tilespmem:$0x1E000] =	vst v63  }
0x36: {  	_ =	swait.ge [sflag:s16], $0x1000  }
0x37: {  	[sflag:s16] =	ssyncset.done $0x0  }
0x38: {  	s28 =	sadd.s32 s2, s28;
	[sflag:s16] =	ssyncadd.s32 $0xFFFFF000  }
0x39: {  	[tilespmem:s17], [sflag:$0x3] =	stream.linear.gather [hbm4b:s28+s25], $0x1000, $0x38;
	[tilespmem:$0x1E000] =	vst v63  }
0x3a: {  	_ =	swait.ge [sflag:s16], $0x1000  }
0x3b: {  	[sflag:s16] =	ssyncset.done $0x0  }
0x3c: {  	[sflag:s16] =	ssyncadd.s32 $0xFFFFF000  }
0x3d: {  	[tilespmem:s15], [sflag:$0x1] =	stream.indirect.gather [hbm4b:s5+s18], $0x80, s25, s18, $0xb8;
	[tilespmem:$0x1E000] =	vst v63  }
0x3e: {  	_ = 	snop  }
0x3f: {  	[tilespmem:s19], [sflag:$0x2] =	stream.indirect.gather [hbm4b:s5+s18], $0x80, s18, s18, $0xb8;
	[tilespmem:$0x1E000] =	vst v63  }
0x40: {  	_ =	swait.ge [sflag:s20], $0x4000  }
0x41: {  	[sflag:s20] =	ssyncset.done $0x0  }
0x42: {  	s28 =	simm.s32 $0x1000;
	[sflag:s20] =	ssyncadd.s32 $0xFFFFC000  }
0x43: {  	[spmem:s3] =	stream.indirect.scatter.add.f32 [tilespmem:s15], [sflag:$0x3], $0x80, s28, s18, $0xb8;
	[tilespmem:$0x1E000] =	vst v63  }
0x44: {  	_ =	swait.ge [sflag:s16], $0x4000  }
0x45: {  	[sflag:s16] =	ssyncset.done $0x0  }
0x46: {  	s28 =	simm.s32 $0x100;
	[sflag:s16] =	ssyncadd.s32 $0xFFFFC000  }
0x47: {  	[tilespmem:s15], [sflag:$0x1] =	stream.indirect.gather [hbm4b:s5+s18], $0x80, s28, s18, $0xb8;
	[tilespmem:$0x1E000] =	vst v63  }
0x48: {  	_ =	swait.ge [sflag:s21], $0x4000  }
0x49: {  	[sflag:s21] =	ssyncset.done $0x0  }
0x4a: {  	s28 =	simm.s32 $0x1080;
	[sflag:s21] =	ssyncadd.s32 $0xFFFFC000  }
0x4b: {  	[spmem:s3] =	stream.indirect.scatter.add.f32 [tilespmem:s19], [sflag:$0x3], $0x80, s28, s18, $0xb8;
	[tilespmem:$0x1E000] =	vst v63  }
0x4c: {  	_ =	swait.ge [sflag:s16], $0x4000  }
0x4d: {  	[sflag:s16] =	ssyncset.done $0x0  }
0x4e: {  	s29 =	simm.s32 $0x180;
	s28 =	simm.s32 $0x400;
	[sflag:s16] =	ssyncadd.s32 $0xFFFFC000  }
.LBB2_5:
0x4f: {  	[tilespmem:s19], [sflag:$0x2] =	stream.indirect.gather [hbm4b:s5+s18], $0x80, s29, s18, $0xb8;
	[tilespmem:$0x1E000] =	vst v63  }
0x50: {  	s29 =	smov.u32 s28  }
0x51: {  	p1 =	sne.s32 s28, $0x3800;
	s28 =	sadd.s32 $0x400, s28;
	_ =	swait.ge [sflag:s20], $0x4000  }
0x52: {  	s29 =	sshra.s32 s29, $0x2;
	[sflag:s20] =	ssyncset.done $0x0  }
0x53: {  	s30 =	sadd.s32 $0x1000, s29;
	[sflag:s20] =	ssyncadd.s32 $0xFFFFC000  }
0x54: {  	[spmem:s3] =	stream.indirect.scatter.add.f32 [tilespmem:s15], [sflag:$0x3], $0x80, s30, s18, $0xb8;
	[tilespmem:$0x1E000] =	vst v63  }
0x55: {  	_ =	swait.ge [sflag:s16], $0x4000  }
0x56: {  	[sflag:s16] =	ssyncset.done $0x0  }
0x57: {  	s30 =	sadd.s32 $0x100, s29;
	[sflag:s16] =	ssyncadd.s32 $0xFFFFC000  }
0x58: {  	[tilespmem:s15], [sflag:$0x1] =	stream.indirect.gather [hbm4b:s5+s18], $0x80, s30, s18, $0xb8;
	[tilespmem:$0x1E000] =	vst v63  }
0x59: {  	_ =	swait.ge [sflag:s21], $0x4000  }
0x5a: {  	[sflag:s21] =	ssyncset.done $0x0  }
.Ltmp1:
0x5b: {  	s30 =	sadd.s32 $0x1080, s29;
	[sflag:s21] =	ssyncadd.s32 $0xFFFFC000;
	(pc) =	sbr.rel @p1 .LBB2_5-.Ltmp1, $4  }
0x5c: {  	[spmem:s3] =	stream.indirect.scatter.add.f32 [tilespmem:s19], [sflag:$0x3], $0x80, s30, s18, $0xb8;
	[tilespmem:$0x1E000] =	vst v63  }
0x5d: {  	_ =	swait.ge [sflag:s16], $0x4000  }
0x5e: {  	[sflag:s16] =	ssyncset.done $0x0  }
0x5f: {  	s29 =	sadd.s32 $0x180, s29;
	[sflag:s16] =	ssyncadd.s32 $0xFFFFC000  }
0x60: {  	[tilespmem:s19], [sflag:$0x2] =	stream.indirect.gather [hbm4b:s5+s18], $0x80, s29, s18, $0xb8;
	[tilespmem:$0x1E000] =	vst v63  }
0x61: {  	_ =	swait.ge [sflag:s20], $0x4000  }
0x62: {  	[sflag:s20] =	ssyncset.done $0x0  }
0x63: {  	[sflag:s20] =	ssyncadd.s32 $0xFFFFC000  }
0x64: {  	[spmem:s3] =	stream.indirect.scatter.add.f32 [tilespmem:s15], [sflag:$0x3], $0x80, s22, s18, $0xb8;
	[tilespmem:$0x1E000] =	vst v63  }
0x65: {  	_ =	swait.ge [sflag:s16], $0x4000  }
0x66: {  	[sflag:s16] =	ssyncset.done $0x0  }
0x67: {  	[sflag:s16] =	ssyncadd.s32 $0xFFFFC000  }
0x68: {  	p1 =	slt.u32 @!p0 s26, $0x3;
	_ =	swait.ge [sflag:s21], $0x4000  }
0x69: {  	p1 =	por p0, !p1;
	[sflag:s21] =	ssyncset.done $0x0  }
.Ltmp2:
0x6a: {  	[sflag:s21] =	ssyncadd.s32 $0xFFFFC000;
	(pc) =	sbr.rel @!p1 .LBB2_4-.Ltmp2, $4  }
0x6b: {  	[spmem:s3] =	stream.indirect.scatter.add.f32 [tilespmem:s19], [sflag:$0x3], $0x80, s23, s18, $0xb8;
	[tilespmem:$0x1E000] =	vst v63  }
0x6c: {  	_ =	swait.ge [sflag:s16], $0x4000  }
0x6d: {  	[sflag:s16] =	ssyncset.done $0x0  }
0x6e: {  	s26 =	sadd.s32 $0x1, s26;
	[sflag:s16] =	ssyncadd.s32 $0xFFFFC000  }
0x6f: {  	s24 =	sadd.s32 $0x1, s24  }
0x70: {  	s25 =	sshll.u32 s1, $0x6;
	[bflag:$0x0] =	sbarrier.arrive $0xFFFF;
	p1 =	sne.s32 s24, s14  }
.Ltmp3:
0x71: {  	s26 =	sshrl.u32 s7, $0x3;
	s25 =	sor.u32 $0x1C03, s25;
	(pc) =	sbr.rel @p1 .LBB2_1-.Ltmp3, $4  }
0x72: {  	[hbm:s13], [sflag:s25] =	dma.local [spmem:s26], $0x2800  }
0x73: {  	_ =	swait.ge [sflag:s16], $0x2800  }
0x74: {  	[sflag:s16] =	ssyncset.done $0x0  }
0x75: {  	[sflag:s16] =	ssyncadd.s32 $0xFFFFD800  }
0x76: {  	_ =	sfence.sel $0x180000  }
0x77: {  	[bflag:$0x0] =	sbarrier.arrive $0xFFFF  }
0x78: {  	p0 =	sne.s32 s1, $0x0;
	_ =	strace $0x9000004D  }
0x79: {  	s0 =	sadd.s32 @!p0 $0x100000, s0;
	[bflag:$0x2] =	sbarrier.arrive $0xFFFF  }
0x7a: {  	[sflag:s0] =	ssyncadd.tile.s32 @!p0 $0x1;
	_ =	shalt  }
.Lfunc_end2:
_tile_overlayer_lowered:
.L_overlay_start_2:
0x7b: {  	(tag) =	ssettag $0x2  }
0x7c: {  	s0 =	rddreg [dreg:$0x0];
	s2 =	stileid.u32  }
0x7d: {  	s1 =	rddreg [dreg:$0x1];
	p0 =	sne.s32 s2, $0x0  }
0x7e: {  	s3 =	rddreg [dreg:$0x2];
	[bflag:$0x3] =	sbarrier.arrive $0xFFFF;
	s2 =	simm.s32 @!p0 $0x1C03  }
0x7f: {  	[timem:s3], [sflag:s2] =	dma.local @!p0 [hbm:s0], s1  }
0x80: {  	s0 =	simm.s32 @!p0 $0x3  }
0x81: {  	_ =	swait.ge @!p0 [sflag:s0], s1  }
0x82: {  	s1 =	ssub.s32 @!p0 $0x0, s1;
	[sflag:s0] =	ssyncset.done @!p0 $0x0  }
0x83: {  	[sflag:s0] =	ssyncadd.s32 @!p0 s1  }
0x84: {  	[bflag:$0x3] =	sbarrier.arrive $0xFFFF  }
0x85: {  	_ =	shalt  }

// kernel: kernel.20.cloned.1.call-start
scs
__scs_entry_jumppad:
0x0: {  	(pc) =	sbr.rel $0x88, $3  }
0x1: {  	(tag) =	ssettag $0x0;
	lr =	simm.s32 $0x1  }
0x2: {  	[smem:$0x3F91] =	sst lr;
	_ =	strace $0xD0000000  }
0x3: {  	_ = 	snop  }
0x4: {  	_ = 	snop  }
0x5: {  	_ = 	snop  }
0x6: {  	_ = 	snop  }
0x7: {  	_ = 	snop  }
__scs_overlays_trampoline_lowered:
0x8: {  	[smem:$0x3FA0] =	sst s0  }
0x9: {  	[smem:$0x3FA1] =	sst s1  }
0xa: {  	[smem:$0x3FA2] =	sst s2  }
0xb: {  	[smem:$0x3FA3] =	sst s3  }
0xc: {  	[smem:$0x3FA4] =	sst s4  }
0xd: {  	[smem:$0x3FA5] =	sst s5  }
0xe: {  	[smem:$0x3FA6] =	sst s6  }
0xf: {  	[smem:$0x3FA7] =	sst s7  }
0x10: {  	[smem:$0x3FA8] =	sst s8  }
0x11: {  	[smem:$0x3FA9] =	sst s9;
	s0 =	simm.s32 @!p0 $0x0  }
0x12: {  	s1 =	sld [smem:$0x3F8F];
	s0 =	simm.s32 @p0 $0x1  }
0x13: {  	[smem:$0x3FAA] =	sst s0;
	s0 =	simm.s32 @!p1 $0x0  }
0x14: {  	s2 =	sld [smem:$0x3F8E];
	s0 =	simm.s32 @p1 $0x1  }
0x15: {  	[smem:$0x3FAB] =	sst s0;
	s0 =	simm.s32 @!p2 $0x0  }
0x16: {  	s3 =	sld [smem:$0x3FDB];
	s0 =	simm.s32 @p2 $0x1  }
0x17: {  	s4 =	simm.s32 $0x1BF5;
	[smem:$0x3FAD] =	sst s0  }
0x18: {  	s0 =	sld [smem:$0x3F90];
	_ =	swait.ge [sflag:s4], $0x0  }
0x19: {  	s7 =	sld [smem:$0x3F91]  }
0x1a: {  	s8 =	sadd.s32 $0xFFFFE003, lr  }
0x1b: {  	s9 =	sadd.s32 $0xFFFFFEF7, lr;
	s5 =	simm.s32 $0xFFFFFFFF;
	p2 =	slt.u32 s8, $0xFFFFF086  }
0x1c: {  	p1 =	slt.u32 s9, $0xF7A;
	s5 =	simm.s32 @!p2 $0x0  }
0x1d: {  	s5 =	simm.s32 @p1 $0x1;
	p0 =	seq.s32 s7, s2  }
0x1e: {  	s7 =	smul.u32 @!p0 $0xF7A, s2;
	p2 =	seq.s32 @!p0 s5, $0x0  }
0x1f: {  	s9 =	smul.u32 $0xF7A, s1;
	s8 =	simm.s32 @!p0 $0x1BF5;
	p2 =	por !p2, p0  }
0x20: {  	[sflag:s8] =	ssyncset.s32 @!p0 $0xFFFFF086;
	s6 =	sadd.s32 @!p0 s3, s7;
	s7 =	simm.s32 @!p0 $0x108  }
0x21: {  	s3 =	sadd.s32 s3, s9;
	s6 =	sadd.s32 @!p0 $0x88, s6;
	s7 =	simm.s32 @p2 $0x1082  }
0x22: {  	[simem:s7], [sflag:s8] =	dma.local @!p0 [hbm:s6], $0xF7A  }
0x23: {  	s9 =	sor.u32 $0xD0000000, s2;
	s6 =	simm.s32 $0x108;
	_ =	swait.ge @!p0 [sflag:s8], $0x0  }
0x24: {  	s3 =	sadd.s32 $0x88, s3;
	s6 =	simm.s32 @!p1 $0x1082;
	[sflag:s4] =	ssyncset.s32 $0xFFFFF086  }
0x25: {  	[simem:s6], [sflag:s4] =	dma.local [hbm:s3], $0xF7A  }
0x26: {  	[smem:$0x3F91] =	sst s1;
	(tag) =	ssettag s2;
	_ =	strace s9  }
0x27: {  	s1 =	sld [smem:$0x3FA1]  }
0x28: {  	s2 =	sld [smem:$0x3FA2]  }
0x29: {  	s4 =	sld [smem:$0x3FA4]  }
0x2a: {  	p0 =	seq.s32 s5, $0x0;
	s5 =	sld [smem:$0x3FA5]  }
0x2b: {  	s6 =	sld [smem:$0x3FA6]  }
0x2c: {  	s7 =	sld [smem:$0x3FA7]  }
0x2d: {  	s3 =	simm.s32 $0x108;
	s8 =	sld [smem:$0x3FA8]  }
0x2e: {  	s3 =	simm.s32 @!p0 $0x1082;
	s9 =	sld [smem:$0x3FA9]  }
0x2f: {  	lr =	sadd.s32 s0, s3;
	s0 =	sld [smem:$0x3FA0]  }
0x30: {  	s3 =	sld [smem:$0x3FA3]  }
0x31: {  	[smem:$0x3FAC] =	sst s10  }
0x32: {  	s10 =	sld [smem:$0x3FAA];
	_ =	sdelay $0x3  }
0x33: {  	p0 =	seq.s32 s10, $0x1;
	s10 =	sld [smem:$0x3FAC];
	_ =	sdelay $0x3  }
0x34: {  	[smem:$0x3FAC] =	sst s10  }
0x35: {  	s10 =	sld [smem:$0x3FAB];
	_ =	sdelay $0x3  }
0x36: {  	p1 =	seq.s32 s10, $0x1;
	s10 =	sld [smem:$0x3FAC];
	_ =	sdelay $0x3  }
0x37: {  	[smem:$0x3FAC] =	sst s10  }
0x38: {  	s10 =	sld [smem:$0x3FAD]  }
0x39: {  	_ = 	snop;
	(pc) =	sbr.ind lr, $3  }
0x3a: {  	_ = 	snop  }
0x3b: {  	_ = 	snop  }
0x3c: {  	p2 =	seq.s32 s10, $0x1;
	s10 =	sld [smem:$0x3FAC]  }
0x3d: {  	_ =	shalt  }
0x3e: {  	_ =	shalt  }
0x3f: {  	_ =	shalt  }
0x40: {  	_ =	shalt  }
0x41: {  	_ =	shalt  }
0x42: {  	_ =	shalt  }
0x43: {  	_ =	shalt  }
0x44: {  	_ =	shalt  }
0x45: {  	_ =	shalt  }
0x46: {  	_ =	shalt  }
0x47: {  	_ =	shalt  }
0x48: {  	_ =	shalt  }
0x49: {  	_ =	shalt  }
0x4a: {  	_ =	shalt  }
0x4b: {  	_ =	shalt  }
0x4c: {  	_ =	shalt  }
0x4d: {  	_ =	shalt  }
0x4e: {  	_ =	shalt  }
0x4f: {  	_ =	shalt  }
0x50: {  	_ =	shalt  }
0x51: {  	_ =	shalt  }
0x52: {  	_ =	shalt  }
0x53: {  	_ =	shalt  }
0x54: {  	_ =	shalt  }
0x55: {  	_ =	shalt  }
0x56: {  	_ =	shalt  }
0x57: {  	_ =	shalt  }
0x58: {  	_ =	shalt  }
0x59: {  	_ =	shalt  }
0x5a: {  	_ =	shalt  }
0x5b: {  	_ =	shalt  }
0x5c: {  	_ =	shalt  }
0x5d: {  	_ =	shalt  }
0x5e: {  	_ =	shalt  }
0x5f: {  	_ =	shalt  }
0x60: {  	_ =	shalt  }
0x61: {  	_ =	shalt  }
0x62: {  	_ =	shalt  }
0x63: {  	_ =	shalt  }
0x64: {  	_ =	shalt  }
0x65: {  	_ =	shalt  }
0x66: {  	_ =	shalt  }
0x67: {  	_ =	shalt  }
0x68: {  	_ =	shalt  }
0x69: {  	_ =	shalt  }
0x6a: {  	_ =	shalt  }
0x6b: {  	_ =	shalt  }
0x6c: {  	_ =	shalt  }
0x6d: {  	_ =	shalt  }
0x6e: {  	_ =	shalt  }
0x6f: {  	_ =	shalt  }
0x70: {  	_ =	shalt  }
0x71: {  	_ =	shalt  }
0x72: {  	_ =	shalt  }
0x73: {  	_ =	shalt  }
0x74: {  	_ =	shalt  }
0x75: {  	_ =	shalt  }
0x76: {  	_ =	shalt  }
0x77: {  	_ =	shalt  }
0x78: {  	_ =	shalt  }
0x79: {  	_ =	shalt  }
0x7a: {  	_ =	shalt  }
0x7b: {  	_ =	shalt  }
0x7c: {  	_ =	shalt  }
0x7d: {  	_ =	shalt  }
0x7e: {  	_ =	shalt  }
0x7f: {  	_ =	shalt  }
0x80: {  	_ =	shalt  }
0x81: {  	_ =	shalt  }
0x82: {  	_ =	shalt  }
0x83: {  	_ =	shalt  }
0x84: {  	_ =	shalt  }
0x85: {  	_ =	shalt  }
0x86: {  	_ =	shalt  }
0x87: {  	_ =	shalt  }
.Lfunc_end0:
.L_simem_size_0:
called_computation.3_lowered:
.L_overlay_start_0:
0x88: {  	s2 =	sld [smem:$0x3FD9]  }
0x89: {  	s3 =	sld [smem:$0x3FFE];
	_ =	sdelay $0x1  }
0x8a: {  	s1 =	srdreg.scid  }
0x8b: {  	s0 =	sand.u32 $0x1, s1  }
0x8c: {  	s17 =	sshll.u32 s0, $0xA;
	s2 =	sadd.s32 s3, s2  }
0x8d: {  	s2 =	sadd.s32 s2, s17  }
0x8e: {  	[smem:$0x3FB8] =	sst s2  }
0x8f: {  	_ = 	snop  }
0x90: {  	s2 =	sld [smem:$0x3FD0];
	(tm) =	ssettm $0x1  }
0x91: {  	s18 =	sld [smem:$0x3FFB];
	_ =	sdelay $0x3  }
0x92: {  	_ =	strace s18  }
0x93: {  	s3 =	sld [smem:$0x3FFC];
	_ =	sdelay $0x3  }
0x94: {  	_ =	strace s3  }
0x95: {  	s3 =	sld [smem:$0x3FFD];
	_ =	sdelay $0x3  }
0x96: {  	_ =	strace s3  }
0x97: {  	_ =	strace $0x8FFFFFFF  }
0x98: {  	s19 =	sld [smem:$0x3FDB];
	_ =	sdelay $0x1  }
0x99: {  	s4 =	simm.s32 $_scs_section_size  }
0x9a: {  	s5 =	simm.s32 $_size__tile_overlayer_lowered;
	s6 =	simm.s32 $_tile_overlayer_lowered  }
0x9b: {  	s22 =	simm.s32 $0x1BFF;
	s21 =	sshll.u32 s6, $0x1;
	s3 =	sadd.s32 s4, s19  }
0x9c: {  	s7 =	simm.s32 $0x0;
	s20 =	sshll.u32 s5, $0x1;
	s5 =	sadd.s32 s21, s3  }
0x9d: {  	[timem:s7], [sflag:s22] =	dma.local [hbm:s5], s20  }
0x9e: {  	_ =	swait.ge [sflag:s22], s20  }
0x9f: {  	s4 =	ssub.s32 $0x0, s20;
	[sflag:s22] =	ssyncset.done $0x0  }
0xa0: {  	[sflag:s22] =	ssyncadd.s32 s4;
	_ =	sdelay $0x1  }
0xa1: {  	s23 =	simm.s32 $0x1B8B  }
0xa2: {  	_ =	swait.ge [sflag:s23], $0x1  }
0xa3: {  	[sflag:s23] =	ssyncset.done $0x0  }
0xa4: {  	s25 =	simm.s32 $0x1B8E;
	s24 =	sld [smem:$0x3FFE];
	[sflag:s23] =	ssyncadd.s32 $0xFFFFFFFF  }
0xa5: {  	s26 =	simm.s32 $execute0_lowered;
	[smem:$0x3FD2] =	sst s25  }
0xa6: {  	s5 =	sshll.u32 s26, $0x1;
	_ =	strace $0x8000004F;
	[dreg:$0x1] =	wrdreg $0xFFFFFFFF  }
0xa7: {  	s28 =	simm.s32 $_size_execute0_lowered;
	s3 =	sadd.s32 s3, s5;
	[dreg:$0x0] =	wrdreg $0x0  }
0xa8: {  	s5 =	sshll.u32 s28, $0x1;
	[dreg:$0x2] =	wrdreg s3  }
0xa9: {  	[dreg:$0x3] =	wrdreg s5  }
0xaa: {  	[dreg:$0x4] =	wrdreg $0xC0  }
0xab: {  	_ =	task [dreg:s7], $0x5FFFF  }
0xac: {  	[dreg:$0x1] =	wrdreg $0xFFFFFFFF  }
0xad: {  	[dreg:$0x0] =	wrdreg $0x60  }
0xae: {  	[dreg:$0x2] =	wrdreg s24  }
0xaf: {  	[dreg:$0x3] =	wrdreg s2  }
0xb0: {  	[dreg:$0x4] =	wrdreg $0xA0000  }
0xb1: {  	[dreg:$0x5] =	wrdreg $0x9  }
0xb2: {  	_ =	task.clear_ibuf [dreg:s7], $0x6FFFF;
	_ =	strace $0x9000004F  }
0xb3: {  	s29 =	simm.s32 $0x9;
	_ =	strace $0x80000051  }
0xb4: {  	_ =	swait.ge [sflag:s29], $0x1  }
0xb5: {  	[sflag:s29] =	ssyncadd.s32 $0xFFFFFFFF  }
0xb6: {  	_ =	strace $0x90000051  }
0xb7: {  	_ =	sfence  }
0xb8: {  	s30 =	sld [smem:$0x0];
	_ =	sdelay $0x2  }
0xb9: {  	s31 =	sshll.u32 s1, $0xD;
	s1 =	sshrl.u32 s1, $0x2  }
0xba: {  	s3 =	sand.u32 $0x4000, s31;
	s1 =	sadd.s32 s1, s30  }
0xbb: {  	s0 =	sor.u32 s3, s0;
	s1 =	sshll.u32 s1, $0x11  }
0xbc: {  	s0 =	sor.u32 s1, s0  }
0xbd: {  	s0 =	sadd.s32 $0x8F2B, s0  }
0xbe: {  	[sflag:s0] =	ssyncadd.remote.s32 $0x1  }
0xbf: {  	_ =	sfence.sel $0xFFFF  }
0xc0: {  	[dreg:$0x0] =	wrdreg $0xFFFFFFFF;
	(pc) =	sbr.abs _section_cstart, $3  }
0xc1: {  	[dreg:$0x1] =	wrdreg $0xFFFFFFFF  }
0xc2: {  	_ =	task.clear_ibuf [dreg:s7], $0x2FFFF;
	_ =	strace $0x9FFFFFFF  }
0xc3: {  	(tm) =	ssettm $0x7FFFFFFF  }
tec
execute0_lowered:
.L_overlay_start_1:
0x0: {  	(tag) =	ssettag $0x1  }
0x1: {  	s8 =	rddreg [dreg:$0x0]  }
0x2: {  	s2 =	rddreg [dreg:$0x1];
	s0 =	srdreg.scid  }
0x3: {  	s3 =	rddreg [dreg:$0x2];
	s1 =	stileid.u32;
	s4 =	simm.s32 $0x0  }
0x4: {  	s16 =	simm.s32 $0x3;
	s17 =	simm.s32 $0x1000;
	s18 =	simm.s32 $0x80  }
0x5: {  	s19 =	simm.s32 $0x6000;
	s20 =	simm.s32 $0x1;
	s21 =	simm.s32 $0x2  }
0x6: {  	s23 =	simm.s32 $0x1F80;
	s22 =	sand.u32 $0x1, s0;
	s0 =	rddreg [dreg:$0x3]  }
0x7: {  	s24 =	simm.s32 $0x0;
	s9 =	smul.u32 $0x14000, s1;
	[smem:$0x7FF] =	sst s4  }
0x8: {  	s10 =	smul.u32 $0x50000, s1;
	s5 =	sadd.s32 $0xE600, s8;
	s6 =	sadd.s32 $0x4600, s8  }
0x9: {  	s31 =	sshll.u32 s1, $0xC;
	s15 =	sshll.u32 s1, $0xE;
	s7 =	smul.u32 $0x140000, s22  }
0xa: {  	_ =	strace $0x80000050;
	s30 =	ssub.s32 $0x2, s22;
	p0 =	seq.s32 s22, $0x0  }
0xb: {  	s10 =	sshrl.u32 s10, $0x2;
	s12 =	sshrl.u32 s30, $0x1;
	s7 =	sadd.s32 s9, s7  }
0xc: {  	s14 =	ssub.s32 s30, s12;
	s11 =	sshrl.u32 s7, $0x3;
	s7 =	sadd.s32 s10, s3  }
0xd: {  	s14 =	smax.u32 s14, $0x1;
	s13 =	sadd.s32 s11, s8;
	s8 =	sadd.s32 $0x4000, s7  }
0xe: {  	s9 =	sadd.s32 $0x8000, s7;
	s10 =	sadd.s32 $0xC000, s7;
	s11 =	sor.u32 $0x40000, s31  }
0xf: {  	s12 =	sadd.s32 $0x10000, s7;
	s11 =	smov.u32 @p0 s15;
	s13 =	sadd.s32 $0x36600, s13  }
0x10: {  	v0 =	vimm.f32 $0.0e+00;
	s15 =	simm.s32 $0x2000;
	p0 =	sne.s32 s22, $0x0;
	s22 =	simm.s32 $0x1F00  }
.LBB2_1:
0x11: {  	s25 =	sand.u32 $0xFE00, s4  }
0x12: {  	s26 =	sand.u32 $0x70, s4;
	s28 =	sshrl.u32 s25, $0x2  }
0x13: {  	s25 =	simm.s32 $0x40;
	s28 =	sor.u32 s26, s28;
	s26 =	simm.s32 $0x0  }
.LBB2_2:
0x14: {  	p1 =	sne.s32 s25, $0xFFC0  }
0x15: {  	[tilespmem:s28+$0x2000] =	vst v0;
	s26 =	sadd.s32 $0x10, s26;
	s28 =	smov.u32 s25;
	s25 =	sadd.s32 $0x40, s25  }
.Ltmp0:
0x16: {  	(pc) =	sbr.rel @p1 .LBB2_2-.Ltmp0, $4  }
0x17: {  	_ = 	snop  }
0x18: {  	s28 =	sand.u32 $0xFE00, s28  }
0x19: {  	s29 =	sand.u32 $0x70, s26;
	s28 =	sshrl.u32 s28, $0x2  }
0x1a: {  	s28 =	sor.u32 s29, s28  }
0x1b: {  	[tilespmem:s28+$0x2000] =	vst v0  }
0x1c: {  	[spmem:s7] =	stream.linear.scatter [tilespmem:s15], [sflag:$0x3], $0x4000, $0x38;
	[tilespmem:$0x1E000] =	vst v63  }
0x1d: {  	_ =	swait.ge [sflag:s16], $0x4000  }
0x1e: {  	[sflag:s16] =	ssyncset.done $0x0  }
0x1f: {  	[sflag:s16] =	ssyncadd.s32 $0xFFFFC000  }
0x20: {  	[spmem:s8] =	stream.linear.scatter [tilespmem:s15], [sflag:$0x3], $0x4000, $0x38;
	[tilespmem:$0x1E000] =	vst v63  }
0x21: {  	_ =	swait.ge [sflag:s16], $0x4000  }
0x22: {  	[sflag:s16] =	ssyncset.done $0x0  }
0x23: {  	[sflag:s16] =	ssyncadd.s32 $0xFFFFC000  }
0x24: {  	[spmem:s9] =	stream.linear.scatter [tilespmem:s15], [sflag:$0x3], $0x4000, $0x38;
	[tilespmem:$0x1E000] =	vst v63  }
0x25: {  	_ =	swait.ge [sflag:s16], $0x4000  }
0x26: {  	[sflag:s16] =	ssyncset.done $0x0  }
0x27: {  	[sflag:s16] =	ssyncadd.s32 $0xFFFFC000  }
0x28: {  	[spmem:s10] =	stream.linear.scatter [tilespmem:s15], [sflag:$0x3], $0x4000, $0x38;
	[tilespmem:$0x1E000] =	vst v63  }
0x29: {  	_ =	swait.ge [sflag:s16], $0x4000  }
0x2a: {  	[sflag:s16] =	ssyncset.done $0x0  }
0x2b: {  	[sflag:s16] =	ssyncadd.s32 $0xFFFFC000  }
0x2c: {  	[spmem:s12] =	stream.linear.scatter [tilespmem:s15], [sflag:$0x3], $0x4000, $0x38;
	[tilespmem:$0x1E000] =	vst v63  }
0x2d: {  	_ =	swait.ge [sflag:s16], $0x4000  }
0x2e: {  	[sflag:s16] =	ssyncset.done $0x0  }
0x2f: {  	[sflag:s16] =	ssyncadd.s32 $0xFFFFC000  }
0x30: {  	s25 =	simm.s32 $0x0;
	s26 =	simm.s32 $0x0;
	[bflag:$0x0] =	sbarrier.arrive $0xFFFF  }
.LBB2_4:
0x31: {  	s28 =	sshll.u32 s26, $0xC  }
0x32: {  	s28 =	sadd.s32 s11, s28  }
0x33: {  	s28 =	sshrl.u32 s28, $0x3  }
0x34: {  	s29 =	sadd.s32 s6, s28  }
0x35: {  	[tilespmem:s25], [sflag:$0x3] =	stream.linear.gather [hbm4b:s29+s25], $0x1000, $0x38;
	[tilespmem:$0x1E000] =	vst v63  }
0x36: {  	_ =	swait.ge [sflag:s16], $0x1000  }
0x37: {  	[sflag:s16] =	ssyncset.done $0x0  }
0x38: {  	s28 =	sadd.s32 s2, s28;
	[sflag:s16] =	ssyncadd.s32 $0xFFFFF000  }
0x39: {  	[tilespmem:s17], [sflag:$0x3] =	stream.linear.gather [hbm4b:s28+s25], $0x1000, $0x38;
	[tilespmem:$0x1E000] =	vst v63  }
0x3a: {  	_ =	swait.ge [sflag:s16], $0x1000  }
0x3b: {  	[sflag:s16] =	ssyncset.done $0x0  }
0x3c: {  	[sflag:s16] =	ssyncadd.s32 $0xFFFFF000  }
0x3d: {  	[tilespmem:s15], [sflag:$0x1] =	stream.indirect.gather [hbm4b:s5+s18], $0x80, s25, s18, $0xb8;
	[tilespmem:$0x1E000] =	vst v63  }
0x3e: {  	_ = 	snop  }
0x3f: {  	[tilespmem:s19], [sflag:$0x2] =	stream.indirect.gather [hbm4b:s5+s18], $0x80, s18, s18, $0xb8;
	[tilespmem:$0x1E000] =	vst v63  }
0x40: {  	_ =	swait.ge [sflag:s20], $0x4000  }
0x41: {  	[sflag:s20] =	ssyncset.done $0x0  }
0x42: {  	s28 =	simm.s32 $0x1000;
	[sflag:s20] =	ssyncadd.s32 $0xFFFFC000  }
0x43: {  	[spmem:s3] =	stream.indirect.scatter.add.f32 [tilespmem:s15], [sflag:$0x3], $0x80, s28, s18, $0xb8;
	[tilespmem:$0x1E000] =	vst v63  }
0x44: {  	_ =	swait.ge [sflag:s16], $0x4000  }
0x45: {  	[sflag:s16] =	ssyncset.done $0x0  }
0x46: {  	s28 =	simm.s32 $0x100;
	[sflag:s16] =	ssyncadd.s32 $0xFFFFC000  }
0x47: {  	[tilespmem:s15], [sflag:$0x1] =	stream.indirect.gather [hbm4b:s5+s18], $0x80, s28, s18, $0xb8;
	[tilespmem:$0x1E000] =	vst v63  }
0x48: {  	_ =	swait.ge [sflag:s21], $0x4000  }
0x49: {  	[sflag:s21] =	ssyncset.done $0x0  }
0x4a: {  	s28 =	simm.s32 $0x1080;
	[sflag:s21] =	ssyncadd.s32 $0xFFFFC000  }
0x4b: {  	[spmem:s3] =	stream.indirect.scatter.add.f32 [tilespmem:s19], [sflag:$0x3], $0x80, s28, s18, $0xb8;
	[tilespmem:$0x1E000] =	vst v63  }
0x4c: {  	_ =	swait.ge [sflag:s16], $0x4000  }
0x4d: {  	[sflag:s16] =	ssyncset.done $0x0  }
0x4e: {  	s29 =	simm.s32 $0x180;
	s28 =	simm.s32 $0x400;
	[sflag:s16] =	ssyncadd.s32 $0xFFFFC000  }
.LBB2_5:
0x4f: {  	[tilespmem:s19], [sflag:$0x2] =	stream.indirect.gather [hbm4b:s5+s18], $0x80, s29, s18, $0xb8;
	[tilespmem:$0x1E000] =	vst v63  }
0x50: {  	s29 =	smov.u32 s28  }
0x51: {  	p1 =	sne.s32 s28, $0x3800;
	s28 =	sadd.s32 $0x400, s28;
	_ =	swait.ge [sflag:s20], $0x4000  }
0x52: {  	s29 =	sshra.s32 s29, $0x2;
	[sflag:s20] =	ssyncset.done $0x0  }
0x53: {  	s30 =	sadd.s32 $0x1000, s29;
	[sflag:s20] =	ssyncadd.s32 $0xFFFFC000  }
0x54: {  	[spmem:s3] =	stream.indirect.scatter.add.f32 [tilespmem:s15], [sflag:$0x3], $0x80, s30, s18, $0xb8;
	[tilespmem:$0x1E000] =	vst v63  }
0x55: {  	_ =	swait.ge [sflag:s16], $0x4000  }
0x56: {  	[sflag:s16] =	ssyncset.done $0x0  }
0x57: {  	s30 =	sadd.s32 $0x100, s29;
	[sflag:s16] =	ssyncadd.s32 $0xFFFFC000  }
0x58: {  	[tilespmem:s15], [sflag:$0x1] =	stream.indirect.gather [hbm4b:s5+s18], $0x80, s30, s18, $0xb8;
	[tilespmem:$0x1E000] =	vst v63  }
0x59: {  	_ =	swait.ge [sflag:s21], $0x4000  }
0x5a: {  	[sflag:s21] =	ssyncset.done $0x0  }
.Ltmp1:
0x5b: {  	s30 =	sadd.s32 $0x1080, s29;
	[sflag:s21] =	ssyncadd.s32 $0xFFFFC000;
	(pc) =	sbr.rel @p1 .LBB2_5-.Ltmp1, $4  }
0x5c: {  	[spmem:s3] =	stream.indirect.scatter.add.f32 [tilespmem:s19], [sflag:$0x3], $0x80, s30, s18, $0xb8;
	[tilespmem:$0x1E000] =	vst v63  }
0x5d: {  	_ =	swait.ge [sflag:s16], $0x4000  }
0x5e: {  	[sflag:s16] =	ssyncset.done $0x0  }
0x5f: {  	s29 =	sadd.s32 $0x180, s29;
	[sflag:s16] =	ssyncadd.s32 $0xFFFFC000  }
0x60: {  	[tilespmem:s19], [sflag:$0x2] =	stream.indirect.gather [hbm4b:s5+s18], $0x80, s29, s18, $0xb8;
	[tilespmem:$0x1E000] =	vst v63  }
0x61: {  	_ =	swait.ge [sflag:s20], $0x4000  }
0x62: {  	[sflag:s20] =	ssyncset.done $0x0  }
0x63: {  	[sflag:s20] =	ssyncadd.s32 $0xFFFFC000  }
0x64: {  	[spmem:s3] =	stream.indirect.scatter.add.f32 [tilespmem:s15], [sflag:$0x3], $0x80, s22, s18, $0xb8;
	[tilespmem:$0x1E000] =	vst v63  }
0x65: {  	_ =	swait.ge [sflag:s16], $0x4000  }
0x66: {  	[sflag:s16] =	ssyncset.done $0x0  }
0x67: {  	[sflag:s16] =	ssyncadd.s32 $0xFFFFC000  }
0x68: {  	p1 =	slt.u32 @!p0 s26, $0x3;
	_ =	swait.ge [sflag:s21], $0x4000  }
0x69: {  	p1 =	por p0, !p1;
	[sflag:s21] =	ssyncset.done $0x0  }
.Ltmp2:
0x6a: {  	[sflag:s21] =	ssyncadd.s32 $0xFFFFC000;
	(pc) =	sbr.rel @!p1 .LBB2_4-.Ltmp2, $4  }
0x6b: {  	[spmem:s3] =	stream.indirect.scatter.add.f32 [tilespmem:s19], [sflag:$0x3], $0x80, s23, s18, $0xb8;
	[tilespmem:$0x1E000] =	vst v63  }
0x6c: {  	_ =	swait.ge [sflag:s16], $0x4000  }
0x6d: {  	[sflag:s16] =	ssyncset.done $0x0  }
0x6e: {  	s26 =	sadd.s32 $0x1, s26;
	[sflag:s16] =	ssyncadd.s32 $0xFFFFC000  }
0x6f: {  	s24 =	sadd.s32 $0x1, s24  }
0x70: {  	s25 =	sshll.u32 s1, $0x6;
	[bflag:$0x0] =	sbarrier.arrive $0xFFFF;
	p1 =	sne.s32 s24, s14  }
.Ltmp3:
0x71: {  	s26 =	sshrl.u32 s7, $0x3;
	s25 =	sor.u32 $0x1C03, s25;
	(pc) =	sbr.rel @p1 .LBB2_1-.Ltmp3, $4  }
0x72: {  	[hbm:s13], [sflag:s25] =	dma.local [spmem:s26], $0x2800  }
0x73: {  	_ =	swait.ge [sflag:s16], $0x2800  }
0x74: {  	[sflag:s16] =	ssyncset.done $0x0  }
0x75: {  	[sflag:s16] =	ssyncadd.s32 $0xFFFFD800  }
0x76: {  	_ =	sfence.sel $0x180000  }
0x77: {  	[bflag:$0x0] =	sbarrier.arrive $0xFFFF  }
0x78: {  	p0 =	sne.s32 s1, $0x0;
	_ =	strace $0x90000050  }
0x79: {  	s0 =	sadd.s32 @!p0 $0x100000, s0;
	[bflag:$0x2] =	sbarrier.arrive $0xFFFF  }
0x7a: {  	[sflag:s0] =	ssyncadd.tile.s32 @!p0 $0x1;
	_ =	shalt  }
.Lfunc_end2:
_tile_overlayer_lowered:
.L_overlay_start_2:
0x7b: {  	(tag) =	ssettag $0x2  }
0x7c: {  	s0 =	rddreg [dreg:$0x0];
	s2 =	stileid.u32  }
0x7d: {  	s1 =	rddreg [dreg:$0x1];
	p0 =	sne.s32 s2, $0x0  }
0x7e: {  	s3 =	rddreg [dreg:$0x2];
	[bflag:$0x3] =	sbarrier.arrive $0xFFFF;
	s2 =	simm.s32 @!p0 $0x1C03  }
0x7f: {  	[timem:s3], [sflag:s2] =	dma.local @!p0 [hbm:s0], s1  }
0x80: {  	s0 =	simm.s32 @!p0 $0x3  }
0x81: {  	_ =	swait.ge @!p0 [sflag:s0], s1  }
0x82: {  	s1 =	ssub.s32 @!p0 $0x0, s1;
	[sflag:s0] =	ssyncset.done @!p0 $0x0  }
0x83: {  	[sflag:s0] =	ssyncadd.s32 @!p0 s1  }
0x84: {  	[bflag:$0x3] =	sbarrier.arrive $0xFFFF  }
0x85: {  	_ =	shalt  }

</sc_bundles>
